<compile_context>
chip_gen: v7x
topology: tpu7x:2x2x1
jax: 0.10.2.dev20260603
libtpu: 0.0.44.dev20260713+nightly
codegen_flags: <defaults>
</compile_context>

<pallas_src>
import functools

import jax
import jax.numpy as jnp
from jax.experimental import pallas as pl
from jax.experimental.pallas import tpu as pltpu

N_NODES = 10000
WINDOW = 4
NTOT = N_NODES * WINDOW
IN_CH = 128
HID = 128
E = 600000

ROW_BLK = 2000
LSTM_BLK = 2000


def _dinv_blk(d0_ref, d1_ref):
    return jax.lax.rsqrt(1.0 + d0_ref[0, 0, :] + d1_ref[0, 0, :])


_DEG_SPEC = lambda: pl.BlockSpec((1, 1, ROW_BLK), lambda i: (i, 0, 0))



def _mm_scale_body(x_ref, w_ref, d0_ref, d1_ref, hh_ref):
    dinv = _dinv_blk(d0_ref, d1_ref)
    h = jnp.dot(x_ref[...], w_ref[...], preferred_element_type=jnp.float32)
    hh_ref[...] = h * dinv[:, None]


def _mm_scale(x, w, d0, d1):
    n = x.shape[0]
    grid = n // ROW_BLK
    return pl.pallas_call(
        _mm_scale_body,
        grid=(grid,),
        in_specs=[
            pl.BlockSpec((ROW_BLK, x.shape[1]), lambda i: (i, 0)),
            pl.BlockSpec((x.shape[1], w.shape[1]), lambda i: (0, 0)),
            _DEG_SPEC(),
            _DEG_SPEC(),
        ],
        out_specs=pl.BlockSpec((ROW_BLK, w.shape[1]), lambda i: (i, 0)),
        out_shape=jax.ShapeDtypeStruct((n, w.shape[1]), jnp.float32),
    )(x, w, d0, d1)



def _relu_stats_body(acc_ref, hh_ref, d0_ref, d1_ref, b_ref, r_ref, stats_ref):
    dinv = _dinv_blk(d0_ref, d1_ref)
    y = dinv[:, None] * (acc_ref[...] + hh_ref[...]) + b_ref[0, :][None, :]
    r = jnp.maximum(y, 0.0)
    r_ref[...] = r

    @pl.when(pl.program_id(0) == 0)
    def _():
        stats_ref[...] = jnp.zeros_like(stats_ref)

    s = jnp.sum(r, axis=0)
    sq = jnp.sum(r * r, axis=0)
    stats_ref[...] += jnp.stack([s, sq], axis=0)


def _relu_stats(acc, hh, d0, d1, b):
    n, d = acc.shape
    grid = n // ROW_BLK
    return pl.pallas_call(
        _relu_stats_body,
        grid=(grid,),
        in_specs=[
            pl.BlockSpec((ROW_BLK, d), lambda i: (i, 0)),
            pl.BlockSpec((ROW_BLK, d), lambda i: (i, 0)),
            _DEG_SPEC(),
            _DEG_SPEC(),
            pl.BlockSpec((1, d), lambda i: (0, 0)),
        ],
        out_specs=[
            pl.BlockSpec((ROW_BLK, d), lambda i: (i, 0)),
            pl.BlockSpec((2, d), lambda i: (0, 0)),
        ],
        out_shape=[
            jax.ShapeDtypeStruct((n, d), jnp.float32),
            jax.ShapeDtypeStruct((2, d), jnp.float32),
        ],
    )(acc, hh, d0, d1, b.reshape(1, d))



def _bn_mm_body(r_ref, sc_ref, sh_ref, w_ref, d0_ref, d1_ref, bn_ref, hh_ref):
    bn = r_ref[...] * sc_ref[0, :][None, :] + sh_ref[0, :][None, :]
    bn_ref[...] = bn
    dinv = _dinv_blk(d0_ref, d1_ref)
    h = jnp.dot(bn, w_ref[...], preferred_element_type=jnp.float32)
    hh_ref[...] = h * dinv[:, None]


def _bn_mm(r, scale, shift, w, d0, d1):
    n, d = r.shape
    grid = n // ROW_BLK
    return pl.pallas_call(
        _bn_mm_body,
        grid=(grid,),
        in_specs=[
            pl.BlockSpec((ROW_BLK, d), lambda i: (i, 0)),
            pl.BlockSpec((1, d), lambda i: (0, 0)),
            pl.BlockSpec((1, d), lambda i: (0, 0)),
            pl.BlockSpec((d, w.shape[1]), lambda i: (0, 0)),
            _DEG_SPEC(),
            _DEG_SPEC(),
        ],
        out_specs=[
            pl.BlockSpec((ROW_BLK, d), lambda i: (i, 0)),
            pl.BlockSpec((ROW_BLK, w.shape[1]), lambda i: (i, 0)),
        ],
        out_shape=[
            jax.ShapeDtypeStruct((n, d), jnp.float32),
            jax.ShapeDtypeStruct((n, w.shape[1]), jnp.float32),
        ],
    )(r, scale.reshape(1, d), shift.reshape(1, d), w, d0, d1)



def _lstm_body(bn1_ref, r2_ref, sc2_ref, sh2_ref, wia_ref, wib_ref, wh1_ref,
               wi2_ref, wh2_ref, b1_ref, b2_ref, hn1_ref, hn2_ref):
    nb = bn1_ref.shape[1]
    h1 = jnp.zeros((nb, HID), jnp.float32)
    c1 = jnp.zeros((nb, HID), jnp.float32)
    h2 = jnp.zeros((nb, HID), jnp.float32)
    c2 = jnp.zeros((nb, HID), jnp.float32)
    sc2 = sc2_ref[0, :][None, :]
    sh2 = sh2_ref[0, :][None, :]
    for t in range(WINDOW):
        xt1 = bn1_ref[t]
        xt2 = r2_ref[t] * sc2 + sh2
        g1 = (jnp.dot(xt1, wia_ref[...], preferred_element_type=jnp.float32)
              + jnp.dot(xt2, wib_ref[...], preferred_element_type=jnp.float32)
              + jnp.dot(h1, wh1_ref[...], preferred_element_type=jnp.float32)
              + b1_ref[0, :][None, :])
        i1 = jax.nn.sigmoid(g1[:, 0 * HID:1 * HID])
        f1 = jax.nn.sigmoid(g1[:, 1 * HID:2 * HID])
        gg1 = jnp.tanh(g1[:, 2 * HID:3 * HID])
        o1 = jax.nn.sigmoid(g1[:, 3 * HID:4 * HID])
        c1 = f1 * c1 + i1 * gg1
        h1 = o1 * jnp.tanh(c1)
        g2 = (jnp.dot(h1, wi2_ref[...], preferred_element_type=jnp.float32)
              + jnp.dot(h2, wh2_ref[...], preferred_element_type=jnp.float32)
              + b2_ref[0, :][None, :])
        i2 = jax.nn.sigmoid(g2[:, 0 * HID:1 * HID])
        f2 = jax.nn.sigmoid(g2[:, 1 * HID:2 * HID])
        gg2 = jnp.tanh(g2[:, 2 * HID:3 * HID])
        o2 = jax.nn.sigmoid(g2[:, 3 * HID:4 * HID])
        c2 = f2 * c2 + i2 * gg2
        h2 = o2 * jnp.tanh(c2)
    hn1_ref[...] = h1
    hn2_ref[...] = h2


def _lstm_fused(bn1, r2, scale2, shift2, Wih1, Whh1, bsum1, Wih2, Whh2, bsum2):
    bn1v = bn1.reshape(WINDOW, N_NODES, HID)
    r2v = r2.reshape(WINDOW, N_NODES, HID)
    wia = Wih1.T[:HID]
    wib = Wih1.T[HID:]
    wh1 = Whh1.T
    wi2 = Wih2.T
    wh2 = Whh2.T
    grid = N_NODES // LSTM_BLK
    return pl.pallas_call(
        _lstm_body,
        grid=(grid,),
        in_specs=[
            pl.BlockSpec((WINDOW, LSTM_BLK, HID), lambda i: (0, i, 0)),
            pl.BlockSpec((WINDOW, LSTM_BLK, HID), lambda i: (0, i, 0)),
            pl.BlockSpec((1, HID), lambda i: (0, 0)),
            pl.BlockSpec((1, HID), lambda i: (0, 0)),
            pl.BlockSpec((HID, 4 * HID), lambda i: (0, 0)),
            pl.BlockSpec((HID, 4 * HID), lambda i: (0, 0)),
            pl.BlockSpec((HID, 4 * HID), lambda i: (0, 0)),
            pl.BlockSpec((HID, 4 * HID), lambda i: (0, 0)),
            pl.BlockSpec((HID, 4 * HID), lambda i: (0, 0)),
            pl.BlockSpec((1, 4 * HID), lambda i: (0, 0)),
            pl.BlockSpec((1, 4 * HID), lambda i: (0, 0)),
        ],
        out_specs=[
            pl.BlockSpec((LSTM_BLK, HID), lambda i: (i, 0)),
            pl.BlockSpec((LSTM_BLK, HID), lambda i: (i, 0)),
        ],
        out_shape=[
            jax.ShapeDtypeStruct((N_NODES, HID), jnp.float32),
            jax.ShapeDtypeStruct((N_NODES, HID), jnp.float32),
        ],
    )(bn1v, r2v, scale2.reshape(1, HID), shift2.reshape(1, HID),
      wia, wib, wh1, wi2, wh2, bsum1.reshape(1, 4 * HID), bsum2.reshape(1, 4 * HID))



def _deg_partials(dst, ew):
    deg = jnp.zeros((NTOT,), jnp.float32).at[dst].add(ew)
    return deg, jnp.zeros_like(deg)


def _aggregate(hh, src, dst, ew):
    g = hh[src] * ew[:, None]
    return jnp.zeros((NTOT, HID), jnp.float32).at[dst].add(g)



def _bn_coeffs(stats, gamma, beta, n, eps=1e-5):
    mu = stats[0] / n
    var = stats[1] / n - mu * mu
    scale = gamma / jnp.sqrt(var + eps)
    shift = beta - mu * scale
    return scale, shift


def kernel(x, edge_index, edge_weight, W1, b1, W2, b2, gamma, beta,
           Wih1, Whh1, bih1, bhh1, Wih2, Whh2, bih2, bhh2):
    src = edge_index[0]
    dst = edge_index[1]

    dp0, dp1 = _deg_partials(dst, edge_weight)
    d0 = dp0.reshape(NTOT // ROW_BLK, 1, ROW_BLK)
    d1 = dp1.reshape(NTOT // ROW_BLK, 1, ROW_BLK)

    hh1 = _mm_scale(x, W1, d0, d1)
    acc1 = _aggregate(hh1, src, dst, edge_weight)
    r1, stats1 = _relu_stats(acc1, hh1, d0, d1, b1)
    scale1, shift1 = _bn_coeffs(stats1, gamma, beta, NTOT)

    bn1, hh2 = _bn_mm(r1, scale1, shift1, W2, d0, d1)
    acc2 = _aggregate(hh2, src, dst, edge_weight)
    r2, stats2 = _relu_stats(acc2, hh2, d0, d1, b2)
    scale2, shift2 = _bn_coeffs(stats2, gamma, beta, NTOT)

    hn1, hn2 = _lstm_fused(bn1, r2, scale2, shift2,
                           Wih1, Whh1, bih1 + bhh1, Wih2, Whh2, bih2 + bhh2)

    skip = jnp.concatenate(
        [x[:N_NODES]]
        + [x[l * N_NODES:(l + 1) * N_NODES, IN_CH - 1:IN_CH] for l in range(1, WINDOW)],
        axis=1)

    return jnp.concatenate([hn1, hn2, skip], axis=1)

# --- scband reference (transcript-rebuilt; emitter-appended) ---
"""Pipeline reference for scband-mpnn-lstm-28441273434617 (READ-ONLY COPY).

The authoritative reference and input builder live on the scoring server;
editing this copy changes nothing except your own understanding.
"""

import jax, jax.numpy as jnp
import numpy as np

N_NODES = 10000
WINDOW = 4
NTOT = N_NODES * WINDOW  # 40000
IN_CH = 128
HID = 128
E = 600000


def gcn_conv(x, W, b, src, dst, ew, n):
    h = x @ W
    loop = jnp.arange(n, dtype=src.dtype)
    src2 = jnp.concatenate([src, loop])
    dst2 = jnp.concatenate([dst, loop])
    ew2 = jnp.concatenate([ew, jnp.ones((n,), x.dtype)])
    deg = jnp.zeros((n,), x.dtype).at[dst2].add(ew2)
    dinv = jnp.where(deg > 0, jax.lax.rsqrt(jnp.maximum(deg, 1e-12)), 0.0)
    norm = dinv[src2] * ew2 * dinv[dst2]
    out = jnp.zeros((n, W.shape[1]), x.dtype).at[dst2].add(h[src2] * norm[:, None])
    return out + b


def batchnorm(x, gamma, beta, eps=1e-5):
    mu = x.mean(0)
    var = x.var(0)
    return (x - mu) / jnp.sqrt(var + eps) * gamma + beta


def lstm(seq, Wih, Whh, bih, bhh, hsize):
    B = seq.shape[1]
    h0 = jnp.zeros((B, hsize), seq.dtype)
    c0 = jnp.zeros((B, hsize), seq.dtype)
    def step(carry, xt):
        h, c = carry
        gates = xt @ Wih.T + h @ Whh.T + bih + bhh
        i, f, g, o = jnp.split(gates, 4, axis=-1)
        i = jax.nn.sigmoid(i); f = jax.nn.sigmoid(f)
        g = jnp.tanh(g); o = jax.nn.sigmoid(o)
        c = f * c + i * g
        h = o * jnp.tanh(c)
        return (h, c), h
    (hn, cn), ys = jax.lax.scan(step, (h0, c0), seq)
    return ys, hn


def setup_inputs(seed: int = 0):
    key = jax.random.key(seed)
    ks = jax.random.split(key, 20)
    s = 0.05
    inp = {}
    inp['x'] = jax.random.normal(ks[0], (NTOT, IN_CH), jnp.float32)
    inp['edge_index'] = jax.random.randint(ks[1], (2, E), 0, NTOT, dtype=jnp.int32)
    inp['edge_weight'] = jax.random.uniform(ks[2], (E,), jnp.float32)
    inp['W1'] = jax.random.normal(ks[3], (IN_CH, HID), jnp.float32) * s
    inp['b1'] = jnp.zeros((HID,), jnp.float32)
    inp['W2'] = jax.random.normal(ks[4], (HID, HID), jnp.float32) * s
    inp['b2'] = jnp.zeros((HID,), jnp.float32)
    inp['gamma'] = jnp.ones((HID,), jnp.float32)
    inp['beta'] = jnp.zeros((HID,), jnp.float32)
    inp['Wih1'] = jax.random.normal(ks[5], (4 * HID, 2 * HID), jnp.float32) * s
    inp['Whh1'] = jax.random.normal(ks[6], (4 * HID, HID), jnp.float32) * s
    inp['bih1'] = jnp.zeros((4 * HID,), jnp.float32)
    inp['bhh1'] = jnp.zeros((4 * HID,), jnp.float32)
    inp['Wih2'] = jax.random.normal(ks[7], (4 * HID, HID), jnp.float32) * s
    inp['Whh2'] = jax.random.normal(ks[8], (4 * HID, HID), jnp.float32) * s
    inp['bih2'] = jnp.zeros((4 * HID,), jnp.float32)
    inp['bhh2'] = jnp.zeros((4 * HID,), jnp.float32)
    return inp


def reference(x, edge_index, edge_weight, W1, b1, W2, b2, gamma, beta, Wih1, Whh1, bih1, bhh1, Wih2, Whh2, bih2, bhh2):
    src = edge_index[0]
    dst = edge_index[1]
    # skip connection: [B*window*n_nodes, in] -> per-node temporal slice
    skip = x.reshape(-1, WINDOW, N_NODES, IN_CH)
    skip = jnp.transpose(skip, (0, 2, 1, 3)).reshape(-1, WINDOW, IN_CH)
    overlap = [skip[:, 0, :]]
    for l in range(1, WINDOW):
        overlap.append(skip[:, l, IN_CH - 1][:, None])
    skip = jnp.concatenate(overlap, axis=1)
    # two GCN layers (note: original module reuses bn1 in both blocks; dropout is identity at eval)
    h1 = batchnorm(jax.nn.relu(gcn_conv(x, W1, b1, src, dst, edge_weight, NTOT)), gamma, beta)
    h2 = batchnorm(jax.nn.relu(gcn_conv(h1, W2, b2, src, dst, edge_weight, NTOT)), gamma, beta)
    xc = jnp.concatenate([h1, h2], axis=1)
    xc = xc.reshape(-1, WINDOW, N_NODES, 2 * HID)
    xc = jnp.transpose(xc, (1, 0, 2, 3)).reshape(WINDOW, -1, 2 * HID)
    ys1, hn1 = lstm(xc, Wih1, Whh1, bih1, bhh1, HID)
    ys2, hn2 = lstm(ys1, Wih2, Whh2, bih2, bhh2, HID)
    out = jnp.concatenate([hn1, hn2, skip], axis=1)
    return out

if __name__ == "__main__":
    import jax
    _d = setup_inputs()
    print(jax.jit(kernel)(*tuple(_d.values())))

</pallas_src>

<mosaic_0001>
module attributes {stable_mosaic.version = 14 : i64} {
  func.func @_mm_scale_body(%arg0: i32, %arg1: memref<2000x128xf32, #tpu.memory_space<vmem>>, %arg2: memref<128x128xf32, #tpu.memory_space<vmem>>, %arg3: memref<1x1x2000xf32, #tpu.memory_space<vmem>>, %arg4: memref<1x1x2000xf32, #tpu.memory_space<vmem>>, %arg5: memref<2000x128xf32, #tpu.memory_space<vmem>>) attributes {dimension_semantics = [#tpu.dimension_semantics<arbitrary>], iteration_bounds = array<i64: 20>, scalar_prefetch = 0 : i64, scratch_operands = 0 : i64, tpu.core_type = #tpu.core_type<tc>, window_params = [{transform_indices = @transform_0, window_bounds = array<i64: 2000, 128>}, {pipeline_mode = #tpu.pipeline_mode<synchronous>, transform_indices = @transform_1, window_bounds = array<i64: 128, 128>}, {transform_indices = @transform_2, window_bounds = array<i64: 1, 1, 2000>}, {transform_indices = @transform_3, window_bounds = array<i64: 1, 1, 2000>}, {transform_indices = @transform_4, window_bounds = array<i64: 2000, 128>}]} {
    %get3A = arith.constant 0 : index
    %get3A_0 = arith.constant 0 : index
    %get3A_1 = arith.constant 0 : index
    %get3A_2 = vector.load %arg3[%get3A, %get3A_0, %get3A_1] : memref<1x1x2000xf32, #tpu.memory_space<vmem>>, vector<1x1x2000xf32>
    %get3A_3 = vector.shape_cast %get3A_2 : vector<1x1x2000xf32> to vector<2000xf32>
    %add3A = arith.constant 1.000000e+00 : f32
    %add3A_4 = vector.broadcast %add3A : f32 to vector<2000xf32>
    %add3A_5 = arith.addf %add3A_4, %get3A_3 : vector<2000xf32>
    %get3A_6 = arith.constant 0 : index
    %get3A_7 = arith.constant 0 : index
    %get3A_8 = arith.constant 0 : index
    %get3A_9 = vector.load %arg4[%get3A_6, %get3A_7, %get3A_8] : memref<1x1x2000xf32, #tpu.memory_space<vmem>>, vector<1x1x2000xf32>
    %get3A_10 = vector.shape_cast %get3A_9 : vector<1x1x2000xf32> to vector<2000xf32>
    %add3A_11 = arith.addf %add3A_5, %get3A_10 : vector<2000xf32>
    %rsqrt3A = math.rsqrt %add3A_11 : vector<2000xf32>
    %get3A_12 = arith.constant 0 : index
    %get3A_13 = arith.constant 0 : index
    %get3A_14 = vector.load %arg1[%get3A_12, %get3A_13] : memref<2000x128xf32, #tpu.memory_space<vmem>>, vector<2000x128xf32>
    %get3A_15 = arith.constant 0 : index
    %get3A_16 = arith.constant 0 : index
    %get3A_17 = vector.load %arg2[%get3A_15, %get3A_16] : memref<128x128xf32, #tpu.memory_space<vmem>>, vector<128x128xf32>
    %dot_general3A = arith.constant dense<0.000000e+00> : vector<2000x128xf32>
    %dot_general3A_18 = tpu.matmul %get3A_14, %get3A_17, %dot_general3A {dimension_numbers = #tpu.dot_dimension_numbers<[1], [0], [0], [1], [0, 0, 1, 1], [], []>, transpose_lhs_hint = false} : vector<2000x128xf32>, vector<128x128xf32>, vector<2000x128xf32> -> vector<2000x128xf32>
    %broadcast_in_dim3A = vector.shape_cast %rsqrt3A : vector<2000xf32> to vector<2000x1xf32>
    %mul3A = vector.broadcast %broadcast_in_dim3A : vector<2000x1xf32> to vector<2000x128xf32>
    %mul3A_19 = arith.mulf %dot_general3A_18, %mul3A : vector<2000x128xf32>
    %swap3A = arith.constant 0 : index
    %swap3A_20 = arith.constant 0 : index
    %swap3A_21 = vector.load %arg5[%swap3A, %swap3A_20] : memref<2000x128xf32, #tpu.memory_space<vmem>>, vector<2000x128xf32>
    tpu.vector_store %arg5[%swap3A, %swap3A_20], %mul3A_19 {strides = array<i32>} : memref<2000x128xf32, #tpu.memory_space<vmem>>, vector<2000x128xf32>,
    return
  }
  func.func @transform_0(%arg0: i32) -> (i32, i32) {
    %c0_i32 = arith.constant 0 : i32
    %c0_i32_0 = arith.constant 0 : i32
    return %arg0, %c0_i32 : i32, i32
  }
  func.func @transform_1(%arg0: i32) -> (i32, i32) {
    %c0_i32 = arith.constant 0 : i32
    %c0_i32_0 = arith.constant 0 : i32
    %c0_i32_1 = arith.constant 0 : i32
    return %c0_i32, %c0_i32_0 : i32, i32
  }
  func.func @transform_2(%arg0: i32) -> (i32, i32, i32) {
    %c0_i32 = arith.constant 0 : i32
    %c0_i32_0 = arith.constant 0 : i32
    %c0_i32_1 = arith.constant 0 : i32
    return %arg0, %c0_i32, %c0_i32_0 : i32, i32, i32
  }
  func.func @transform_3(%arg0: i32) -> (i32, i32, i32) {
    %c0_i32 = arith.constant 0 : i32
    %c0_i32_0 = arith.constant 0 : i32
    %c0_i32_1 = arith.constant 0 : i32
    return %arg0, %c0_i32, %c0_i32_0 : i32, i32, i32
  }
  func.func @transform_4(%arg0: i32) -> (i32, i32) {
    %c0_i32 = arith.constant 0 : i32
    %c0_i32_0 = arith.constant 0 : i32
    return %arg0, %c0_i32 : i32, i32
  }
}

module attributes {stable_mosaic.version = 14 : i64} {
  func.func @_relu_stats_body(%arg0: i32, %arg1: memref<2000x128xf32, #tpu.memory_space<vmem>>, %arg2: memref<2000x128xf32, #tpu.memory_space<vmem>>, %arg3: memref<1x1x2000xf32, #tpu.memory_space<vmem>>, %arg4: memref<1x1x2000xf32, #tpu.memory_space<vmem>>, %arg5: memref<1x128xf32, #tpu.memory_space<vmem>>, %arg6: memref<2000x128xf32, #tpu.memory_space<vmem>>, %arg7: memref<2x128xf32, #tpu.memory_space<vmem>>) attributes {dimension_semantics = [#tpu.dimension_semantics<arbitrary>], iteration_bounds = array<i64: 20>, scalar_prefetch = 0 : i64, scratch_operands = 0 : i64, tpu.core_type = #tpu.core_type<tc>, window_params = [{transform_indices = @transform_0, window_bounds = array<i64: 2000, 128>}, {transform_indices = @transform_1, window_bounds = array<i64: 2000, 128>}, {transform_indices = @transform_2, window_bounds = array<i64: 1, 1, 2000>}, {transform_indices = @transform_3, window_bounds = array<i64: 1, 1, 2000>}, {pipeline_mode = #tpu.pipeline_mode<synchronous>, transform_indices = @transform_4, window_bounds = array<i64: 1, 128>}, {transform_indices = @transform_5, window_bounds = array<i64: 2000, 128>}, {pipeline_mode = #tpu.pipeline_mode<synchronous>, transform_indices = @transform_6, window_bounds = array<i64: 2, 128>}]} {
    %get3A = arith.constant 0 : index
    %get3A_0 = arith.constant 0 : index
    %get3A_1 = arith.constant 0 : index
    %get3A_2 = vector.load %arg3[%get3A, %get3A_0, %get3A_1] : memref<1x1x2000xf32, #tpu.memory_space<vmem>>, vector<1x1x2000xf32>
    %get3A_3 = vector.shape_cast %get3A_2 : vector<1x1x2000xf32> to vector<2000xf32>
    %add3A = arith.constant 1.000000e+00 : f32
    %add3A_4 = vector.broadcast %add3A : f32 to vector<2000xf32>
    %add3A_5 = arith.addf %add3A_4, %get3A_3 : vector<2000xf32>
    %get3A_6 = arith.constant 0 : index
    %get3A_7 = arith.constant 0 : index
    %get3A_8 = arith.constant 0 : index
    %get3A_9 = vector.load %arg4[%get3A_6, %get3A_7, %get3A_8] : memref<1x1x2000xf32, #tpu.memory_space<vmem>>, vector<1x1x2000xf32>
    %get3A_10 = vector.shape_cast %get3A_9 : vector<1x1x2000xf32> to vector<2000xf32>
    %add3A_11 = arith.addf %add3A_5, %get3A_10 : vector<2000xf32>
    %rsqrt3A = math.rsqrt %add3A_11 : vector<2000xf32>
    %broadcast_in_dim3A = vector.shape_cast %rsqrt3A : vector<2000xf32> to vector<2000x1xf32>
    %get3A_12 = arith.constant 0 : index
    %get3A_13 = arith.constant 0 : index
    %get3A_14 = vector.load %arg1[%get3A_12, %get3A_13] : memref<2000x128xf32, #tpu.memory_space<vmem>>, vector<2000x128xf32>
    %get3A_15 = arith.constant 0 : index
    %get3A_16 = arith.constant 0 : index
    %get3A_17 = vector.load %arg2[%get3A_15, %get3A_16] : memref<2000x128xf32, #tpu.memory_space<vmem>>, vector<2000x128xf32>
    %add3A_18 = arith.addf %get3A_14, %get3A_17 : vector<2000x128xf32>
    %mul3A = vector.broadcast %broadcast_in_dim3A : vector<2000x1xf32> to vector<2000x128xf32>
    %mul3A_19 = arith.mulf %mul3A, %add3A_18 : vector<2000x128xf32>
    %get3A_20 = arith.constant 0 : index
    %get3A_21 = arith.constant 0 : index
    %get3A_22 = vector.load %arg5[%get3A_20, %get3A_21] : memref<1x128xf32, #tpu.memory_space<vmem>>, vector<1x128xf32>
    %get3A_23 = vector.shape_cast %get3A_22 : vector<1x128xf32> to vector<128xf32>
    %broadcast_in_dim3A_24 = vector.shape_cast %get3A_23 : vector<128xf32> to vector<1x128xf32>
    %add3A_25 = vector.broadcast %broadcast_in_dim3A_24 : vector<1x128xf32> to vector<2000x128xf32>
    %add3A_26 = arith.addf %mul3A_19, %add3A_25 : vector<2000x128xf32>
    %max3A = arith.constant 0.000000e+00 : f32
    %max3A_27 = vector.broadcast %max3A : f32 to vector<2000x128xf32>
    %max3A_28 = arith.maximumf %add3A_26, %max3A_27 : vector<2000x128xf32>
    %swap3A = arith.constant 0 : index
    %swap3A_29 = arith.constant 0 : index
    %swap3A_30 = vector.load %arg6[%swap3A, %swap3A_29] : memref<2000x128xf32, #tpu.memory_space<vmem>>, vector<2000x128xf32>
    tpu.vector_store %arg6[%swap3A, %swap3A_29], %max3A_28 {strides = array<i32>} : memref<2000x128xf32, #tpu.memory_space<vmem>>, vector<2000x128xf32>,
    %eq3A = arith.constant 0 : i32
    %eq3A_31 = arith.cmpi eq, %arg0, %eq3A : i32
    %convert_element_type3A = arith.extui %eq3A_31 : i1 to i32
    %cond3A = arith.constant 0 : i32
    %cond3A_32 = arith.cmpi ne, %convert_element_type3A, %cond3A : i32
    scf.if %cond3A_32 {
      %broadcast_in_dim3A_46 = arith.constant 0.000000e+00 : f32
      %broadcast_in_dim3A_47 = vector.broadcast %broadcast_in_dim3A_46 : f32 to vector<2x128xf32>
      %swap3A_48 = arith.constant 0 : index
      %swap3A_49 = arith.constant 0 : index
      %swap3A_50 = vector.load %arg7[%swap3A_48, %swap3A_49] : memref<2x128xf32, #tpu.memory_space<vmem>>, vector<2x128xf32>
      tpu.vector_store %arg7[%swap3A_48, %swap3A_49], %broadcast_in_dim3A_47 {strides = array<i32>} : memref<2x128xf32, #tpu.memory_space<vmem>>, vector<2x128xf32>,
    } else {
    }
    %reduce_sum3A = arith.constant dense<0.000000e+00> : vector<128xf32>
    %reduce_sum3A_33 = vector.multi_reduction <add>, %max3A_28, %reduce_sum3A [0] : vector<2000x128xf32> to vector<128xf32>
    %mul3A_34 = arith.mulf %max3A_28, %max3A_28 : vector<2000x128xf32>
    %reduce_sum3A_35 = arith.constant dense<0.000000e+00> : vector<128xf32>
    %reduce_sum3A_36 = vector.multi_reduction <add>, %mul3A_34, %reduce_sum3A_35 [0] : vector<2000x128xf32> to vector<128xf32>
    %get3A_37 = arith.constant 0 : index
    %get3A_38 = arith.constant 0 : index
    %get3A_39 = vector.load %arg7[%get3A_37, %get3A_38] : memref<2x128xf32, #tpu.memory_space<vmem>>, vector<2x128xf32>
    %stack3A = vector.shape_cast %reduce_sum3A_33 : vector<128xf32> to vector<1x128xf32>
    %stack3A_40 = vector.shape_cast %reduce_sum3A_36 : vector<128xf32> to vector<1x128xf32>
    %stack3A_41 = tpu.concatenate %stack3A, %stack3A_40 in 0 : vector<1x128xf32>, vector<1x128xf32> -> vector<2x128xf32>
    %add3A_42 = arith.addf %get3A_39, %stack3A_41 : vector<2x128xf32>
    %swap3A_43 = arith.constant 0 : index
    %swap3A_44 = arith.constant 0 : index
    %swap3A_45 = vector.load %arg7[%swap3A_43, %swap3A_44] : memref<2x128xf32, #tpu.memory_space<vmem>>, vector<2x128xf32>
    tpu.vector_store %arg7[%swap3A_43, %swap3A_44], %add3A_42 {strides = array<i32>} : memref<2x128xf32, #tpu.memory_space<vmem>>, vector<2x128xf32>,
    return
  }
  func.func @transform_0(%arg0: i32) -> (i32, i32) {
    %c0_i32 = arith.constant 0 : i32
    %c0_i32_0 = arith.constant 0 : i32
    return %arg0, %c0_i32 : i32, i32
  }
  func.func @transform_1(%arg0: i32) -> (i32, i32) {
    %c0_i32 = arith.constant 0 : i32
    %c0_i32_0 = arith.constant 0 : i32
    return %arg0, %c0_i32 : i32, i32
  }
  func.func @transform_2(%arg0: i32) -> (i32, i32, i32) {
    %c0_i32 = arith.constant 0 : i32
    %c0_i32_0 = arith.constant 0 : i32
    %c0_i32_1 = arith.constant 0 : i32
    return %arg0, %c0_i32, %c0_i32_0 : i32, i32, i32
  }
  func.func @transform_3(%arg0: i32) -> (i32, i32, i32) {
    %c0_i32 = arith.constant 0 : i32
    %c0_i32_0 = arith.constant 0 : i32
    %c0_i32_1 = arith.constant 0 : i32
    return %arg0, %c0_i32, %c0_i32_0 : i32, i32, i32
  }
  func.func @transform_4(%arg0: i32) -> (i32, i32) {
    %c0_i32 = arith.constant 0 : i32
    %c0_i32_0 = arith.constant 0 : i32
    %c0_i32_1 = arith.constant 0 : i32
    return %c0_i32, %c0_i32_0 : i32, i32
  }
  func.func @transform_5(%arg0: i32) -> (i32, i32) {
    %c0_i32 = arith.constant 0 : i32
    %c0_i32_0 = arith.constant 0 : i32
    return %arg0, %c0_i32 : i32, i32
  }
  func.func @transform_6(%arg0: i32) -> (i32, i32) {
    %c0_i32 = arith.constant 0 : i32
    %c0_i32_0 = arith.constant 0 : i32
    %c0_i32_1 = arith.constant 0 : i32
    return %c0_i32, %c0_i32_0 : i32, i32
  }
}

module attributes {stable_mosaic.version = 14 : i64} {
  func.func @_bn_mm_body(%arg0: i32, %arg1: memref<2000x128xf32, #tpu.memory_space<vmem>>, %arg2: memref<1x128xf32, #tpu.memory_space<vmem>>, %arg3: memref<1x128xf32, #tpu.memory_space<vmem>>, %arg4: memref<128x128xf32, #tpu.memory_space<vmem>>, %arg5: memref<1x1x2000xf32, #tpu.memory_space<vmem>>, %arg6: memref<1x1x2000xf32, #tpu.memory_space<vmem>>, %arg7: memref<2000x128xf32, #tpu.memory_space<vmem>>, %arg8: memref<2000x128xf32, #tpu.memory_space<vmem>>) attributes {dimension_semantics = [#tpu.dimension_semantics<arbitrary>], iteration_bounds = array<i64: 20>, scalar_prefetch = 0 : i64, scratch_operands = 0 : i64, tpu.core_type = #tpu.core_type<tc>, window_params = [{transform_indices = @transform_0, window_bounds = array<i64: 2000, 128>}, {pipeline_mode = #tpu.pipeline_mode<synchronous>, transform_indices = @transform_1, window_bounds = array<i64: 1, 128>}, {pipeline_mode = #tpu.pipeline_mode<synchronous>, transform_indices = @transform_2, window_bounds = array<i64: 1, 128>}, {pipeline_mode = #tpu.pipeline_mode<synchronous>, transform_indices = @transform_3, window_bounds = array<i64: 128, 128>}, {transform_indices = @transform_4, window_bounds = array<i64: 1, 1, 2000>}, {transform_indices = @transform_5, window_bounds = array<i64: 1, 1, 2000>}, {transform_indices = @transform_6, window_bounds = array<i64: 2000, 128>}, {transform_indices = @transform_7, window_bounds = array<i64: 2000, 128>}]} {
    %get3A = arith.constant 0 : index
    %get3A_0 = arith.constant 0 : index
    %get3A_1 = vector.load %arg1[%get3A, %get3A_0] : memref<2000x128xf32, #tpu.memory_space<vmem>>, vector<2000x128xf32>
    %get3A_2 = arith.constant 0 : index
    %get3A_3 = arith.constant 0 : index
    %get3A_4 = vector.load %arg2[%get3A_2, %get3A_3] : memref<1x128xf32, #tpu.memory_space<vmem>>, vector<1x128xf32>
    %get3A_5 = vector.shape_cast %get3A_4 : vector<1x128xf32> to vector<128xf32>
    %broadcast_in_dim3A = vector.shape_cast %get3A_5 : vector<128xf32> to vector<1x128xf32>
    %mul3A = vector.broadcast %broadcast_in_dim3A : vector<1x128xf32> to vector<2000x128xf32>
    %mul3A_6 = arith.mulf %get3A_1, %mul3A : vector<2000x128xf32>
    %get3A_7 = arith.constant 0 : index
    %get3A_8 = arith.constant 0 : index
    %get3A_9 = vector.load %arg3[%get3A_7, %get3A_8] : memref<1x128xf32, #tpu.memory_space<vmem>>, vector<1x128xf32>
    %get3A_10 = vector.shape_cast %get3A_9 : vector<1x128xf32> to vector<128xf32>
    %broadcast_in_dim3A_11 = vector.shape_cast %get3A_10 : vector<128xf32> to vector<1x128xf32>
    %add3A = vector.broadcast %broadcast_in_dim3A_11 : vector<1x128xf32> to vector<2000x128xf32>
    %add3A_12 = arith.addf %mul3A_6, %add3A : vector<2000x128xf32>
    %swap3A = arith.constant 0 : index
    %swap3A_13 = arith.constant 0 : index
    %swap3A_14 = vector.load %arg7[%swap3A, %swap3A_13] : memref<2000x128xf32, #tpu.memory_space<vmem>>, vector<2000x128xf32>
    tpu.vector_store %arg7[%swap3A, %swap3A_13], %add3A_12 {strides = array<i32>} : memref<2000x128xf32, #tpu.memory_space<vmem>>, vector<2000x128xf32>,
    %get3A_15 = arith.constant 0 : index
    %get3A_16 = arith.constant 0 : index
    %get3A_17 = arith.constant 0 : index
    %get3A_18 = vector.load %arg5[%get3A_15, %get3A_16, %get3A_17] : memref<1x1x2000xf32, #tpu.memory_space<vmem>>, vector<1x1x2000xf32>
    %get3A_19 = vector.shape_cast %get3A_18 : vector<1x1x2000xf32> to vector<2000xf32>
    %add3A_20 = arith.constant 1.000000e+00 : f32
    %add3A_21 = vector.broadcast %add3A_20 : f32 to vector<2000xf32>
    %add3A_22 = arith.addf %add3A_21, %get3A_19 : vector<2000xf32>
    %get3A_23 = arith.constant 0 : index
    %get3A_24 = arith.constant 0 : index
    %get3A_25 = arith.constant 0 : index
    %get3A_26 = vector.load %arg6[%get3A_23, %get3A_24, %get3A_25] : memref<1x1x2000xf32, #tpu.memory_space<vmem>>, vector<1x1x2000xf32>
    %get3A_27 = vector.shape_cast %get3A_26 : vector<1x1x2000xf32> to vector<2000xf32>
    %add3A_28 = arith.addf %add3A_22, %get3A_27 : vector<2000xf32>
    %rsqrt3A = math.rsqrt %add3A_28 : vector<2000xf32>
    %get3A_29 = arith.constant 0 : index
    %get3A_30 = arith.constant 0 : index
    %get3A_31 = vector.load %arg4[%get3A_29, %get3A_30] : memref<128x128xf32, #tpu.memory_space<vmem>>, vector<128x128xf32>
    %dot_general3A = arith.constant dense<0.000000e+00> : vector<2000x128xf32>
    %dot_general3A_32 = tpu.matmul %add3A_12, %get3A_31, %dot_general3A {dimension_numbers = #tpu.dot_dimension_numbers<[1], [0], [0], [1], [0, 0, 1, 1], [], []>, transpose_lhs_hint = false} : vector<2000x128xf32>, vector<128x128xf32>, vector<2000x128xf32> -> vector<2000x128xf32>
    %broadcast_in_dim3A_33 = vector.shape_cast %rsqrt3A : vector<2000xf32> to vector<2000x1xf32>
    %mul3A_34 = vector.broadcast %broadcast_in_dim3A_33 : vector<2000x1xf32> to vector<2000x128xf32>
    %mul3A_35 = arith.mulf %dot_general3A_32, %mul3A_34 : vector<2000x128xf32>
    %swap3A_36 = arith.constant 0 : index
    %swap3A_37 = arith.constant 0 : index
    %swap3A_38 = vector.load %arg8[%swap3A_36, %swap3A_37] : memref<2000x128xf32, #tpu.memory_space<vmem>>, vector<2000x128xf32>
    tpu.vector_store %arg8[%swap3A_36, %swap3A_37], %mul3A_35 {strides = array<i32>} : memref<2000x128xf32, #tpu.memory_space<vmem>>, vector<2000x128xf32>,
    return
  }
  func.func @transform_0(%arg0: i32) -> (i32, i32) {
    %c0_i32 = arith.constant 0 : i32
    %c0_i32_0 = arith.constant 0 : i32
    return %arg0, %c0_i32 : i32, i32
  }
  func.func @transform_1(%arg0: i32) -> (i32, i32) {
    %c0_i32 = arith.constant 0 : i32
    %c0_i32_0 = arith.constant 0 : i32
    %c0_i32_1 = arith.constant 0 : i32
    return %c0_i32, %c0_i32_0 : i32, i32
  }
  func.func @transform_2(%arg0: i32) -> (i32, i32) {
    %c0_i32 = arith.constant 0 : i32
    %c0_i32_0 = arith.constant 0 : i32
    %c0_i32_1 = arith.constant 0 : i32
    return %c0_i32, %c0_i32_0 : i32, i32
  }
  func.func @transform_3(%arg0: i32) -> (i32, i32) {
    %c0_i32 = arith.constant 0 : i32
    %c0_i32_0 = arith.constant 0 : i32
    %c0_i32_1 = arith.constant 0 : i32
    return %c0_i32, %c0_i32_0 : i32, i32
  }
  func.func @transform_4(%arg0: i32) -> (i32, i32, i32) {
    %c0_i32 = arith.constant 0 : i32
    %c0_i32_0 = arith.constant 0 : i32
    %c0_i32_1 = arith.constant 0 : i32
    return %arg0, %c0_i32, %c0_i32_0 : i32, i32, i32
  }
  func.func @transform_5(%arg0: i32) -> (i32, i32, i32) {
    %c0_i32 = arith.constant 0 : i32
    %c0_i32_0 = arith.constant 0 : i32
    %c0_i32_1 = arith.constant 0 : i32
    return %arg0, %c0_i32, %c0_i32_0 : i32, i32, i32
  }
  func.func @transform_6(%arg0: i32) -> (i32, i32) {
    %c0_i32 = arith.constant 0 : i32
    %c0_i32_0 = arith.constant 0 : i32
    return %arg0, %c0_i32 : i32, i32
  }
  func.func @transform_7(%arg0: i32) -> (i32, i32) {
    %c0_i32 = arith.constant 0 : i32
    %c0_i32_0 = arith.constant 0 : i32
    return %arg0, %c0_i32 : i32, i32
  }
}

module attributes {stable_mosaic.version = 14 : i64} {
  func.func @_lstm_body(%arg0: i32, %arg1: memref<4x2000x128xf32, #tpu.memory_space<vmem>>, %arg2: memref<4x2000x128xf32, #tpu.memory_space<vmem>>, %arg3: memref<1x128xf32, #tpu.memory_space<vmem>>, %arg4: memref<1x128xf32, #tpu.memory_space<vmem>>, %arg5: memref<128x512xf32, #tpu.memory_space<vmem>>, %arg6: memref<128x512xf32, #tpu.memory_space<vmem>>, %arg7: memref<128x512xf32, #tpu.memory_space<vmem>>, %arg8: memref<128x512xf32, #tpu.memory_space<vmem>>, %arg9: memref<128x512xf32, #tpu.memory_space<vmem>>, %arg10: memref<1x512xf32, #tpu.memory_space<vmem>>, %arg11: memref<1x512xf32, #tpu.memory_space<vmem>>, %arg12: memref<2000x128xf32, #tpu.memory_space<vmem>>, %arg13: memref<2000x128xf32, #tpu.memory_space<vmem>>) attributes {dimension_semantics = [#tpu.dimension_semantics<arbitrary>], iteration_bounds = array<i64: 5>, scalar_prefetch = 0 : i64, scratch_operands = 0 : i64, tpu.core_type = #tpu.core_type<tc>, window_params = [{transform_indices = @transform_0, window_bounds = array<i64: 4, 2000, 128>}, {transform_indices = @transform_1, window_bounds = array<i64: 4, 2000, 128>}, {pipeline_mode = #tpu.pipeline_mode<synchronous>, transform_indices = @transform_2, window_bounds = array<i64: 1, 128>}, {pipeline_mode = #tpu.pipeline_mode<synchronous>, transform_indices = @transform_3, window_bounds = array<i64: 1, 128>}, {pipeline_mode = #tpu.pipeline_mode<synchronous>, transform_indices = @transform_4, window_bounds = array<i64: 128, 512>}, {pipeline_mode = #tpu.pipeline_mode<synchronous>, transform_indices = @transform_5, window_bounds = array<i64: 128, 512>}, {pipeline_mode = #tpu.pipeline_mode<synchronous>, transform_indices = @transform_6, window_bounds = array<i64: 128, 512>}, {pipeline_mode = #tpu.pipeline_mode<synchronous>, transform_indices = @transform_7, window_bounds = array<i64: 128, 512>}, {pipeline_mode = #tpu.pipeline_mode<synchronous>, transform_indices = @transform_8, window_bounds = array<i64: 128, 512>}, {pipeline_mode = #tpu.pipeline_mode<synchronous>, transform_indices = @transform_9, window_bounds = array<i64: 1, 512>}, {pipeline_mode = #tpu.pipeline_mode<synchronous>, transform_indices = @transform_10, window_bounds = array<i64: 1, 512>}, {transform_indices = @transform_11, window_bounds = array<i64: 2000, 128>}, {transform_indices = @transform_12, window_bounds = array<i64: 2000, 128>}]} {
    %broadcast_in_dim3A = arith.constant 0.000000e+00 : f32
    %broadcast_in_dim3A_0 = vector.broadcast %broadcast_in_dim3A : f32 to vector<2000x128xf32>
    %broadcast_in_dim3A_1 = arith.constant 0.000000e+00 : f32
    %broadcast_in_dim3A_2 = vector.broadcast %broadcast_in_dim3A_1 : f32 to vector<2000x128xf32>
    %broadcast_in_dim3A_3 = arith.constant 0.000000e+00 : f32
    %broadcast_in_dim3A_4 = vector.broadcast %broadcast_in_dim3A_3 : f32 to vector<2000x128xf32>
    %broadcast_in_dim3A_5 = arith.constant 0.000000e+00 : f32
    %broadcast_in_dim3A_6 = vector.broadcast %broadcast_in_dim3A_5 : f32 to vector<2000x128xf32>
    %get3A = arith.constant 0 : index
    %get3A_7 = arith.constant 0 : index
    %get3A_8 = vector.load %arg3[%get3A, %get3A_7] : memref<1x128xf32, #tpu.memory_space<vmem>>, vector<1x128xf32>
    %get3A_9 = vector.shape_cast %get3A_8 : vector<1x128xf32> to vector<128xf32>
    %broadcast_in_dim3A_10 = vector.shape_cast %get3A_9 : vector<128xf32> to vector<1x128xf32>
    %get3A_11 = arith.constant 0 : index
    %get3A_12 = arith.constant 0 : index
    %get3A_13 = vector.load %arg4[%get3A_11, %get3A_12] : memref<1x128xf32, #tpu.memory_space<vmem>>, vector<1x128xf32>
    %get3A_14 = vector.shape_cast %get3A_13 : vector<1x128xf32> to vector<128xf32>
    %broadcast_in_dim3A_15 = vector.shape_cast %get3A_14 : vector<128xf32> to vector<1x128xf32>
    %get3A_16 = arith.constant 0 : index
    %get3A_17 = arith.constant 0 : index
    %get3A_18 = arith.constant 0 : index
    %get3A_19 = vector.load %arg1[%get3A_16, %get3A_17, %get3A_18] : memref<4x2000x128xf32, #tpu.memory_space<vmem>>, vector<1x2000x128xf32>
    %get3A_20 = vector.shape_cast %get3A_19 : vector<1x2000x128xf32> to vector<2000x128xf32>
    %get3A_21 = arith.constant 0 : index
    %get3A_22 = arith.constant 0 : index
    %get3A_23 = arith.constant 0 : index
    %get3A_24 = vector.load %arg2[%get3A_21, %get3A_22, %get3A_23] : memref<4x2000x128xf32, #tpu.memory_space<vmem>>, vector<1x2000x128xf32>
    %get3A_25 = vector.shape_cast %get3A_24 : vector<1x2000x128xf32> to vector<2000x128xf32>
    %mul3A = vector.broadcast %broadcast_in_dim3A_10 : vector<1x128xf32> to vector<2000x128xf32>
    %mul3A_26 = arith.mulf %get3A_25, %mul3A : vector<2000x128xf32>
    %add3A = vector.broadcast %broadcast_in_dim3A_15 : vector<1x128xf32> to vector<2000x128xf32>
    %add3A_27 = arith.addf %mul3A_26, %add3A : vector<2000x128xf32>
    %get3A_28 = arith.constant 0 : index
    %get3A_29 = arith.constant 0 : index
    %get3A_30 = vector.load %arg5[%get3A_28, %get3A_29] : memref<128x512xf32, #tpu.memory_space<vmem>>, vector<128x512xf32>
    %dot_general3A = arith.constant dense<0.000000e+00> : vector<2000x512xf32>
    %dot_general3A_31 = tpu.matmul %get3A_20, %get3A_30, %dot_general3A {dimension_numbers = #tpu.dot_dimension_numbers<[1], [0], [0], [1], [0, 0, 1, 1], [], []>, transpose_lhs_hint = false} : vector<2000x128xf32>, vector<128x512xf32>, vector<2000x512xf32> -> vector<2000x512xf32>
    %get3A_32 = arith.constant 0 : index
    %get3A_33 = arith.constant 0 : index
    %get3A_34 = vector.load %arg6[%get3A_32, %get3A_33] : memref<128x512xf32, #tpu.memory_space<vmem>>, vector<128x512xf32>
    %dot_general3A_35 = arith.constant dense<0.000000e+00> : vector<2000x512xf32>
    %dot_general3A_36 = tpu.matmul %add3A_27, %get3A_34, %dot_general3A_35 {dimension_numbers = #tpu.dot_dimension_numbers<[1], [0], [0], [1], [0, 0, 1, 1], [], []>, transpose_lhs_hint = false} : vector<2000x128xf32>, vector<128x512xf32>, vector<2000x512xf32> -> vector<2000x512xf32>
    %add3A_37 = arith.addf %dot_general3A_31, %dot_general3A_36 : vector<2000x512xf32>
    %get3A_38 = arith.constant 0 : index
    %get3A_39 = arith.constant 0 : index
    %get3A_40 = vector.load %arg7[%get3A_38, %get3A_39] : memref<128x512xf32, #tpu.memory_space<vmem>>, vector<128x512xf32>
    %dot_general3A_41 = arith.constant dense<0.000000e+00> : vector<2000x512xf32>
    %dot_general3A_42 = tpu.matmul %broadcast_in_dim3A_0, %get3A_40, %dot_general3A_41 {dimension_numbers = #tpu.dot_dimension_numbers<[1], [0], [0], [1], [0, 0, 1, 1], [], []>, transpose_lhs_hint = false} : vector<2000x128xf32>, vector<128x512xf32>, vector<2000x512xf32> -> vector<2000x512xf32>
    %add3A_43 = arith.addf %add3A_37, %dot_general3A_42 : vector<2000x512xf32>
    %get3A_44 = arith.constant 0 : index
    %get3A_45 = arith.constant 0 : index
    %get3A_46 = vector.load %arg10[%get3A_44, %get3A_45] : memref<1x512xf32, #tpu.memory_space<vmem>>, vector<1x512xf32>
    %get3A_47 = vector.shape_cast %get3A_46 : vector<1x512xf32> to vector<512xf32>
    %broadcast_in_dim3A_48 = vector.shape_cast %get3A_47 : vector<512xf32> to vector<1x512xf32>
    %add3A_49 = vector.broadcast %broadcast_in_dim3A_48 : vector<1x512xf32> to vector<2000x512xf32>
    %add3A_50 = arith.addf %add3A_43, %add3A_49 : vector<2000x512xf32>
    %slice3A = vector.extract_strided_slice %add3A_50 {offsets = [0, 0], sizes = [2000, 128], strides = [1, 1]} : vector<2000x512xf32> to vector<2000x128xf32>
    %logistic3A = arith.negf %slice3A : vector<2000x128xf32>
    %logistic3A_51 = math.exp %logistic3A : vector<2000x128xf32>
    %logistic3A_52 = arith.constant 1.000000e+00 : f32
    %logistic3A_53 = vector.broadcast %logistic3A_52 : f32 to vector<2000x128xf32>
    %logistic3A_54 = arith.addf %logistic3A_53, %logistic3A_51 : vector<2000x128xf32>
    %logistic3A_55 = arith.divf %logistic3A_53, %logistic3A_54 : vector<2000x128xf32>
    %slice3A_56 = vector.extract_strided_slice %add3A_50 {offsets = [0, 128], sizes = [2000, 128], strides = [1, 1]} : vector<2000x512xf32> to vector<2000x128xf32>
    %logistic3A_57 = arith.negf %slice3A_56 : vector<2000x128xf32>
    %logistic3A_58 = math.exp %logistic3A_57 : vector<2000x128xf32>
    %logistic3A_59 = arith.constant 1.000000e+00 : f32
    %logistic3A_60 = vector.broadcast %logistic3A_59 : f32 to vector<2000x128xf32>
    %logistic3A_61 = arith.addf %logistic3A_60, %logistic3A_58 : vector<2000x128xf32>
    %logistic3A_62 = arith.divf %logistic3A_60, %logistic3A_61 : vector<2000x128xf32>
    %slice3A_63 = vector.extract_strided_slice %add3A_50 {offsets = [0, 256], sizes = [2000, 128], strides = [1, 1]} : vector<2000x512xf32> to vector<2000x128xf32>
    %tanh3A = math.tanh %slice3A_63 : vector<2000x128xf32>
    %slice3A_64 = vector.extract_strided_slice %add3A_50 {offsets = [0, 384], sizes = [2000, 128], strides = [1, 1]} : vector<2000x512xf32> to vector<2000x128xf32>
    %logistic3A_65 = arith.negf %slice3A_64 : vector<2000x128xf32>
    %logistic3A_66 = math.exp %logistic3A_65 : vector<2000x128xf32>
    %logistic3A_67 = arith.constant 1.000000e+00 : f32
    %logistic3A_68 = vector.broadcast %logistic3A_67 : f32 to vector<2000x128xf32>
    %logistic3A_69 = arith.addf %logistic3A_68, %logistic3A_66 : vector<2000x128xf32>
    %logistic3A_70 = arith.divf %logistic3A_68, %logistic3A_69 : vector<2000x128xf32>
    %mul3A_71 = arith.mulf %logistic3A_62, %broadcast_in_dim3A_2 : vector<2000x128xf32>
    %mul3A_72 = arith.mulf %logistic3A_55, %tanh3A : vector<2000x128xf32>
    %add3A_73 = arith.addf %mul3A_71, %mul3A_72 : vector<2000x128xf32>
    %tanh3A_74 = math.tanh %add3A_73 : vector<2000x128xf32>
    %mul3A_75 = arith.mulf %logistic3A_70, %tanh3A_74 : vector<2000x128xf32>
    %get3A_76 = arith.constant 0 : index
    %get3A_77 = arith.constant 0 : index
    %get3A_78 = vector.load %arg8[%get3A_76, %get3A_77] : memref<128x512xf32, #tpu.memory_space<vmem>>, vector<128x512xf32>
    %dot_general3A_79 = arith.constant dense<0.000000e+00> : vector<2000x512xf32>
    %dot_general3A_80 = tpu.matmul %mul3A_75, %get3A_78, %dot_general3A_79 {dimension_numbers = #tpu.dot_dimension_numbers<[1], [0], [0], [1], [0, 0, 1, 1], [], []>, transpose_lhs_hint = false} : vector<2000x128xf32>, vector<128x512xf32>, vector<2000x512xf32> -> vector<2000x512xf32>
    %get3A_81 = arith.constant 0 : index
    %get3A_82 = arith.constant 0 : index
    %get3A_83 = vector.load %arg9[%get3A_81, %get3A_82] : memref<128x512xf32, #tpu.memory_space<vmem>>, vector<128x512xf32>
    %dot_general3A_84 = arith.constant dense<0.000000e+00> : vector<2000x512xf32>
    %dot_general3A_85 = tpu.matmul %broadcast_in_dim3A_4, %get3A_83, %dot_general3A_84 {dimension_numbers = #tpu.dot_dimension_numbers<[1], [0], [0], [1], [0, 0, 1, 1], [], []>, transpose_lhs_hint = false} : vector<2000x128xf32>, vector<128x512xf32>, vector<2000x512xf32> -> vector<2000x512xf32>
    %add3A_86 = arith.addf %dot_general3A_80, %dot_general3A_85 : vector<2000x512xf32>
    %get3A_87 = arith.constant 0 : index
    %get3A_88 = arith.constant 0 : index
    %get3A_89 = vector.load %arg11[%get3A_87, %get3A_88] : memref<1x512xf32, #tpu.memory_space<vmem>>, vector<1x512xf32>
    %get3A_90 = vector.shape_cast %get3A_89 : vector<1x512xf32> to vector<512xf32>
    %broadcast_in_dim3A_91 = vector.shape_cast %get3A_90 : vector<512xf32> to vector<1x512xf32>
    %add3A_92 = vector.broadcast %broadcast_in_dim3A_91 : vector<1x512xf32> to vector<2000x512xf32>
    %add3A_93 = arith.addf %add3A_86, %add3A_92 : vector<2000x512xf32>
    %slice3A_94 = vector.extract_strided_slice %add3A_93 {offsets = [0, 0], sizes = [2000, 128], strides = [1, 1]} : vector<2000x512xf32> to vector<2000x128xf32>
    %logistic3A_95 = arith.negf %slice3A_94 : vector<2000x128xf32>
    %logistic3A_96 = math.exp %logistic3A_95 : vector<2000x128xf32>
    %logistic3A_97 = arith.constant 1.000000e+00 : f32
    %logistic3A_98 = vector.broadcast %logistic3A_97 : f32 to vector<2000x128xf32>
    %logistic3A_99 = arith.addf %logistic3A_98, %logistic3A_96 : vector<2000x128xf32>
    %logistic3A_100 = arith.divf %logistic3A_98, %logistic3A_99 : vector<2000x128xf32>
    %slice3A_101 = vector.extract_strided_slice %add3A_93 {offsets = [0, 128], sizes = [2000, 128], strides = [1, 1]} : vector<2000x512xf32> to vector<2000x128xf32>
    %logistic3A_102 = arith.negf %slice3A_101 : vector<2000x128xf32>
    %logistic3A_103 = math.exp %logistic3A_102 : vector<2000x128xf32>
    %logistic3A_104 = arith.constant 1.000000e+00 : f32
    %logistic3A_105 = vector.broadcast %logistic3A_104 : f32 to vector<2000x128xf32>
    %logistic3A_106 = arith.addf %logistic3A_105, %logistic3A_103 : vector<2000x128xf32>
    %logistic3A_107 = arith.divf %logistic3A_105, %logistic3A_106 : vector<2000x128xf32>
    %slice3A_108 = vector.extract_strided_slice %add3A_93 {offsets = [0, 256], sizes = [2000, 128], strides = [1, 1]} : vector<2000x512xf32> to vector<2000x128xf32>
    %tanh3A_109 = math.tanh %slice3A_108 : vector<2000x128xf32>
    %slice3A_110 = vector.extract_strided_slice %add3A_93 {offsets = [0, 384], sizes = [2000, 128], strides = [1, 1]} : vector<2000x512xf32> to vector<2000x128xf32>
    %logistic3A_111 = arith.negf %slice3A_110 : vector<2000x128xf32>
    %logistic3A_112 = math.exp %logistic3A_111 : vector<2000x128xf32>
    %logistic3A_113 = arith.constant 1.000000e+00 : f32
    %logistic3A_114 = vector.broadcast %logistic3A_113 : f32 to vector<2000x128xf32>
    %logistic3A_115 = arith.addf %logistic3A_114, %logistic3A_112 : vector<2000x128xf32>
    %logistic3A_116 = arith.divf %logistic3A_114, %logistic3A_115 : vector<2000x128xf32>
    %mul3A_117 = arith.mulf %logistic3A_107, %broadcast_in_dim3A_6 : vector<2000x128xf32>
    %mul3A_118 = arith.mulf %logistic3A_100, %tanh3A_109 : vector<2000x128xf32>
    %add3A_119 = arith.addf %mul3A_117, %mul3A_118 : vector<2000x128xf32>
    %tanh3A_120 = math.tanh %add3A_119 : vector<2000x128xf32>
    %mul3A_121 = arith.mulf %logistic3A_116, %tanh3A_120 : vector<2000x128xf32>
    %get3A_122 = arith.constant 1 : index
    %get3A_123 = arith.constant 0 : index
    %get3A_124 = arith.constant 0 : index
    %get3A_125 = vector.load %arg1[%get3A_122, %get3A_123, %get3A_124] : memref<4x2000x128xf32, #tpu.memory_space<vmem>>, vector<1x2000x128xf32>
    %get3A_126 = vector.shape_cast %get3A_125 : vector<1x2000x128xf32> to vector<2000x128xf32>
    %get3A_127 = arith.constant 1 : index
    %get3A_128 = arith.constant 0 : index
    %get3A_129 = arith.constant 0 : index
    %get3A_130 = vector.load %arg2[%get3A_127, %get3A_128, %get3A_129] : memref<4x2000x128xf32, #tpu.memory_space<vmem>>, vector<1x2000x128xf32>
    %get3A_131 = vector.shape_cast %get3A_130 : vector<1x2000x128xf32> to vector<2000x128xf32>
    %mul3A_132 = vector.broadcast %broadcast_in_dim3A_10 : vector<1x128xf32> to vector<2000x128xf32>
    %mul3A_133 = arith.mulf %get3A_131, %mul3A_132 : vector<2000x128xf32>
    %add3A_134 = vector.broadcast %broadcast_in_dim3A_15 : vector<1x128xf32> to vector<2000x128xf32>
    %add3A_135 = arith.addf %mul3A_133, %add3A_134 : vector<2000x128xf32>
    %get3A_136 = arith.constant 0 : index
    %get3A_137 = arith.constant 0 : index
    %get3A_138 = vector.load %arg5[%get3A_136, %get3A_137] : memref<128x512xf32, #tpu.memory_space<vmem>>, vector<128x512xf32>
    %dot_general3A_139 = arith.constant dense<0.000000e+00> : vector<2000x512xf32>
    %dot_general3A_140 = tpu.matmul %get3A_126, %get3A_138, %dot_general3A_139 {dimension_numbers = #tpu.dot_dimension_numbers<[1], [0], [0], [1], [0, 0, 1, 1], [], []>, transpose_lhs_hint = false} : vector<2000x128xf32>, vector<128x512xf32>, vector<2000x512xf32> -> vector<2000x512xf32>
    %get3A_141 = arith.constant 0 : index
    %get3A_142 = arith.constant 0 : index
    %get3A_143 = vector.load %arg6[%get3A_141, %get3A_142] : memref<128x512xf32, #tpu.memory_space<vmem>>, vector<128x512xf32>
    %dot_general3A_144 = arith.constant dense<0.000000e+00> : vector<2000x512xf32>
    %dot_general3A_145 = tpu.matmul %add3A_135, %get3A_143, %dot_general3A_144 {dimension_numbers = #tpu.dot_dimension_numbers<[1], [0], [0], [1], [0, 0, 1, 1], [], []>, transpose_lhs_hint = false} : vector<2000x128xf32>, vector<128x512xf32>, vector<2000x512xf32> -> vector<2000x512xf32>
    %add3A_146 = arith.addf %dot_general3A_140, %dot_general3A_145 : vector<2000x512xf32>
    %get3A_147 = arith.constant 0 : index
    %get3A_148 = arith.constant 0 : index
    %get3A_149 = vector.load %arg7[%get3A_147, %get3A_148] : memref<128x512xf32, #tpu.memory_space<vmem>>, vector<128x512xf32>
    %dot_general3A_150 = arith.constant dense<0.000000e+00> : vector<2000x512xf32>
    %dot_general3A_151 = tpu.matmul %mul3A_75, %get3A_149, %dot_general3A_150 {dimension_numbers = #tpu.dot_dimension_numbers<[1], [0], [0], [1], [0, 0, 1, 1], [], []>, transpose_lhs_hint = false} : vector<2000x128xf32>, vector<128x512xf32>, vector<2000x512xf32> -> vector<2000x512xf32>
    %add3A_152 = arith.addf %add3A_146, %dot_general3A_151 : vector<2000x512xf32>
    %get3A_153 = arith.constant 0 : index
    %get3A_154 = arith.constant 0 : index
    %get3A_155 = vector.load %arg10[%get3A_153, %get3A_154] : memref<1x512xf32, #tpu.memory_space<vmem>>, vector<1x512xf32>
    %get3A_156 = vector.shape_cast %get3A_155 : vector<1x512xf32> to vector<512xf32>
    %broadcast_in_dim3A_157 = vector.shape_cast %get3A_156 : vector<512xf32> to vector<1x512xf32>
    %add3A_158 = vector.broadcast %broadcast_in_dim3A_157 : vector<1x512xf32> to vector<2000x512xf32>
    %add3A_159 = arith.addf %add3A_152, %add3A_158 : vector<2000x512xf32>
    %slice3A_160 = vector.extract_strided_slice %add3A_159 {offsets = [0, 0], sizes = [2000, 128], strides = [1, 1]} : vector<2000x512xf32> to vector<2000x128xf32>
    %logistic3A_161 = arith.negf %slice3A_160 : vector<2000x128xf32>
    %logistic3A_162 = math.exp %logistic3A_161 : vector<2000x128xf32>
    %logistic3A_163 = arith.constant 1.000000e+00 : f32
    %logistic3A_164 = vector.broadcast %logistic3A_163 : f32 to vector<2000x128xf32>
    %logistic3A_165 = arith.addf %logistic3A_164, %logistic3A_162 : vector<2000x128xf32>
    %logistic3A_166 = arith.divf %logistic3A_164, %logistic3A_165 : vector<2000x128xf32>
    %slice3A_167 = vector.extract_strided_slice %add3A_159 {offsets = [0, 128], sizes = [2000, 128], strides = [1, 1]} : vector<2000x512xf32> to vector<2000x128xf32>
    %logistic3A_168 = arith.negf %slice3A_167 : vector<2000x128xf32>
    %logistic3A_169 = math.exp %logistic3A_168 : vector<2000x128xf32>
    %logistic3A_170 = arith.constant 1.000000e+00 : f32
    %logistic3A_171 = vector.broadcast %logistic3A_170 : f32 to vector<2000x128xf32>
    %logistic3A_172 = arith.addf %logistic3A_171, %logistic3A_169 : vector<2000x128xf32>
    %logistic3A_173 = arith.divf %logistic3A_171, %logistic3A_172 : vector<2000x128xf32>
    %slice3A_174 = vector.extract_strided_slice %add3A_159 {offsets = [0, 256], sizes = [2000, 128], strides = [1, 1]} : vector<2000x512xf32> to vector<2000x128xf32>
    %tanh3A_175 = math.tanh %slice3A_174 : vector<2000x128xf32>
    %slice3A_176 = vector.extract_strided_slice %add3A_159 {offsets = [0, 384], sizes = [2000, 128], strides = [1, 1]} : vector<2000x512xf32> to vector<2000x128xf32>
    %logistic3A_177 = arith.negf %slice3A_176 : vector<2000x128xf32>
    %logistic3A_178 = math.exp %logistic3A_177 : vector<2000x128xf32>
    %logistic3A_179 = arith.constant 1.000000e+00 : f32
    %logistic3A_180 = vector.broadcast %logistic3A_179 : f32 to vector<2000x128xf32>
    %logistic3A_181 = arith.addf %logistic3A_180, %logistic3A_178 : vector<2000x128xf32>
    %logistic3A_182 = arith.divf %logistic3A_180, %logistic3A_181 : vector<2000x128xf32>
    %mul3A_183 = arith.mulf %logistic3A_173, %add3A_73 : vector<2000x128xf32>
    %mul3A_184 = arith.mulf %logistic3A_166, %tanh3A_175 : vector<2000x128xf32>
    %add3A_185 = arith.addf %mul3A_183, %mul3A_184 : vector<2000x128xf32>
    %tanh3A_186 = math.tanh %add3A_185 : vector<2000x128xf32>
    %mul3A_187 = arith.mulf %logistic3A_182, %tanh3A_186 : vector<2000x128xf32>
    %get3A_188 = arith.constant 0 : index
    %get3A_189 = arith.constant 0 : index
    %get3A_190 = vector.load %arg8[%get3A_188, %get3A_189] : memref<128x512xf32, #tpu.memory_space<vmem>>, vector<128x512xf32>
    %dot_general3A_191 = arith.constant dense<0.000000e+00> : vector<2000x512xf32>
    %dot_general3A_192 = tpu.matmul %mul3A_187, %get3A_190, %dot_general3A_191 {dimension_numbers = #tpu.dot_dimension_numbers<[1], [0], [0], [1], [0, 0, 1, 1], [], []>, transpose_lhs_hint = false} : vector<2000x128xf32>, vector<128x512xf32>, vector<2000x512xf32> -> vector<2000x512xf32>
    %get3A_193 = arith.constant 0 : index
    %get3A_194 = arith.constant 0 : index
    %get3A_195 = vector.load %arg9[%get3A_193, %get3A_194] : memref<128x512xf32, #tpu.memory_space<vmem>>, vector<128x512xf32>
    %dot_general3A_196 = arith.constant dense<0.000000e+00> : vector<2000x512xf32>
    %dot_general3A_197 = tpu.matmul %mul3A_121, %get3A_195, %dot_general3A_196 {dimension_numbers = #tpu.dot_dimension_numbers<[1], [0], [0], [1], [0, 0, 1, 1], [], []>, transpose_lhs_hint = false} : vector<2000x128xf32>, vector<128x512xf32>, vector<2000x512xf32> -> vector<2000x512xf32>
    %add3A_198 = arith.addf %dot_general3A_192, %dot_general3A_197 : vector<2000x512xf32>
    %get3A_199 = arith.constant 0 : index
    %get3A_200 = arith.constant 0 : index
    %get3A_201 = vector.load %arg11[%get3A_199, %get3A_200] : memref<1x512xf32, #tpu.memory_space<vmem>>, vector<1x512xf32>
    %get3A_202 = vector.shape_cast %get3A_201 : vector<1x512xf32> to vector<512xf32>
    %broadcast_in_dim3A_203 = vector.shape_cast %get3A_202 : vector<512xf32> to vector<1x512xf32>
    %add3A_204 = vector.broadcast %broadcast_in_dim3A_203 : vector<1x512xf32> to vector<2000x512xf32>
    %add3A_205 = arith.addf %add3A_198, %add3A_204 : vector<2000x512xf32>
    %slice3A_206 = vector.extract_strided_slice %add3A_205 {offsets = [0, 0], sizes = [2000, 128], strides = [1, 1]} : vector<2000x512xf32> to vector<2000x128xf32>
    %logistic3A_207 = arith.negf %slice3A_206 : vector<2000x128xf32>
    %logistic3A_208 = math.exp %logistic3A_207 : vector<2000x128xf32>
    %logistic3A_209 = arith.constant 1.000000e+00 : f32
    %logistic3A_210 = vector.broadcast %logistic3A_209 : f32 to vector<2000x128xf32>
    %logistic3A_211 = arith.addf %logistic3A_210, %logistic3A_208 : vector<2000x128xf32>
    %logistic3A_212 = arith.divf %logistic3A_210, %logistic3A_211 : vector<2000x128xf32>
    %slice3A_213 = vector.extract_strided_slice %add3A_205 {offsets = [0, 128], sizes = [2000, 128], strides = [1, 1]} : vector<2000x512xf32> to vector<2000x128xf32>
    %logistic3A_214 = arith.negf %slice3A_213 : vector<2000x128xf32>
    %logistic3A_215 = math.exp %logistic3A_214 : vector<2000x128xf32>
    %logistic3A_216 = arith.constant 1.000000e+00 : f32
    %logistic3A_217 = vector.broadcast %logistic3A_216 : f32 to vector<2000x128xf32>
    %logistic3A_218 = arith.addf %logistic3A_217, %logistic3A_215 : vector<2000x128xf32>
    %logistic3A_219 = arith.divf %logistic3A_217, %logistic3A_218 : vector<2000x128xf32>
    %slice3A_220 = vector.extract_strided_slice %add3A_205 {offsets = [0, 256], sizes = [2000, 128], strides = [1, 1]} : vector<2000x512xf32> to vector<2000x128xf32>
    %tanh3A_221 = math.tanh %slice3A_220 : vector<2000x128xf32>
    %slice3A_222 = vector.extract_strided_slice %add3A_205 {offsets = [0, 384], sizes = [2000, 128], strides = [1, 1]} : vector<2000x512xf32> to vector<2000x128xf32>
    %logistic3A_223 = arith.negf %slice3A_222 : vector<2000x128xf32>
    %logistic3A_224 = math.exp %logistic3A_223 : vector<2000x128xf32>
    %logistic3A_225 = arith.constant 1.000000e+00 : f32
    %logistic3A_226 = vector.broadcast %logistic3A_225 : f32 to vector<2000x128xf32>
    %logistic3A_227 = arith.addf %logistic3A_226, %logistic3A_224 : vector<2000x128xf32>
    %logistic3A_228 = arith.divf %logistic3A_226, %logistic3A_227 : vector<2000x128xf32>
    %mul3A_229 = arith.mulf %logistic3A_219, %add3A_119 : vector<2000x128xf32>
    %mul3A_230 = arith.mulf %logistic3A_212, %tanh3A_221 : vector<2000x128xf32>
    %add3A_231 = arith.addf %mul3A_229, %mul3A_230 : vector<2000x128xf32>
    %tanh3A_232 = math.tanh %add3A_231 : vector<2000x128xf32>
    %mul3A_233 = arith.mulf %logistic3A_228, %tanh3A_232 : vector<2000x128xf32>
    %get3A_234 = arith.constant 2 : index
    %get3A_235 = arith.constant 0 : index
    %get3A_236 = arith.constant 0 : index
    %get3A_237 = vector.load %arg1[%get3A_234, %get3A_235, %get3A_236] : memref<4x2000x128xf32, #tpu.memory_space<vmem>>, vector<1x2000x128xf32>
    %get3A_238 = vector.shape_cast %get3A_237 : vector<1x2000x128xf32> to vector<2000x128xf32>
    %get3A_239 = arith.constant 2 : index
    %get3A_240 = arith.constant 0 : index
    %get3A_241 = arith.constant 0 : index
    %get3A_242 = vector.load %arg2[%get3A_239, %get3A_240, %get3A_241] : memref<4x2000x128xf32, #tpu.memory_space<vmem>>, vector<1x2000x128xf32>
    %get3A_243 = vector.shape_cast %get3A_242 : vector<1x2000x128xf32> to vector<2000x128xf32>
    %mul3A_244 = vector.broadcast %broadcast_in_dim3A_10 : vector<1x128xf32> to vector<2000x128xf32>
    %mul3A_245 = arith.mulf %get3A_243, %mul3A_244 : vector<2000x128xf32>
    %add3A_246 = vector.broadcast %broadcast_in_dim3A_15 : vector<1x128xf32> to vector<2000x128xf32>
    %add3A_247 = arith.addf %mul3A_245, %add3A_246 : vector<2000x128xf32>
    %get3A_248 = arith.constant 0 : index
    %get3A_249 = arith.constant 0 : index
    %get3A_250 = vector.load %arg5[%get3A_248, %get3A_249] : memref<128x512xf32, #tpu.memory_space<vmem>>, vector<128x512xf32>
    %dot_general3A_251 = arith.constant dense<0.000000e+00> : vector<2000x512xf32>
    %dot_general3A_252 = tpu.matmul %get3A_238, %get3A_250, %dot_general3A_251 {dimension_numbers = #tpu.dot_dimension_numbers<[1], [0], [0], [1], [0, 0, 1, 1], [], []>, transpose_lhs_hint = false} : vector<2000x128xf32>, vector<128x512xf32>, vector<2000x512xf32> -> vector<2000x512xf32>
    %get3A_253 = arith.constant 0 : index
    %get3A_254 = arith.constant 0 : index
    %get3A_255 = vector.load %arg6[%get3A_253, %get3A_254] : memref<128x512xf32, #tpu.memory_space<vmem>>, vector<128x512xf32>
    %dot_general3A_256 = arith.constant dense<0.000000e+00> : vector<2000x512xf32>
    %dot_general3A_257 = tpu.matmul %add3A_247, %get3A_255, %dot_general3A_256 {dimension_numbers = #tpu.dot_dimension_numbers<[1], [0], [0], [1], [0, 0, 1, 1], [], []>, transpose_lhs_hint = false} : vector<2000x128xf32>, vector<128x512xf32>, vector<2000x512xf32> -> vector<2000x512xf32>
    %add3A_258 = arith.addf %dot_general3A_252, %dot_general3A_257 : vector<2000x512xf32>
    %get3A_259 = arith.constant 0 : index
    %get3A_260 = arith.constant 0 : index
    %get3A_261 = vector.load %arg7[%get3A_259, %get3A_260] : memref<128x512xf32, #tpu.memory_space<vmem>>, vector<128x512xf32>
    %dot_general3A_262 = arith.constant dense<0.000000e+00> : vector<2000x512xf32>
    %dot_general3A_263 = tpu.matmul %mul3A_187, %get3A_261, %dot_general3A_262 {dimension_numbers = #tpu.dot_dimension_numbers<[1], [0], [0], [1], [0, 0, 1, 1], [], []>, transpose_lhs_hint = false} : vector<2000x128xf32>, vector<128x512xf32>, vector<2000x512xf32> -> vector<2000x512xf32>
    %add3A_264 = arith.addf %add3A_258, %dot_general3A_263 : vector<2000x512xf32>
    %get3A_265 = arith.constant 0 : index
    %get3A_266 = arith.constant 0 : index
    %get3A_267 = vector.load %arg10[%get3A_265, %get3A_266] : memref<1x512xf32, #tpu.memory_space<vmem>>, vector<1x512xf32>
    %get3A_268 = vector.shape_cast %get3A_267 : vector<1x512xf32> to vector<512xf32>
    %broadcast_in_dim3A_269 = vector.shape_cast %get3A_268 : vector<512xf32> to vector<1x512xf32>
    %add3A_270 = vector.broadcast %broadcast_in_dim3A_269 : vector<1x512xf32> to vector<2000x512xf32>
    %add3A_271 = arith.addf %add3A_264, %add3A_270 : vector<2000x512xf32>
    %slice3A_272 = vector.extract_strided_slice %add3A_271 {offsets = [0, 0], sizes = [2000, 128], strides = [1, 1]} : vector<2000x512xf32> to vector<2000x128xf32>
    %logistic3A_273 = arith.negf %slice3A_272 : vector<2000x128xf32>
    %logistic3A_274 = math.exp %logistic3A_273 : vector<2000x128xf32>
    %logistic3A_275 = arith.constant 1.000000e+00 : f32
    %logistic3A_276 = vector.broadcast %logistic3A_275 : f32 to vector<2000x128xf32>
    %logistic3A_277 = arith.addf %logistic3A_276, %logistic3A_274 : vector<2000x128xf32>
    %logistic3A_278 = arith.divf %logistic3A_276, %logistic3A_277 : vector<2000x128xf32>
    %slice3A_279 = vector.extract_strided_slice %add3A_271 {offsets = [0, 128], sizes = [2000, 128], strides = [1, 1]} : vector<2000x512xf32> to vector<2000x128xf32>
    %logistic3A_280 = arith.negf %slice3A_279 : vector<2000x128xf32>
    %logistic3A_281 = math.exp %logistic3A_280 : vector<2000x128xf32>
    %logistic3A_282 = arith.constant 1.000000e+00 : f32
    %logistic3A_283 = vector.broadcast %logistic3A_282 : f32 to vector<2000x128xf32>
    %logistic3A_284 = arith.addf %logistic3A_283, %logistic3A_281 : vector<2000x128xf32>
    %logistic3A_285 = arith.divf %logistic3A_283, %logistic3A_284 : vector<2000x128xf32>
    %slice3A_286 = vector.extract_strided_slice %add3A_271 {offsets = [0, 256], sizes = [2000, 128], strides = [1, 1]} : vector<2000x512xf32> to vector<2000x128xf32>
    %tanh3A_287 = math.tanh %slice3A_286 : vector<2000x128xf32>
    %slice3A_288 = vector.extract_strided_slice %add3A_271 {offsets = [0, 384], sizes = [2000, 128], strides = [1, 1]} : vector<2000x512xf32> to vector<2000x128xf32>
    %logistic3A_289 = arith.negf %slice3A_288 : vector<2000x128xf32>
    %logistic3A_290 = math.exp %logistic3A_289 : vector<2000x128xf32>
    %logistic3A_291 = arith.constant 1.000000e+00 : f32
    %logistic3A_292 = vector.broadcast %logistic3A_291 : f32 to vector<2000x128xf32>
    %logistic3A_293 = arith.addf %logistic3A_292, %logistic3A_290 : vector<2000x128xf32>
    %logistic3A_294 = arith.divf %logistic3A_292, %logistic3A_293 : vector<2000x128xf32>
    %mul3A_295 = arith.mulf %logistic3A_285, %add3A_185 : vector<2000x128xf32>
    %mul3A_296 = arith.mulf %logistic3A_278, %tanh3A_287 : vector<2000x128xf32>
    %add3A_297 = arith.addf %mul3A_295, %mul3A_296 : vector<2000x128xf32>
    %tanh3A_298 = math.tanh %add3A_297 : vector<2000x128xf32>
    %mul3A_299 = arith.mulf %logistic3A_294, %tanh3A_298 : vector<2000x128xf32>
    %get3A_300 = arith.constant 0 : index
    %get3A_301 = arith.constant 0 : index
    %get3A_302 = vector.load %arg8[%get3A_300, %get3A_301] : memref<128x512xf32, #tpu.memory_space<vmem>>, vector<128x512xf32>
    %dot_general3A_303 = arith.constant dense<0.000000e+00> : vector<2000x512xf32>
    %dot_general3A_304 = tpu.matmul %mul3A_299, %get3A_302, %dot_general3A_303 {dimension_numbers = #tpu.dot_dimension_numbers<[1], [0], [0], [1], [0, 0, 1, 1], [], []>, transpose_lhs_hint = false} : vector<2000x128xf32>, vector<128x512xf32>, vector<2000x512xf32> -> vector<2000x512xf32>
    %get3A_305 = arith.constant 0 : index
    %get3A_306 = arith.constant 0 : index
    %get3A_307 = vector.load %arg9[%get3A_305, %get3A_306] : memref<128x512xf32, #tpu.memory_space<vmem>>, vector<128x512xf32>
    %dot_general3A_308 = arith.constant dense<0.000000e+00> : vector<2000x512xf32>
    %dot_general3A_309 = tpu.matmul %mul3A_233, %get3A_307, %dot_general3A_308 {dimension_numbers = #tpu.dot_dimension_numbers<[1], [0], [0], [1], [0, 0, 1, 1], [], []>, transpose_lhs_hint = false} : vector<2000x128xf32>, vector<128x512xf32>, vector<2000x512xf32> -> vector<2000x512xf32>
    %add3A_310 = arith.addf %dot_general3A_304, %dot_general3A_309 : vector<2000x512xf32>
    %get3A_311 = arith.constant 0 : index
    %get3A_312 = arith.constant 0 : index
    %get3A_313 = vector.load %arg11[%get3A_311, %get3A_312] : memref<1x512xf32, #tpu.memory_space<vmem>>, vector<1x512xf32>
    %get3A_314 = vector.shape_cast %get3A_313 : vector<1x512xf32> to vector<512xf32>
    %broadcast_in_dim3A_315 = vector.shape_cast %get3A_314 : vector<512xf32> to vector<1x512xf32>
    %add3A_316 = vector.broadcast %broadcast_in_dim3A_315 : vector<1x512xf32> to vector<2000x512xf32>
    %add3A_317 = arith.addf %add3A_310, %add3A_316 : vector<2000x512xf32>
    %slice3A_318 = vector.extract_strided_slice %add3A_317 {offsets = [0, 0], sizes = [2000, 128], strides = [1, 1]} : vector<2000x512xf32> to vector<2000x128xf32>
    %logistic3A_319 = arith.negf %slice3A_318 : vector<2000x128xf32>
    %logistic3A_320 = math.exp %logistic3A_319 : vector<2000x128xf32>
    %logistic3A_321 = arith.constant 1.000000e+00 : f32
    %logistic3A_322 = vector.broadcast %logistic3A_321 : f32 to vector<2000x128xf32>
    %logistic3A_323 = arith.addf %logistic3A_322, %logistic3A_320 : vector<2000x128xf32>
    %logistic3A_324 = arith.divf %logistic3A_322, %logistic3A_323 : vector<2000x128xf32>
    %slice3A_325 = vector.extract_strided_slice %add3A_317 {offsets = [0, 128], sizes = [2000, 128], strides = [1, 1]} : vector<2000x512xf32> to vector<2000x128xf32>
    %logistic3A_326 = arith.negf %slice3A_325 : vector<2000x128xf32>
    %logistic3A_327 = math.exp %logistic3A_326 : vector<2000x128xf32>
    %logistic3A_328 = arith.constant 1.000000e+00 : f32
    %logistic3A_329 = vector.broadcast %logistic3A_328 : f32 to vector<2000x128xf32>
    %logistic3A_330 = arith.addf %logistic3A_329, %logistic3A_327 : vector<2000x128xf32>
    %logistic3A_331 = arith.divf %logistic3A_329, %logistic3A_330 : vector<2000x128xf32>
    %slice3A_332 = vector.extract_strided_slice %add3A_317 {offsets = [0, 256], sizes = [2000, 128], strides = [1, 1]} : vector<2000x512xf32> to vector<2000x128xf32>
    %tanh3A_333 = math.tanh %slice3A_332 : vector<2000x128xf32>
    %slice3A_334 = vector.extract_strided_slice %add3A_317 {offsets = [0, 384], sizes = [2000, 128], strides = [1, 1]} : vector<2000x512xf32> to vector<2000x128xf32>
    %logistic3A_335 = arith.negf %slice3A_334 : vector<2000x128xf32>
    %logistic3A_336 = math.exp %logistic3A_335 : vector<2000x128xf32>
    %logistic3A_337 = arith.constant 1.000000e+00 : f32
    %logistic3A_338 = vector.broadcast %logistic3A_337 : f32 to vector<2000x128xf32>
    %logistic3A_339 = arith.addf %logistic3A_338, %logistic3A_336 : vector<2000x128xf32>
    %logistic3A_340 = arith.divf %logistic3A_338, %logistic3A_339 : vector<2000x128xf32>
    %mul3A_341 = arith.mulf %logistic3A_331, %add3A_231 : vector<2000x128xf32>
    %mul3A_342 = arith.mulf %logistic3A_324, %tanh3A_333 : vector<2000x128xf32>
    %add3A_343 = arith.addf %mul3A_341, %mul3A_342 : vector<2000x128xf32>
    %tanh3A_344 = math.tanh %add3A_343 : vector<2000x128xf32>
    %mul3A_345 = arith.mulf %logistic3A_340, %tanh3A_344 : vector<2000x128xf32>
    %get3A_346 = arith.constant 3 : index
    %get3A_347 = arith.constant 0 : index
    %get3A_348 = arith.constant 0 : index
    %get3A_349 = vector.load %arg1[%get3A_346, %get3A_347, %get3A_348] : memref<4x2000x128xf32, #tpu.memory_space<vmem>>, vector<1x2000x128xf32>
    %get3A_350 = vector.shape_cast %get3A_349 : vector<1x2000x128xf32> to vector<2000x128xf32>
    %get3A_351 = arith.constant 3 : index
    %get3A_352 = arith.constant 0 : index
    %get3A_353 = arith.constant 0 : index
    %get3A_354 = vector.load %arg2[%get3A_351, %get3A_352, %get3A_353] : memref<4x2000x128xf32, #tpu.memory_space<vmem>>, vector<1x2000x128xf32>
    %get3A_355 = vector.shape_cast %get3A_354 : vector<1x2000x128xf32> to vector<2000x128xf32>
    %mul3A_356 = vector.broadcast %broadcast_in_dim3A_10 : vector<1x128xf32> to vector<2000x128xf32>
    %mul3A_357 = arith.mulf %get3A_355, %mul3A_356 : vector<2000x128xf32>
    %add3A_358 = vector.broadcast %broadcast_in_dim3A_15 : vector<1x128xf32> to vector<2000x128xf32>
    %add3A_359 = arith.addf %mul3A_357, %add3A_358 : vector<2000x128xf32>
    %get3A_360 = arith.constant 0 : index
    %get3A_361 = arith.constant 0 : index
    %get3A_362 = vector.load %arg5[%get3A_360, %get3A_361] : memref<128x512xf32, #tpu.memory_space<vmem>>, vector<128x512xf32>
    %dot_general3A_363 = arith.constant dense<0.000000e+00> : vector<2000x512xf32>
    %dot_general3A_364 = tpu.matmul %get3A_350, %get3A_362, %dot_general3A_363 {dimension_numbers = #tpu.dot_dimension_numbers<[1], [0], [0], [1], [0, 0, 1, 1], [], []>, transpose_lhs_hint = false} : vector<2000x128xf32>, vector<128x512xf32>, vector<2000x512xf32> -> vector<2000x512xf32>
    %get3A_365 = arith.constant 0 : index
    %get3A_366 = arith.constant 0 : index
    %get3A_367 = vector.load %arg6[%get3A_365, %get3A_366] : memref<128x512xf32, #tpu.memory_space<vmem>>, vector<128x512xf32>
    %dot_general3A_368 = arith.constant dense<0.000000e+00> : vector<2000x512xf32>
    %dot_general3A_369 = tpu.matmul %add3A_359, %get3A_367, %dot_general3A_368 {dimension_numbers = #tpu.dot_dimension_numbers<[1], [0], [0], [1], [0, 0, 1, 1], [], []>, transpose_lhs_hint = false} : vector<2000x128xf32>, vector<128x512xf32>, vector<2000x512xf32> -> vector<2000x512xf32>
    %add3A_370 = arith.addf %dot_general3A_364, %dot_general3A_369 : vector<2000x512xf32>
    %get3A_371 = arith.constant 0 : index
    %get3A_372 = arith.constant 0 : index
    %get3A_373 = vector.load %arg7[%get3A_371, %get3A_372] : memref<128x512xf32, #tpu.memory_space<vmem>>, vector<128x512xf32>
    %dot_general3A_374 = arith.constant dense<0.000000e+00> : vector<2000x512xf32>
    %dot_general3A_375 = tpu.matmul %mul3A_299, %get3A_373, %dot_general3A_374 {dimension_numbers = #tpu.dot_dimension_numbers<[1], [0], [0], [1], [0, 0, 1, 1], [], []>, transpose_lhs_hint = false} : vector<2000x128xf32>, vector<128x512xf32>, vector<2000x512xf32> -> vector<2000x512xf32>
    %add3A_376 = arith.addf %add3A_370, %dot_general3A_375 : vector<2000x512xf32>
    %get3A_377 = arith.constant 0 : index
    %get3A_378 = arith.constant 0 : index
    %get3A_379 = vector.load %arg10[%get3A_377, %get3A_378] : memref<1x512xf32, #tpu.memory_space<vmem>>, vector<1x512xf32>
    %get3A_380 = vector.shape_cast %get3A_379 : vector<1x512xf32> to vector<512xf32>
    %broadcast_in_dim3A_381 = vector.shape_cast %get3A_380 : vector<512xf32> to vector<1x512xf32>
    %add3A_382 = vector.broadcast %broadcast_in_dim3A_381 : vector<1x512xf32> to vector<2000x512xf32>
    %add3A_383 = arith.addf %add3A_376, %add3A_382 : vector<2000x512xf32>
    %slice3A_384 = vector.extract_strided_slice %add3A_383 {offsets = [0, 0], sizes = [2000, 128], strides = [1, 1]} : vector<2000x512xf32> to vector<2000x128xf32>
    %logistic3A_385 = arith.negf %slice3A_384 : vector<2000x128xf32>
    %logistic3A_386 = math.exp %logistic3A_385 : vector<2000x128xf32>
    %logistic3A_387 = arith.constant 1.000000e+00 : f32
    %logistic3A_388 = vector.broadcast %logistic3A_387 : f32 to vector<2000x128xf32>
    %logistic3A_389 = arith.addf %logistic3A_388, %logistic3A_386 : vector<2000x128xf32>
    %logistic3A_390 = arith.divf %logistic3A_388, %logistic3A_389 : vector<2000x128xf32>
    %slice3A_391 = vector.extract_strided_slice %add3A_383 {offsets = [0, 128], sizes = [2000, 128], strides = [1, 1]} : vector<2000x512xf32> to vector<2000x128xf32>
    %logistic3A_392 = arith.negf %slice3A_391 : vector<2000x128xf32>
    %logistic3A_393 = math.exp %logistic3A_392 : vector<2000x128xf32>
    %logistic3A_394 = arith.constant 1.000000e+00 : f32
    %logistic3A_395 = vector.broadcast %logistic3A_394 : f32 to vector<2000x128xf32>
    %logistic3A_396 = arith.addf %logistic3A_395, %logistic3A_393 : vector<2000x128xf32>
    %logistic3A_397 = arith.divf %logistic3A_395, %logistic3A_396 : vector<2000x128xf32>
    %slice3A_398 = vector.extract_strided_slice %add3A_383 {offsets = [0, 256], sizes = [2000, 128], strides = [1, 1]} : vector<2000x512xf32> to vector<2000x128xf32>
    %tanh3A_399 = math.tanh %slice3A_398 : vector<2000x128xf32>
    %slice3A_400 = vector.extract_strided_slice %add3A_383 {offsets = [0, 384], sizes = [2000, 128], strides = [1, 1]} : vector<2000x512xf32> to vector<2000x128xf32>
    %logistic3A_401 = arith.negf %slice3A_400 : vector<2000x128xf32>
    %logistic3A_402 = math.exp %logistic3A_401 : vector<2000x128xf32>
    %logistic3A_403 = arith.constant 1.000000e+00 : f32
    %logistic3A_404 = vector.broadcast %logistic3A_403 : f32 to vector<2000x128xf32>
    %logistic3A_405 = arith.addf %logistic3A_404, %logistic3A_402 : vector<2000x128xf32>
    %logistic3A_406 = arith.divf %logistic3A_404, %logistic3A_405 : vector<2000x128xf32>
    %mul3A_407 = arith.mulf %logistic3A_397, %add3A_297 : vector<2000x128xf32>
    %mul3A_408 = arith.mulf %logistic3A_390, %tanh3A_399 : vector<2000x128xf32>
    %add3A_409 = arith.addf %mul3A_407, %mul3A_408 : vector<2000x128xf32>
    %tanh3A_410 = math.tanh %add3A_409 : vector<2000x128xf32>
    %mul3A_411 = arith.mulf %logistic3A_406, %tanh3A_410 : vector<2000x128xf32>
    %get3A_412 = arith.constant 0 : index
    %get3A_413 = arith.constant 0 : index
    %get3A_414 = vector.load %arg8[%get3A_412, %get3A_413] : memref<128x512xf32, #tpu.memory_space<vmem>>, vector<128x512xf32>
    %dot_general3A_415 = arith.constant dense<0.000000e+00> : vector<2000x512xf32>
    %dot_general3A_416 = tpu.matmul %mul3A_411, %get3A_414, %dot_general3A_415 {dimension_numbers = #tpu.dot_dimension_numbers<[1], [0], [0], [1], [0, 0, 1, 1], [], []>, transpose_lhs_hint = false} : vector<2000x128xf32>, vector<128x512xf32>, vector<2000x512xf32> -> vector<2000x512xf32>
    %get3A_417 = arith.constant 0 : index
    %get3A_418 = arith.constant 0 : index
    %get3A_419 = vector.load %arg9[%get3A_417, %get3A_418] : memref<128x512xf32, #tpu.memory_space<vmem>>, vector<128x512xf32>
    %dot_general3A_420 = arith.constant dense<0.000000e+00> : vector<2000x512xf32>
    %dot_general3A_421 = tpu.matmul %mul3A_345, %get3A_419, %dot_general3A_420 {dimension_numbers = #tpu.dot_dimension_numbers<[1], [0], [0], [1], [0, 0, 1, 1], [], []>, transpose_lhs_hint = false} : vector<2000x128xf32>, vector<128x512xf32>, vector<2000x512xf32> -> vector<2000x512xf32>
    %add3A_422 = arith.addf %dot_general3A_416, %dot_general3A_421 : vector<2000x512xf32>
    %get3A_423 = arith.constant 0 : index
    %get3A_424 = arith.constant 0 : index
    %get3A_425 = vector.load %arg11[%get3A_423, %get3A_424] : memref<1x512xf32, #tpu.memory_space<vmem>>, vector<1x512xf32>
    %get3A_426 = vector.shape_cast %get3A_425 : vector<1x512xf32> to vector<512xf32>
    %broadcast_in_dim3A_427 = vector.shape_cast %get3A_426 : vector<512xf32> to vector<1x512xf32>
    %add3A_428 = vector.broadcast %broadcast_in_dim3A_427 : vector<1x512xf32> to vector<2000x512xf32>
    %add3A_429 = arith.addf %add3A_422, %add3A_428 : vector<2000x512xf32>
    %slice3A_430 = vector.extract_strided_slice %add3A_429 {offsets = [0, 0], sizes = [2000, 128], strides = [1, 1]} : vector<2000x512xf32> to vector<2000x128xf32>
    %logistic3A_431 = arith.negf %slice3A_430 : vector<2000x128xf32>
    %logistic3A_432 = math.exp %logistic3A_431 : vector<2000x128xf32>
    %logistic3A_433 = arith.constant 1.000000e+00 : f32
    %logistic3A_434 = vector.broadcast %logistic3A_433 : f32 to vector<2000x128xf32>
    %logistic3A_435 = arith.addf %logistic3A_434, %logistic3A_432 : vector<2000x128xf32>
    %logistic3A_436 = arith.divf %logistic3A_434, %logistic3A_435 : vector<2000x128xf32>
    %slice3A_437 = vector.extract_strided_slice %add3A_429 {offsets = [0, 128], sizes = [2000, 128], strides = [1, 1]} : vector<2000x512xf32> to vector<2000x128xf32>
    %logistic3A_438 = arith.negf %slice3A_437 : vector<2000x128xf32>
    %logistic3A_439 = math.exp %logistic3A_438 : vector<2000x128xf32>
    %logistic3A_440 = arith.constant 1.000000e+00 : f32
    %logistic3A_441 = vector.broadcast %logistic3A_440 : f32 to vector<2000x128xf32>
    %logistic3A_442 = arith.addf %logistic3A_441, %logistic3A_439 : vector<2000x128xf32>
    %logistic3A_443 = arith.divf %logistic3A_441, %logistic3A_442 : vector<2000x128xf32>
    %slice3A_444 = vector.extract_strided_slice %add3A_429 {offsets = [0, 256], sizes = [2000, 128], strides = [1, 1]} : vector<2000x512xf32> to vector<2000x128xf32>
    %tanh3A_445 = math.tanh %slice3A_444 : vector<2000x128xf32>
    %slice3A_446 = vector.extract_strided_slice %add3A_429 {offsets = [0, 384], sizes = [2000, 128], strides = [1, 1]} : vector<2000x512xf32> to vector<2000x128xf32>
    %logistic3A_447 = arith.negf %slice3A_446 : vector<2000x128xf32>
    %logistic3A_448 = math.exp %logistic3A_447 : vector<2000x128xf32>
    %logistic3A_449 = arith.constant 1.000000e+00 : f32
    %logistic3A_450 = vector.broadcast %logistic3A_449 : f32 to vector<2000x128xf32>
    %logistic3A_451 = arith.addf %logistic3A_450, %logistic3A_448 : vector<2000x128xf32>
    %logistic3A_452 = arith.divf %logistic3A_450, %logistic3A_451 : vector<2000x128xf32>
    %mul3A_453 = arith.mulf %logistic3A_443, %add3A_343 : vector<2000x128xf32>
    %mul3A_454 = arith.mulf %logistic3A_436, %tanh3A_445 : vector<2000x128xf32>
    %add3A_455 = arith.addf %mul3A_453, %mul3A_454 : vector<2000x128xf32>
    %tanh3A_456 = math.tanh %add3A_455 : vector<2000x128xf32>
    %mul3A_457 = arith.mulf %logistic3A_452, %tanh3A_456 : vector<2000x128xf32>
    %swap3A = arith.constant 0 : index
    %swap3A_458 = arith.constant 0 : index
    %swap3A_459 = vector.load %arg12[%swap3A, %swap3A_458] : memref<2000x128xf32, #tpu.memory_space<vmem>>, vector<2000x128xf32>
    tpu.vector_store %arg12[%swap3A, %swap3A_458], %mul3A_411 {strides = array<i32>} : memref<2000x128xf32, #tpu.memory_space<vmem>>, vector<2000x128xf32>,
    %swap3A_460 = arith.constant 0 : index
    %swap3A_461 = arith.constant 0 : index
    %swap3A_462 = vector.load %arg13[%swap3A_460, %swap3A_461] : memref<2000x128xf32, #tpu.memory_space<vmem>>, vector<2000x128xf32>
    tpu.vector_store %arg13[%swap3A_460, %swap3A_461], %mul3A_457 {strides = array<i32>} : memref<2000x128xf32, #tpu.memory_space<vmem>>, vector<2000x128xf32>,
    return
  }
  func.func @transform_0(%arg0: i32) -> (i32, i32, i32) {
    %c0_i32 = arith.constant 0 : i32
    %c0_i32_0 = arith.constant 0 : i32
    %c0_i32_1 = arith.constant 0 : i32
    return %c0_i32, %arg0, %c0_i32_0 : i32, i32, i32
  }
  func.func @transform_1(%arg0: i32) -> (i32, i32, i32) {
    %c0_i32 = arith.constant 0 : i32
    %c0_i32_0 = arith.constant 0 : i32
    %c0_i32_1 = arith.constant 0 : i32
    return %c0_i32, %arg0, %c0_i32_0 : i32, i32, i32
  }
  func.func @transform_2(%arg0: i32) -> (i32, i32) {
    %c0_i32 = arith.constant 0 : i32
    %c0_i32_0 = arith.constant 0 : i32
    %c0_i32_1 = arith.constant 0 : i32
    return %c0_i32, %c0_i32_0 : i32, i32
  }
  func.func @transform_3(%arg0: i32) -> (i32, i32) {
    %c0_i32 = arith.constant 0 : i32
    %c0_i32_0 = arith.constant 0 : i32
    %c0_i32_1 = arith.constant 0 : i32
    return %c0_i32, %c0_i32_0 : i32, i32
  }
  func.func @transform_4(%arg0: i32) -> (i32, i32) {
    %c0_i32 = arith.constant 0 : i32
    %c0_i32_0 = arith.constant 0 : i32
    %c0_i32_1 = arith.constant 0 : i32
    return %c0_i32, %c0_i32_0 : i32, i32
  }
  func.func @transform_5(%arg0: i32) -> (i32, i32) {
    %c0_i32 = arith.constant 0 : i32
    %c0_i32_0 = arith.constant 0 : i32
    %c0_i32_1 = arith.constant 0 : i32
    return %c0_i32, %c0_i32_0 : i32, i32
  }
  func.func @transform_6(%arg0: i32) -> (i32, i32) {
    %c0_i32 = arith.constant 0 : i32
    %c0_i32_0 = arith.constant 0 : i32
    %c0_i32_1 = arith.constant 0 : i32
    return %c0_i32, %c0_i32_0 : i32, i32
  }
  func.func @transform_7(%arg0: i32) -> (i32, i32) {
    %c0_i32 = arith.constant 0 : i32
    %c0_i32_0 = arith.constant 0 : i32
    %c0_i32_1 = arith.constant 0 : i32
    return %c0_i32, %c0_i32_0 : i32, i32
  }
  func.func @transform_8(%arg0: i32) -> (i32, i32) {
    %c0_i32 = arith.constant 0 : i32
    %c0_i32_0 = arith.constant 0 : i32
    %c0_i32_1 = arith.constant 0 : i32
    return %c0_i32, %c0_i32_0 : i32, i32
  }
  func.func @transform_9(%arg0: i32) -> (i32, i32) {
    %c0_i32 = arith.constant 0 : i32
    %c0_i32_0 = arith.constant 0 : i32
    %c0_i32_1 = arith.constant 0 : i32
    return %c0_i32, %c0_i32_0 : i32, i32
  }
  func.func @transform_10(%arg0: i32) -> (i32, i32) {
    %c0_i32 = arith.constant 0 : i32
    %c0_i32_0 = arith.constant 0 : i32
    %c0_i32_1 = arith.constant 0 : i32
    return %c0_i32, %c0_i32_0 : i32, i32
  }
  func.func @transform_11(%arg0: i32) -> (i32, i32) {
    %c0_i32 = arith.constant 0 : i32
    %c0_i32_0 = arith.constant 0 : i32
    return %arg0, %c0_i32 : i32, i32
  }
  func.func @transform_12(%arg0: i32) -> (i32, i32) {
    %c0_i32 = arith.constant 0 : i32
    %c0_i32_0 = arith.constant 0 : i32
    return %arg0, %c0_i32 : i32, i32
  }
}

</mosaic_0001>

<sc_bundles>
// kernel: scatter_offload_async_start.1
scs
__scs_entry_jumppad:
0x0: {  	(pc) =	sbr.rel $0x88, $3  }
0x1: {  	(tag) =	ssettag $0x0;
	lr =	simm.s32 $0x1  }
0x2: {  	[smem:$0x3F90] =	sst lr;
	_ =	strace $0xD0000000  }
0x3: {  	_ = 	snop  }
0x4: {  	_ = 	snop  }
0x5: {  	_ = 	snop  }
0x6: {  	_ = 	snop  }
0x7: {  	_ = 	snop  }
__scs_overlays_trampoline_lowered:
0x8: {  	[smem:$0x3F9F] =	sst s0  }
0x9: {  	[smem:$0x3FA0] =	sst s1  }
0xa: {  	[smem:$0x3FA1] =	sst s2  }
0xb: {  	[smem:$0x3FA2] =	sst s3  }
0xc: {  	[smem:$0x3FA3] =	sst s4  }
0xd: {  	[smem:$0x3FA4] =	sst s5  }
0xe: {  	[smem:$0x3FA5] =	sst s6  }
0xf: {  	[smem:$0x3FA6] =	sst s7  }
0x10: {  	[smem:$0x3FA7] =	sst s8  }
0x11: {  	[smem:$0x3FA8] =	sst s9;
	s0 =	simm.s32 @!p0 $0x0  }
0x12: {  	s1 =	sld [smem:$0x3F8E];
	s0 =	simm.s32 @p0 $0x1  }
0x13: {  	[smem:$0x3FA9] =	sst s0;
	s0 =	simm.s32 @!p1 $0x0  }
0x14: {  	s2 =	sld [smem:$0x3F8D];
	s0 =	simm.s32 @p1 $0x1  }
0x15: {  	[smem:$0x3FAA] =	sst s0;
	s0 =	simm.s32 @!p2 $0x0  }
0x16: {  	s3 =	sld [smem:$0x3FDB];
	s0 =	simm.s32 @p2 $0x1  }
0x17: {  	s4 =	simm.s32 $0x1BF5;
	[smem:$0x3FAC] =	sst s0  }
0x18: {  	s0 =	sld [smem:$0x3F8F];
	_ =	swait.ge [sflag:s4], $0x0  }
0x19: {  	s7 =	sld [smem:$0x3F90]  }
0x1a: {  	s8 =	sadd.s32 $0xFFFFE003, lr  }
0x1b: {  	s9 =	sadd.s32 $0xFFFFFEF7, lr;
	s5 =	simm.s32 $0xFFFFFFFF;
	p2 =	slt.u32 s8, $0xFFFFF086  }
0x1c: {  	p1 =	slt.u32 s9, $0xF7A;
	s5 =	simm.s32 @!p2 $0x0  }
0x1d: {  	s5 =	simm.s32 @p1 $0x1;
	p0 =	seq.s32 s7, s2  }
0x1e: {  	s7 =	smul.u32 @!p0 $0xF7A, s2;
	p2 =	seq.s32 @!p0 s5, $0x0  }
0x1f: {  	s9 =	smul.u32 $0xF7A, s1;
	s8 =	simm.s32 @!p0 $0x1BF5;
	p2 =	por !p2, p0  }
0x20: {  	[sflag:s8] =	ssyncset.s32 @!p0 $0xFFFFF086;
	s6 =	sadd.s32 @!p0 s3, s7;
	s7 =	simm.s32 @!p0 $0x108  }
0x21: {  	s3 =	sadd.s32 s3, s9;
	s6 =	sadd.s32 @!p0 $0x88, s6;
	s7 =	simm.s32 @p2 $0x1082  }
0x22: {  	[simem:s7], [sflag:s8] =	dma.local @!p0 [hbm:s6], $0xF7A  }
0x23: {  	s9 =	sor.u32 $0xD0000000, s2;
	s6 =	simm.s32 $0x108;
	_ =	swait.ge @!p0 [sflag:s8], $0x0  }
0x24: {  	s3 =	sadd.s32 $0x88, s3;
	s6 =	simm.s32 @!p1 $0x1082;
	[sflag:s4] =	ssyncset.s32 $0xFFFFF086  }
0x25: {  	[simem:s6], [sflag:s4] =	dma.local [hbm:s3], $0xF7A  }
0x26: {  	[smem:$0x3F90] =	sst s1;
	(tag) =	ssettag s2;
	_ =	strace s9  }
0x27: {  	s1 =	sld [smem:$0x3FA0]  }
0x28: {  	s2 =	sld [smem:$0x3FA1]  }
0x29: {  	s4 =	sld [smem:$0x3FA3]  }
0x2a: {  	p0 =	seq.s32 s5, $0x0;
	s5 =	sld [smem:$0x3FA4]  }
0x2b: {  	s6 =	sld [smem:$0x3FA5]  }
0x2c: {  	s7 =	sld [smem:$0x3FA6]  }
0x2d: {  	s3 =	simm.s32 $0x108;
	s8 =	sld [smem:$0x3FA7]  }
0x2e: {  	s3 =	simm.s32 @!p0 $0x1082;
	s9 =	sld [smem:$0x3FA8]  }
0x2f: {  	lr =	sadd.s32 s0, s3;
	s0 =	sld [smem:$0x3F9F]  }
0x30: {  	s3 =	sld [smem:$0x3FA2]  }
0x31: {  	[smem:$0x3FAB] =	sst s10  }
0x32: {  	s10 =	sld [smem:$0x3FA9];
	_ =	sdelay $0x3  }
0x33: {  	p0 =	seq.s32 s10, $0x1;
	s10 =	sld [smem:$0x3FAB];
	_ =	sdelay $0x3  }
0x34: {  	[smem:$0x3FAB] =	sst s10  }
0x35: {  	s10 =	sld [smem:$0x3FAA];
	_ =	sdelay $0x3  }
0x36: {  	p1 =	seq.s32 s10, $0x1;
	s10 =	sld [smem:$0x3FAB];
	_ =	sdelay $0x3  }
0x37: {  	[smem:$0x3FAB] =	sst s10  }
0x38: {  	s10 =	sld [smem:$0x3FAC]  }
0x39: {  	_ = 	snop;
	(pc) =	sbr.ind lr, $3  }
0x3a: {  	_ = 	snop  }
0x3b: {  	_ = 	snop  }
0x3c: {  	p2 =	seq.s32 s10, $0x1;
	s10 =	sld [smem:$0x3FAB]  }
0x3d: {  	_ =	shalt  }
0x3e: {  	_ =	shalt  }
0x3f: {  	_ =	shalt  }
0x40: {  	_ =	shalt  }
0x41: {  	_ =	shalt  }
0x42: {  	_ =	shalt  }
0x43: {  	_ =	shalt  }
0x44: {  	_ =	shalt  }
0x45: {  	_ =	shalt  }
0x46: {  	_ =	shalt  }
0x47: {  	_ =	shalt  }
0x48: {  	_ =	shalt  }
0x49: {  	_ =	shalt  }
0x4a: {  	_ =	shalt  }
0x4b: {  	_ =	shalt  }
0x4c: {  	_ =	shalt  }
0x4d: {  	_ =	shalt  }
0x4e: {  	_ =	shalt  }
0x4f: {  	_ =	shalt  }
0x50: {  	_ =	shalt  }
0x51: {  	_ =	shalt  }
0x52: {  	_ =	shalt  }
0x53: {  	_ =	shalt  }
0x54: {  	_ =	shalt  }
0x55: {  	_ =	shalt  }
0x56: {  	_ =	shalt  }
0x57: {  	_ =	shalt  }
0x58: {  	_ =	shalt  }
0x59: {  	_ =	shalt  }
0x5a: {  	_ =	shalt  }
0x5b: {  	_ =	shalt  }
0x5c: {  	_ =	shalt  }
0x5d: {  	_ =	shalt  }
0x5e: {  	_ =	shalt  }
0x5f: {  	_ =	shalt  }
0x60: {  	_ =	shalt  }
0x61: {  	_ =	shalt  }
0x62: {  	_ =	shalt  }
0x63: {  	_ =	shalt  }
0x64: {  	_ =	shalt  }
0x65: {  	_ =	shalt  }
0x66: {  	_ =	shalt  }
0x67: {  	_ =	shalt  }
0x68: {  	_ =	shalt  }
0x69: {  	_ =	shalt  }
0x6a: {  	_ =	shalt  }
0x6b: {  	_ =	shalt  }
0x6c: {  	_ =	shalt  }
0x6d: {  	_ =	shalt  }
0x6e: {  	_ =	shalt  }
0x6f: {  	_ =	shalt  }
0x70: {  	_ =	shalt  }
0x71: {  	_ =	shalt  }
0x72: {  	_ =	shalt  }
0x73: {  	_ =	shalt  }
0x74: {  	_ =	shalt  }
0x75: {  	_ =	shalt  }
0x76: {  	_ =	shalt  }
0x77: {  	_ =	shalt  }
0x78: {  	_ =	shalt  }
0x79: {  	_ =	shalt  }
0x7a: {  	_ =	shalt  }
0x7b: {  	_ =	shalt  }
0x7c: {  	_ =	shalt  }
0x7d: {  	_ =	shalt  }
0x7e: {  	_ =	shalt  }
0x7f: {  	_ =	shalt  }
0x80: {  	_ =	shalt  }
0x81: {  	_ =	shalt  }
0x82: {  	_ =	shalt  }
0x83: {  	_ =	shalt  }
0x84: {  	_ =	shalt  }
0x85: {  	_ =	shalt  }
0x86: {  	_ =	shalt  }
0x87: {  	_ =	shalt  }
.Lfunc_end0:
.L_simem_size_0:
called_computation.1_lowered:
.L_overlay_start_0:
0x88: {  	s2 =	sld [smem:$0x3FD9]  }
0x89: {  	s3 =	sld [smem:$0x3FFE];
	_ =	sdelay $0x1  }
0x8a: {  	s1 =	srdreg.scid  }
0x8b: {  	s0 =	sand.u32 $0x1, s1  }
0x8c: {  	s15 =	sshll.u32 s0, $0xA;
	s2 =	sadd.s32 s3, s2  }
0x8d: {  	s2 =	sadd.s32 s2, s15  }
0x8e: {  	[smem:$0x3FB7] =	sst s2  }
0x8f: {  	_ = 	snop  }
0x90: {  	(tm) =	ssettm $0x1  }
0x91: {  	s16 =	sld [smem:$0x3FFB];
	_ =	sdelay $0x3  }
0x92: {  	_ =	strace s16  }
0x93: {  	s2 =	sld [smem:$0x3FFC];
	_ =	sdelay $0x3  }
0x94: {  	_ =	strace s2  }
0x95: {  	s2 =	sld [smem:$0x3FFD];
	_ =	sdelay $0x3  }
0x96: {  	_ =	strace s2  }
0x97: {  	_ =	strace $0x8FFFFFFF  }
0x98: {  	s17 =	sld [smem:$0x3FDB];
	_ =	sdelay $0x1  }
0x99: {  	s18 =	simm.s32 $_scs_section_size  }
0x9a: {  	s4 =	simm.s32 $_size__tile_overlayer_lowered;
	s5 =	simm.s32 $_tile_overlayer_lowered  }
0x9b: {  	s6 =	simm.s32 $0x1BFF;
	s19 =	sshll.u32 s5, $0x1;
	s3 =	sadd.s32 s18, s17  }
0x9c: {  	s20 =	simm.s32 $0x0;
	s4 =	sshll.u32 s4, $0x1;
	s5 =	sadd.s32 s19, s3  }
0x9d: {  	[timem:s20], [sflag:s6] =	dma.local [hbm:s5], s4  }
0x9e: {  	_ =	swait.ge [sflag:s6], s4  }
0x9f: {  	s4 =	ssub.s32 $0x0, s4;
	[sflag:s6] =	ssyncset.done $0x0  }
0xa0: {  	[sflag:s6] =	ssyncadd.s32 s4;
	_ =	sdelay $0x1  }
0xa1: {  	s21 =	simm.s32 $0x1B8B  }
0xa2: {  	_ =	swait.ge [sflag:s21], $0x1  }
0xa3: {  	[sflag:s21] =	ssyncset.done $0x0  }
0xa4: {  	s22 =	sld [smem:$0x3FFE];
	[sflag:s21] =	ssyncadd.s32 $0xFFFFFFFF  }
0xa5: {  	s24 =	simm.s32 $0x1B8E;
	s23 =	sld [smem:$0x0]  }
0xa6: {  	s25 =	simm.s32 $execute0_lowered;
	[smem:$0x3FD2] =	sst s24  }
0xa7: {  	s6 =	sshll.u32 s25, $0x1;
	_ =	strace $0x80000049;
	[dreg:$0x1] =	wrdreg $0xFFFFFFFF  }
0xa8: {  	s7 =	simm.s32 $_size_execute0_lowered;
	s6 =	sadd.s32 s3, s6;
	[dreg:$0x0] =	wrdreg $0x0  }
0xa9: {  	s7 =	sshll.u32 s7, $0x1;
	[dreg:$0x2] =	wrdreg s6  }
0xaa: {  	[dreg:$0x3] =	wrdreg s7  }
0xab: {  	[dreg:$0x4] =	wrdreg $0xC0  }
0xac: {  	s26 =	simm.s32 $execute1_lowered;
	_ =	task [dreg:s20], $0x5FFFF  }
0xad: {  	s6 =	sshll.u32 s26, $0x1;
	[dreg:$0x1] =	wrdreg $0xFFFFFFFF  }
0xae: {  	s3 =	sadd.s32 s3, s6;
	[dreg:$0x0] =	wrdreg $0x60  }
0xaf: {  	[dreg:$0x2] =	wrdreg s3  }
0xb0: {  	[dreg:$0x3] =	wrdreg s22  }
0xb1: {  	[dreg:$0x4] =	wrdreg $0x9  }
0xb2: {  	_ =	task.clear_ibuf [dreg:s20], $0x5FFFF;
	_ =	strace $0x90000049  }
0xb3: {  	s28 =	simm.s32 $0x9;
	_ =	strace $0x8000004B  }
0xb4: {  	_ =	swait.ge [sflag:s28], $0x1  }
0xb5: {  	[sflag:s28] =	ssyncadd.s32 $0xFFFFFFFF  }
0xb6: {  	_ =	strace $0x9000004B  }
0xb7: {  	s3 =	sld [smem:$0x0]  }
0xb8: {  	s6 =	sand.u32 $0xFFFFFFFE, s1  }
0xb9: {  	p0 =	sne.s32 s1, s6  }
0xba: {  	s6 =	sshll.u32 @p0 s6, $0xE  }
0xbb: {  	s6 =	sadd.s32 @p0 $0x11BF3, s6;
	s7 =	sshll.u32 @p0 s3, $0x11  }
0xbc: {  	s6 =	sor.u32 @p0 s7, s6  }
0xbd: {  	[sflag:s6] =	ssyncadd.remote.s32 @p0 $0x1;
	_ =	sdelay $0x1  }
0xbe: {  	s6 =	simm.s32 @p0 $0x1BF3  }
0xbf: {  	_ =	swait.eq @p0 [sflag:s6], $0x1  }
0xc0: {  	[sflag:s6] =	ssyncadd.s32 @p0 $0xFFFFFFFF  }
0xc1: {  	s7 =	sshll.u32 @!p0 s1, $0xE  }
0xc2: {  	s7 =	sor.u32 @!p0 $0x4000, s7;
	s6 =	simm.s32 @!p0 $0x1BF3  }
0xc3: {  	s3 =	sshll.u32 @!p0 s3, $0x11;
	s7 =	sadd.s32 @!p0 $0x11BF3, s7;
	_ =	swait.eq @!p0 [sflag:s6], $0x1  }
0xc4: {  	s3 =	sor.u32 @!p0 s3, s7;
	[sflag:s6] =	ssyncadd.s32 @!p0 $0xFFFFFFFF  }
0xc5: {  	[sflag:s3] =	ssyncadd.remote.s32 @!p0 $0x1  }
0xc6: {  	_ =	strace $0x8000004C;
	[dreg:$0x1] =	wrdreg $0xFFFFFFFF  }
0xc7: {  	[dreg:$0x0] =	wrdreg $0x2030  }
0xc8: {  	[dreg:$0x2] =	wrdreg s22  }
0xc9: {  	[dreg:$0x3] =	wrdreg s1  }
0xca: {  	[dreg:$0x4] =	wrdreg s23  }
0xcb: {  	[dreg:$0x5] =	wrdreg $0xA  }
0xcc: {  	_ =	task.clear_ibuf [dreg:s20], $0x6FFFF;
	_ =	strace $0x9000004C  }
0xcd: {  	s29 =	simm.s32 $0xA;
	_ =	strace $0x8000004E  }
0xce: {  	_ =	swait.ge [sflag:s29], $0x1  }
0xcf: {  	[sflag:s29] =	ssyncadd.s32 $0xFFFFFFFF  }
0xd0: {  	_ =	strace $0x9000004E  }
0xd1: {  	_ =	sfence  }
0xd2: {  	s30 =	sld [smem:$0x0];
	_ =	sdelay $0x2  }
0xd3: {  	s31 =	sshll.u32 s1, $0xD;
	s1 =	sshrl.u32 s1, $0x2  }
0xd4: {  	s4 =	sand.u32 $0x4000, s31;
	s1 =	sadd.s32 s1, s30  }
0xd5: {  	s0 =	sor.u32 s4, s0;
	s1 =	sshll.u32 s1, $0x11  }
0xd6: {  	s0 =	sor.u32 s1, s0  }
0xd7: {  	s0 =	sadd.s32 $0x8F2B, s0  }
0xd8: {  	[sflag:s0] =	ssyncadd.remote.s32 $0x1  }
0xd9: {  	_ =	sfence.sel $0xFFFF  }
0xda: {  	[dreg:$0x0] =	wrdreg $0xFFFFFFFF;
	(pc) =	sbr.abs _section_cstart, $3  }
0xdb: {  	[dreg:$0x1] =	wrdreg $0xFFFFFFFF  }
0xdc: {  	_ =	task.clear_ibuf [dreg:s20], $0x2FFFF;
	_ =	strace $0x9FFFFFFF  }
0xdd: {  	(tm) =	ssettm $0x7FFFFFFF  }
tec
execute0_lowered:
.L_overlay_start_1:
0x0: {  	(tag) =	ssettag $0x1  }
0x1: {  	s2 =	rddreg [dreg:$0x0]  }
0x2: {  	s4 =	rddreg [dreg:$0x1]  }
0x3: {  	s0 =	rddreg [dreg:$0x2];
	s3 =	stileid.u32  }
0x4: {  	[bflag:$0x3] =	sbarrier.arrive $0xFFFF;
	s1 =	simm.s32 $_size_execute1_lowered;
	s29 =	srdreg.scid  }
0x5: {  	s7 =	simm.s32 $0x2;
	s8 =	simm.s32 $0x0;
	p0 =	sne.s32 s3, $0x0  }
0x6: {  	s1 =	sshll.u32 s1, $0x1;
	s5 =	simm.s32 @!p0 $0x1C3F;
	s6 =	simm.s32 @!p0 $0x4060  }
0x7: {  	[timem:s6], [sflag:s5] =	dma.local @!p0 [hbm:s2], s1  }
0x8: {  	s12 =	simm.s32 $0x0;
	s10 =	simm.s32 $0x0;
	s2 =	sshll.u32 s29, $0x7  }
.Ltmp0:
0x9: {  	s3 =	sshll.u32 s3, $0x8;
	s30 =	sand.u32 $0x80, s2;
	(pc) =	sbr.rel .LBB2_1-.Ltmp0, $4  }
0xa: {  	s11 =	simm.s32 $0x0;
	_ =	strace $0x8000004A;
	s3 =	sor.u32 s3, s30  }
0xb: {  	s5 =	simm.s32 $0x1;
	s2 =	sadd.s32 $0xA24C00, s4;
	s31 =	ssub.s32 $0x9C00, s3  }
0xc: {  	s4 =	sadd.s32 $0xAC1000, s4;
	[sflag:s5] =	ssyncpa.u1 $0x0;
	s6 =	sshrl.u32 s31, $0xC  }
0xd: {  	[sflag:s7] =	ssyncpa.u1 $0x0;
	s9 =	smov.u32 s3;
	s7 =	sor.u32 $0x2, s6  }
.LBB2_4:
0xe: {  	_ = 	snop  }
.LBB2_7:
0xf: {  	_ =	sdelay $0x3  }
0x10: {  	[tilespmem:v0+s16+$0x0 ss:$0x1] =	vst.idx.msk @p1 $0xffff, v2  }
0x11: {  	v56 =	vld.idx.msk [tilespmem:v1+s15+$0x0 ss:$0x1], $0xffff;
	s24 =	sor.u32 $0x70, s15;
	[tilespmem:v0+s17+$0x0 ss:$0x1] =	vst.idx.msk @p1 $0xffff, v4  }
0x12: {  	s25 =	sor.u32 $0x10, s15;
	[tilespmem:v0+s18+$0x0 ss:$0x1] =	vst.idx.msk @p1 $0xffff, v3;
	v57 =	vld.idx.msk [tilespmem:v1+s24+$0x0 ss:$0x1], $0xffff  }
0x13: {  	s26 =	sor.u32 $0x20, s15;
	[tilespmem:v0+s19+$0x0 ss:$0x1] =	vst.idx.msk @p1 $0xffff, v5;
	v58 =	vld.idx.msk [tilespmem:v1+s25+$0x0 ss:$0x1], $0xffff  }
0x14: {  	s28 =	sor.u32 $0x30, s15;
	[tilespmem:v0+s20+$0x0 ss:$0x1] =	vst.idx.msk @p1 $0xffff, v6;
	v59 =	vld.idx.msk [tilespmem:v1+s26+$0x0 ss:$0x1], $0xffff  }
0x15: {  	s29 =	sor.u32 $0x40, s15;
	[tilespmem:v0+s21+$0x0 ss:$0x1] =	vst.idx.msk @p1 $0xffff, v7;
	v60 =	vld.idx.msk [tilespmem:v1+s28+$0x0 ss:$0x1], $0xffff  }
0x16: {  	s30 =	sor.u32 $0x50, s15;
	v61 =	vld.idx.msk [tilespmem:v1+s29+$0x0 ss:$0x1], $0xffff;
	[tilespmem:v0+s15+$0x0 ss:$0x1] =	vst.idx.msk $0xffff, v56  }
0x17: {  	s31 =	sor.u32 $0x60, s15;
	v62 =	vld.idx.msk [tilespmem:v1+s30+$0x0 ss:$0x1], $0xffff;
	[tilespmem:v0+s24+$0x0 ss:$0x1] =	vst.idx.msk $0xffff, v57  }
0x18: {  	v63 =	vld.idx.msk [tilespmem:v1+s31+$0x0 ss:$0x1], $0xffff;
	[tilespmem:v0+s25+$0x0 ss:$0x1] =	vst.idx.msk $0xffff, v58  }
0x19: {  	[tilespmem:v0+s26+$0x0 ss:$0x1] =	vst.idx.msk $0xffff, v59  }
0x1a: {  	[tilespmem:v0+s28+$0x0 ss:$0x1] =	vst.idx.msk $0xffff, v60  }
0x1b: {  	[tilespmem:v0+s29+$0x0 ss:$0x1] =	vst.idx.msk $0xffff, v61  }
0x1c: {  	[tilespmem:v0+s30+$0x0 ss:$0x1] =	vst.idx.msk $0xffff, v62  }
0x1d: {  	[tilespmem:v0+s31+$0x0 ss:$0x1] =	vst.idx.msk $0xffff, v63  }
.LBB2_8:
0x1e: {  	s15 =	sand.u32 $0x1FFFFFF, s10  }
0x1f: {  	s16 =	smulhi.u32 $0x1A36E2F, s15;
	_ =	sdelay $0x1  }
0x20: {  	s16 =	sshrl.u32 s16, $0x8  }
0x21: {  	s16 =	smul.u32 $0x9C40, s16;
	_ =	sdelay $0x1  }
0x22: {  	s15 =	ssub.s32 s15, s16  }
0x23: {  	s15 =	sshll.u32 s15, $0x4  }
0x24: {  	s15 =	sadd.s32 s4, s15  }
0x25: {  	[hbm4b:s15+s8] =	stream.linear.scatter [tilespmem:s14], [sflag:$0x2], s13, $0x38;
	[tilespmem:$0x10000] =	vst v63  }
.LBB2_9:
0x26: {  	p1 =	slt.u32 s11, $0x2  }
0x27: {  	p2 =	sgt.s32 @!p1 s12, $0x9BC0  }
0x28: {  	s13 =	smov.u32 s12;
	s14 =	sshra.s32 @!p1 s12, $0x1F;
	p2 =	por !p2, p1  }
0x29: {  	s12 =	sand.u32 @!p1 s14, s12;
	s13 =	simm.s32 @p2 $0x9BC0  }
0x2a: {  	s12 =	ssub.s32 @!p1 s13, s12  }
0x2b: {  	s12 =	sadd.s32 @!p1 $0xFFFF6440, s12  }
0x2c: {  	s13 =	sshll.u32 @!p1 s12, $0x9  }
0x2d: {  	p2 =	sgt.s32 @!p1 s12, $0x7F;
	s12 =	ssub.s32 @!p1 $0x10000, s13  }
0x2e: {  	s14 =	sadd.s32 $0x1000, s9;
	p2 =	por !p2, p1;
	s12 =	sshrl.u32 @!p1 s12, $0x2  }
0x2f: {  	s12 =	simm.s32 @!p2 $0x0;
	p2 =	sgt.s32 s14, $0x9C3F  }
0x30: {  	s14 =	smov.u32 @p2 s3;
	p2 =	sne.s32 s11, s7  }
.Ltmp1:
0x31: {  	_ = 	snop;
	(pc) =	sbr.rel @!p2 .LBB2_10-.Ltmp1, $4  }
0x32: {  	s13 =	simm.s32 @!p1 $0x2  }
0x33: {  	_ =	swait.ge @!p1 [sflag:s13], s12;
	s15 =	ssub.s32 @!p1 $0x0, s12  }
0x34: {  	s12 =	smov.u32 s10;
	s11 =	sadd.s32 $0x1, s11;
	[sflag:s13] =	ssyncset.done @!p1 $0x0  }
0x35: {  	s10 =	smov.u32 s9;
	s9 =	smov.u32 s14;
	[sflag:s13] =	ssyncadd.s32 @!p1 s15  }
.LBB2_1:
0x36: {  	p1 =	sgt.u32 s11, s6  }
0x37: {  	s13 =	sand.u32 @!p1 $0x1FFFFFF, s9  }
0x38: {  	p2 =	sgt.s32 @!p1 s9, $0x9BC0;
	s14 =	smulhi.u32 @!p1 $0x1A36E2F, s13  }
0x39: {  	s15 =	smov.u32 s9;
	s16 =	sshra.s32 @!p1 s9, $0x1F;
	p2 =	por !p2, p1  }
0x3a: {  	s16 =	sand.u32 @!p1 s16, s9;
	s15 =	simm.s32 @p2 $0x9BC0;
	s14 =	sshrl.u32 @!p1 s14, $0x8  }
0x3b: {  	s15 =	ssub.s32 @!p1 s15, s16;
	s14 =	smul.u32 @!p1 $0x9C40, s14  }
0x3c: {  	s16 =	sxor.u32 @!p1 $0xFFFFFFFF, s11;
	s15 =	sadd.s32 @!p1 $0xFFFF6440, s15  }
0x3d: {  	s16 =	sshll.u32 @!p1 s16, $0xE;
	s13 =	ssub.s32 @!p1 s13, s14;
	s14 =	sshll.u32 @!p1 s15, $0x9  }
0x3e: {  	s16 =	sand.u32 @!p1 $0x4000, s16;
	p2 =	sgt.s32 @!p1 s15, $0x7F;
	s14 =	ssub.s32 @!p1 $0x10000, s14  }
0x3f: {  	p2 =	por !p2, p1;
	s13 =	sshll.u32 @!p1 s13, $0x4;
	s14 =	sshrl.u32 @!p1 s14, $0x2  }
0x40: {  	s15 =	simm.s32 @!p1 $0x0;
	s13 =	sadd.s32 @!p1 s2, s13;
	s14 =	simm.s32 @!p2 $0x0  }
0x41: {  	[tilespmem:s16], [sflag:$0x1] =	stream.linear.gather @!p1 [hbm4b:s13+s15], s14, $0x38;
	[tilespmem:$0x10000] =	vst v63  }
0x42: {  	p1 =	seq.s32 s11, $0x0  }
0x43: {  	p2 =	sge.u32 @!p1 s11, s7  }
0x44: {  	p1 =	por p1, p2  }
.Ltmp2:
0x45: {  	_ = 	snop;
	(pc) =	sbr.rel @p1 .LBB2_9-.Ltmp2, $1  }
0x46: {  	_ =	sdelay $0x3  }
0x47: {  	p1 =	sgt.s32 s10, $0x9BC0;
	s13 =	smov.u32 s10;
	s14 =	sshra.s32 s10, $0x1F  }
0x48: {  	s13 =	simm.s32 @!p1 $0x9BC0;
	s14 =	sand.u32 s14, s10  }
0x49: {  	s13 =	ssub.s32 s13, s14  }
0x4a: {  	s13 =	sadd.s32 $0xFFFF6440, s13  }
0x4b: {  	s31 =	sshll.u32 s13, $0x9  }
0x4c: {  	s14 =	ssub.s32 $0x10000, s31  }
0x4d: {  	p1 =	sgt.s32 s13, $0x7F;
	s13 =	sshrl.u32 s14, $0x2;
	s14 =	sadd.s32 $0x80, s10  }
0x4e: {  	s13 =	simm.s32 @p1 $0x0;
	p1 =	slt.s32 s14, $0x9C40  }
0x4f: {  	s14 =	simm.s32 @!p1 $0x9C40  }
0x50: {  	s16 =	ssub.s32 s14, s10  }
0x51: {  	p1 =	slt.s32 s16, $0x1  }
.Ltmp3:
0x52: {  	_ = 	snop;
	(pc) =	sbr.rel @p1 .LBB2_8-.Ltmp3, $4  }
0x53: {  	_ = 	snop  }
0x54: {  	s15 =	sshll.u32 s11, $0xE;
	_ =	swait.ge [sflag:s5], s13  }
0x55: {  	s15 =	sand.u32 $0x4000, s15;
	s17 =	ssub.s32 $0x0, s13;
	[sflag:s5] =	ssyncset.done $0x0  }
0x56: {  	s14 =	sor.u32 $0x8000, s15;
	[sflag:s5] =	ssyncadd.s32 s17  }
0x57: {  	p2 =	sne.s32 s16, $0x1  }
.Ltmp4:
0x58: {  	v1 =	vmov s15;
	v0 =	vmov s14;
	(pc) =	sbr.rel @!p2 .LBB2_4-.Ltmp4, $3  }
0x59: {  	_ =	sdelay $0x1  }
0x5a: {  	s17 =	simm.s32 $0x0  }
0x5b: {  	s23 =	sadd.s32 $0xFFFFFFFF, s16;
	p1 =	por $0x0, $0x0;
	s15 =	sand.u32 $0x3F80, s17  }
0x5c: {  	_ =	sdelay $0x3  }
0x5d: {  	v6 =	vld.idx.msk [tilespmem:v1+s15+$0x0 ss:$0x1], $0xffff;
	s24 =	sor.u32 $0x70, s15  }
0x5e: {  	s16 =	sor.u32 $0x10, s15;
	v8 =	vld.idx.msk [tilespmem:v1+s24+$0x0 ss:$0x1], $0xffff  }
0x5f: {  	s17 =	sor.u32 $0x20, s15;
	p2 =	sne.s32 s23, $0x1;
	v2 =	vld.idx.msk [tilespmem:v1+s16+$0x0 ss:$0x1], $0xffff  }
.Ltmp5:
0x60: {  	s18 =	sor.u32 $0x30, s15;
	v4 =	vld.idx.msk [tilespmem:v1+s17+$0x0 ss:$0x1], $0xffff;
	(pc) =	sbr.rel @!p2 .LBB2_7-.Ltmp5, $4  }
0x61: {  	s19 =	sor.u32 $0x40, s15;
	v3 =	vld.idx.msk [tilespmem:v1+s18+$0x0 ss:$0x1], $0xffff  }
0x62: {  	s21 =	sor.u32 $0x60, s15;
	v5 =	vld.idx.msk [tilespmem:v1+s19+$0x0 ss:$0x1], $0xffff  }
0x63: {  	s20 =	sor.u32 $0x50, s15;
	s22 =	simm.s32 $0x80;
	v7 =	vld.idx.msk [tilespmem:v1+s21+$0x0 ss:$0x1], $0xffff;
	[tilespmem:v0+s15+$0x0 ss:$0x1] =	vst.idx.msk $0xffff, v6  }
0x64: {  	s23 =	sadd.s32 $0xFFFFFFFF, s23;
	p1 =	por $0x1, $0x1;
	v6 =	vld.idx.msk [tilespmem:v1+s20+$0x0 ss:$0x1], $0xffff;
	s15 =	sand.u32 $0x3F80, s22;
	[tilespmem:v0+s24+$0x0 ss:$0x1] =	vst.idx.msk $0xffff, v8  }
.LBB2_6:
0x65: {  	p2 =	sne.s32 s23, $0x1;
	v8 =	vld.idx.msk [tilespmem:v1+s15+$0x0 ss:$0x1], $0xffff;
	s24 =	sor.u32 $0x70, s15;
	[tilespmem:v0+s16+$0x0 ss:$0x1] =	vst.idx.msk $0xffff, v2;
	s16 =	sor.u32 $0x10, s15  }
0x66: {  	s25 =	sor.u32 $0x30, s15;
	s26 =	sor.u32 $0x40, s15;
	v9 =	vld.idx.msk [tilespmem:v1+s24+$0x0 ss:$0x1], $0xffff;
	[tilespmem:v0+s17+$0x0 ss:$0x1] =	vst.idx.msk $0xffff, v4;
	s17 =	sor.u32 $0x20, s15  }
0x67: {  	s28 =	sor.u32 $0x50, s15;
	s29 =	sor.u32 $0x60, s15;
	v2 =	vld.idx.msk [tilespmem:v1+s16+$0x0 ss:$0x1], $0xffff;
	[tilespmem:v0+s18+$0x0 ss:$0x1] =	vst.idx.msk $0xffff, v3;
	s18 =	smov.u32 s25  }
.Ltmp6:
0x68: {  	v4 =	vld.idx.msk [tilespmem:v1+s17+$0x0 ss:$0x1], $0xffff;
	[tilespmem:v0+s19+$0x0 ss:$0x1] =	vst.idx.msk $0xffff, v5;
	s19 =	smov.u32 s26;
	(pc) =	sbr.rel @p2 .LBB2_6-.Ltmp6, $4  }
0x69: {  	v3 =	vld.idx.msk [tilespmem:v1+s18+$0x0 ss:$0x1], $0xffff;
	[tilespmem:v0+s20+$0x0 ss:$0x1] =	vst.idx.msk $0xffff, v6;
	s20 =	smov.u32 s28  }
0x6a: {  	v5 =	vld.idx.msk [tilespmem:v1+s19+$0x0 ss:$0x1], $0xffff;
	[tilespmem:v0+s21+$0x0 ss:$0x1] =	vst.idx.msk $0xffff, v7;
	s21 =	smov.u32 s29  }
0x6b: {  	s22 =	sadd.s32 $0x80, s22;
	[tilespmem:v0+s15+$0x0 ss:$0x1] =	vst.idx.msk $0xffff, v8;
	v6 =	vld.idx.msk [tilespmem:v1+s20+$0x0 ss:$0x1], $0xffff  }
0x6c: {  	s23 =	sadd.s32 $0xFFFFFFFF, s23;
	s15 =	sand.u32 $0x3F80, s22;
	v7 =	vld.idx.msk [tilespmem:v1+s21+$0x0 ss:$0x1], $0xffff;
	[tilespmem:v0+s24+$0x0 ss:$0x1] =	vst.idx.msk $0xffff, v9  }
.Ltmp7:
0x6d: {  	_ = 	snop;
	(pc) =	sbr.rel .LBB2_7-.Ltmp7, $1  }
0x6e: {  	_ =	sdelay $0x3  }
.LBB2_10:
0x6f: {  	_ =	sfence.sel $0x180000  }
0x70: {  	s2 =	simm.s32 $0x1;
	[bflag:$0x0] =	sbarrier.arrive $0xFFFF  }
0x71: {  	s31 =	simm.s32 $0x2;
	[sflag:s2] =	ssyncpa.u1 $0x1  }
0x72: {  	[sflag:s31] =	ssyncpa.u1 $0x1  }
0x73: {  	_ =	strace $0x9000004A  }
0x74: {  	s0 =	sadd.s32 @!p0 $0x100000, s0;
	[bflag:$0x2] =	sbarrier.arrive $0xFFFF  }
0x75: {  	[sflag:s0] =	ssyncadd.tile.s32 @!p0 $0x1;
	s0 =	simm.s32 @!p0 $0x3F  }
0x76: {  	_ =	swait.ge @!p0 [sflag:s0], s1  }
0x77: {  	s1 =	ssub.s32 @!p0 $0x0, s1;
	[sflag:s0] =	ssyncset.done @!p0 $0x0  }
0x78: {  	[sflag:s0] =	ssyncadd.s32 @!p0 s1  }
0x79: {  	[bflag:$0x3] =	sbarrier.arrive $0xFFFF  }
0x7a: {  	_ =	shalt  }
.Lfunc_end2:
execute1_lowered:
.L_overlay_start_2:
0x7b: {  	(tag) =	ssettag $0x2  }
0x7c: {  	s2 =	rddreg [dreg:$0x0]  }
0x7d: {  	s3 =	rddreg [dreg:$0x1];
	_ =	strace $0x8000004D;
	s0 =	simm.s32 $0x1  }
0x7e: {  	v0 =	vimm.s32 $0x0;
	[sflag:s0] =	ssyncpa.u1 $0x0;
	s0 =	simm.s32 $0x108  }
0x7f: {  	[tilespmem:s0+$0x70] =	vst v0  }
0x80: {  	[tilespmem:s0+$0x60] =	vst v0  }
0x81: {  	[tilespmem:s0+$0x50] =	vst v0  }
0x82: {  	[tilespmem:s0+$0x40] =	vst v0  }
0x83: {  	[tilespmem:s0+$0x30] =	vst v0  }
0x84: {  	s1 =	sadd.s32 $0xAC1000, s2;
	s15 =	sadd.s32 $0x3C000, s2;
	s6 =	sadd.s32 $0xFD000, s2;
	[tilespmem:s0+$0x20] =	vst v0  }
0x85: {  	s14 =	sadd.s32 $0x4E600, s2;
	s5 =	sand.u32 $0x1, s3;
	s3 =	simm.s32 $0x40;
	[tilespmem:s0+$0x10] =	vst v0  }
.LBB3_1:
0x86: {  	s3 =	sadd.s32 $0x40, s3;
	[tilespmem:s0+$0x0] =	vst v0;
	s0 =	sadd.s32 $0x80, s0  }
0x87: {  	p0 =	slt.u32 s3, $0x3C40;
	[tilespmem:s0+$0x70] =	vst v0  }
0x88: {  	[tilespmem:s0+$0x60] =	vst v0  }
.Ltmp8:
0x89: {  	[tilespmem:s0+$0x50] =	vst v0;
	(pc) =	sbr.rel @p0 .LBB3_1-.Ltmp8, $4  }
0x8a: {  	[tilespmem:s0+$0x40] =	vst v0  }
0x8b: {  	[tilespmem:s0+$0x30] =	vst v0  }
0x8c: {  	[tilespmem:s0+$0x20] =	vst v0  }
0x8d: {  	[tilespmem:s0+$0x10] =	vst v0  }
0x8e: {  	s9 =	stileid.u32  }
0x8f: {  	s2 =	smul.u32 $0x4E, s9  }
0x90: {  	s3 =	smin.u32 s9, $0x2  }
0x91: {  	s2 =	sadd.s32 s3, s2  }
0x92: {  	p0 =	slt.u32 s9, $0x2;
	s7 =	smul.u32 $0xF0, s2;
	s2 =	simm.s32 $0x4A10  }
0x93: {  	s2 =	simm.s32 @!p0 $0x4920  }
0x94: {  	s2 =	sadd.s32 s2, s7  }
0x95: {  	s8 =	smin.u32 s2, $0x493E0  }
0x96: {  	s2 =	ssub.s32 s8, s7  }
0x97: {  	p0 =	sgt.s32 s2, $0x0  }
0x98: {  	s29 =	simm.s32 $0x2;
	s10 =	simm.s32 $0x9;
	s2 =	simm.s32 @!p0 $0x0  }
0x99: {  	s4 =	simm.s32 $0xA;
	s11 =	simm.s32 $0xB;
	s28 =	smulhi.u32 $0x88888889, s2  }
0x9a: {  	[dreg:$0x4] =	wrdreg s5;
	s31 =	smul.u32 $0x927C, s5;
	s12 =	simm.s32 $0x1  }
0x9b: {  	s22 =	simm.s32 $0x0;
	s18 =	simm.s32 $0xC;
	s30 =	sshrl.u32 s28, $0x7  }
0x9c: {  	s20 =	simm.s32 $0x0;
	s21 =	simm.s32 $0x0;
	s3 =	smul.u32 $0xF0, s30  }
.Ltmp9:
0x9d: {  	[tilespmem:s0+$0x0] =	vst v0;
	v0 =	vimm.s32 $0xFFFFFFFF;
	[sflag:s29] =	ssyncpa.u1 $0x0;
	s16 =	sshll.u32 s9, $0x8;
	(pc) =	sbr.rel .LBB3_3-.Ltmp9, $4  }
0x9e: {  	[tilespmem:$0xF208] =	vst v0;
	[sflag:s10] =	ssyncpa.u1 $0x0;
	p0 =	sne.s32 s2, s3;
	s2 =	simm.s32 $0x1  }
0x9f: {  	s14 =	sadd.s32 s31, s14;
	[sflag:s4] =	ssyncpa.u1 $0x0;
	s2 =	simm.s32 @!p0 $0x0  }
0xa0: {  	s15 =	sadd.s32 s31, s15;
	[sflag:s11] =	ssyncpa.u1 $0x0;
	s13 =	sadd.s32 s2, s30  }
0xa1: {  	v0 =	vlaneseq.u32;
	s19 =	smov.u32 s7;
	p0 =	por $0x0, $0x0;
	s17 =	sadd.s32 $0x1, s13  }
.LBB3_18:
0xa2: {  	s0 =	sshrl.u32 s31, $0x2  }
.LBB3_20:
0xa3: {  	_ =	swait.ge [sflag:s18], s0  }
0xa4: {  	s31 =	ssub.s32 $0x0, s0;
	v1 =	vmov s24;
	vm0 =	veq.s32 v0, $0x0;
	[sflag:s18] =	ssyncset.done $0x0  }
0xa5: {  	vm15 =	veq.s32 v0, $0x2;
	v1 =	vsel vm0, s30, v1;
	[sflag:s18] =	ssyncadd.s32 s31  }
0xa6: {  	v1 =	vsel vm15, s22, v1;
	[sflag:s18] =	ssyncpa.u1 $0x1  }
0xa7: {  	[tilespmem:$0xF208] =	vst v1  }
.LBB3_21:
0xa8: {  	s0 =	sadd.s32 $0xF0, s19  }
0xa9: {  	s2 =	smov.u32 s7;
	p1 =	slt.s32 s0, s8  }
0xaa: {  	s2 =	smov.u32 @p1 s0;
	p1 =	sne.s32 s21, s17  }
.Ltmp10:
0xab: {  	_ = 	snop;
	(pc) =	sbr.rel @!p1 .LBB3_22-.Ltmp10, $3  }
0xac: {  	_ =	sdelay $0x1  }
0xad: {  	s22 =	smov.u32 s20;
	s31 =	sadd.s32 $0x1, s21;
	s20 =	smov.u32 s19  }
0xae: {  	p0 =	por !p0, !p0;
	s21 =	smov.u32 s31;
	s19 =	smov.u32 s2  }
.LBB3_3:
0xaf: {  	p1 =	sge.u32 s21, s13  }
0xb0: {  	s0 =	smulhi.u32 @!p1 $0xAAAAAAAB, s21  }
0xb1: {  	s2 =	smov.u32 s19;
	p2 =	sgt.s32 @!p1 s19, $0x492F0  }
0xb2: {  	s3 =	sshra.s32 @!p1 s19, $0x1F;
	p2 =	por !p2, p1;
	s0 =	sshrl.u32 @!p1 s0, $0x1  }
0xb3: {  	s3 =	sand.u32 @!p1 s3, s19;
	s2 =	simm.s32 @p2 $0x492F0;
	s0 =	smul.u32 @!p1 $0x3, s0  }
0xb4: {  	s2 =	ssub.s32 @!p1 s2, s3  }
0xb5: {  	s2 =	sadd.s32 @!p1 $0xFFFB6D10, s2;
	s0 =	ssub.s32 @!p1 s21, s0  }
0xb6: {  	s3 =	sshll.u32 @!p1 s2, $0x2;
	p2 =	sgt.s32 @!p1 s2, $0xEF;
	s0 =	smul.u32 @!p1 $0x3C0, s0  }
0xb7: {  	s4 =	sand.u32 @!p1 $0x7, s19;
	s2 =	ssub.s32 @!p1 $0x3C0, s3;
	p2 =	por !p2, p1  }
0xb8: {  	s3 =	sshrl.u32 @!p1 s19, $0x3;
	s2 =	sshrl.u32 @!p1 s2, $0x2;
	s0 =	sshrl.u32 @!p1 s0, $0x2  }
0xb9: {  	s3 =	sadd.s32 @!p1 s3, s14;
	s2 =	simm.s32 @!p2 $0x0;
	s0 =	sadd.s32 @!p1 $0x10248, s0  }
0xba: {  	[tilespmem:s0], [sflag:$0xA] =	stream.linear.gather @!p1 [hbm4b:s3+s4], s2, $0x38;
	[tilespmem:$0x1F6F8] =	vst v63  }
0xbb: {  	s0 =	sadd.s32 $0xFFFFFFFF, s21  }
0xbc: {  	p1 =	sge.u32 s0, s13  }
0xbd: {  	p2 =	sgt.s32 @!p1 s20, $0x492F0  }
0xbe: {  	s2 =	smov.u32 s20;
	s3 =	sshra.s32 @!p1 s20, $0x1F;
	p2 =	por !p2, p1  }
0xbf: {  	s3 =	sand.u32 @!p1 s3, s20;
	s2 =	simm.s32 @p2 $0x492F0  }
0xc0: {  	s2 =	ssub.s32 @!p1 s2, s3  }
0xc1: {  	s2 =	sadd.s32 @!p1 $0xFFFB6D10, s2  }
0xc2: {  	s4 =	smulhi.u32 @!p1 $0xAAAAAAAB, s0;
	s5 =	sand.u32 @!p1 $0x1, s0;
	s3 =	sshll.u32 @!p1 s2, $0x2  }
0xc3: {  	s24 =	smul.u32 @!p1 $0x3C0, s5;
	p2 =	sgt.s32 @!p1 s2, $0xEF;
	s2 =	ssub.s32 @!p1 $0x3C0, s3  }
0xc4: {  	p2 =	por !p2, p1;
	s3 =	sshrl.u32 @!p1 s4, $0x1;
	s2 =	sshrl.u32 @!p1 s2, $0x2  }
0xc5: {  	s4 =	simm.s32 @!p1 $0xA;
	s3 =	smul.u32 @!p1 $0x3, s3;
	s2 =	simm.s32 @!p2 $0x0  }
0xc6: {  	s5 =	smul.u32 @!p1 $0x1E000, s5;
	_ =	swait.ge @!p1 [sflag:s4], s2;
	s23 =	ssub.s32 @!p1 $0x0, s2  }
0xc7: {  	s0 =	ssub.s32 @!p1 s0, s3;
	s3 =	sshrl.u32 @!p1 s20, $0x3;
	[sflag:s4] =	ssyncset.done @!p1 $0x0  }
0xc8: {  	s3 =	sadd.s32 @!p1 s3, s15;
	[sflag:s4] =	ssyncadd.s32 @!p1 s23;
	s4 =	sshrl.u32 @!p1 s24, $0x2  }
0xc9: {  	s0 =	smul.u32 @!p1 $0x3C0, s0;
	s23 =	sand.u32 @!p1 $0x7, s20;
	s4 =	sadd.s32 @!p1 $0x10518, s4  }
0xca: {  	[tilespmem:s4], [sflag:$0xB] =	stream.linear.gather @!p1 [hbm4b:s3+s23], s2, $0x38;
	[tilespmem:$0x1F6F8] =	vst v63  }
0xcb: {  	s0 =	sshrl.u32 @!p1 s0, $0x2;
	s2 =	sshrl.u32 @!p1 s5, $0x2  }
0xcc: {  	s0 =	sadd.s32 @!p1 $0x10248, s0;
	s3 =	simm.s32 @!p1 $0xF0;
	s2 =	sor.u32 @!p1 $0x106F8, s2  }
0xcd: {  	[tilespmem:s2], [sflag:$0x9] =	stream.indirect.gather @!p1 [hbm4b:s6+s3], $0x80, s0, s3, $0xb8;
	[tilespmem:$0x1F6F8] =	vst v63  }
0xce: {  	p1 =	slt.u32 s21, $0x2  }
.Ltmp11:
0xcf: {  	_ = 	snop;
	(pc) =	sbr.rel @p1 .LBB3_21-.Ltmp11, $1  }
0xd0: {  	_ =	sdelay $0x3  }
0xd1: {  	p1 =	sgt.s32 s22, $0x492F0;
	s0 =	smov.u32 s22;
	s2 =	sshra.s32 s22, $0x1F  }
0xd2: {  	s0 =	simm.s32 @!p1 $0x492F0;
	s2 =	sand.u32 s2, s22  }
0xd3: {  	s0 =	ssub.s32 s0, s2  }
0xd4: {  	s0 =	sadd.s32 $0xFFFB6D10, s0  }
0xd5: {  	s29 =	sshll.u32 s0, $0x2  }
0xd6: {  	_ =	swait.ge [sflag:s10], $0x7800;
	s2 =	ssub.s32 $0x3C0, s29  }
0xd7: {  	[sflag:s10] =	ssyncset.done $0x0;
	p1 =	sgt.s32 s0, $0xEF;
	s0 =	sshrl.u32 s2, $0x2  }
0xd8: {  	[sflag:s10] =	ssyncadd.s32 $0xFFFF8800;
	s0 =	simm.s32 @p1 $0x0  }
0xd9: {  	_ =	swait.ge [sflag:s11], s0  }
0xda: {  	s0 =	ssub.s32 $0x0, s0;
	[sflag:s11] =	ssyncset.done $0x0  }
0xdb: {  	[sflag:s11] =	ssyncadd.s32 s0  }
0xdc: {  	v1 =	vld [tilespmem:$0xF208];
	_ =	sdelay $0x4  }
0xdd: {  	(v2sf) =	vpush v1, $0x0  }
0xde: {  	(v2sf) =	vpush v1, $0x1  }
0xdf: {  	(v2sf) =	vpush v1, $0x2;
	_ =	sdelay $0x3  }
0xe0: {  	s0 =	sadd.s32 $0xF0, s22  }
0xe1: {  	s2 =	ssub.s32 $0x927C0, s22;
	p1 =	slt.s32 s8, s0  }
0xe2: {  	s0 =	smov.u32 @p1 s8;
	p1 =	sgt.s32 s2, $0x0  }
0xe3: {  	s26 =	ssub.s32 s0, s22;
	s2 =	simm.s32 @!p1 $0x0  }
0xe4: {  	p1 =	slt.s32 s2, s26  }
0xe5: {  	s26 =	smov.u32 @p1 s2  }
0xe6: {  	s25 =	simm.s32 $0x1;
	p1 =	slt.s32 s26, $0x1  }
.Ltmp12:
0xe7: {  	s25 =	simm.s32 @!p0 $0x0;
	(pc) =	sbr.rel @p1 .LBB3_8-.Ltmp12, $4  }
0xe8: {  	s31 =	smul.u32 $0x3C0, s25  }
0xe9: {  	s28 =	spop (v2sf)  }
0xea: {  	s0 =	sshrl.u32 s31, $0x2;
	s30 =	spop (v2sf)  }
0xeb: {  	s23 =	sadd.s32 $0x10518, s0;
	s22 =	spop (v2sf)  }
0xec: {  	s0 =	smin.u32 s26, $0x10  }
0xed: {  	v1 =	vmov s0  }
0xee: {  	p2 =	sgt.s32 s26, $0x10;
	vm1 =	vgt.u32 v1, v0  }
.Ltmp13:
0xef: {  	_ = 	snop;
	(pc) =	sbr.rel @!p2 .LBB3_7-.Ltmp13, $2  }
0xf0: {  	_ =	sdelay $0x2  }
0xf1: {  	s4 =	simm.s32 $0x10;
	s24 =	sadd.s32 $0xFFFFFFF0, s26;
	s0 =	smov.u32 s23;
	vm0 =	vmmov vm1  }
.LBB3_6:
0xf2: {  	s2 =	smin.u32 s24, $0x10;
	s4 =	sadd.s32 $0x10, s4;
	v1 =	vld.msk [tilespmem:s0+$0x0 ss:$0x1], vm1  }
0xf3: {  	v2 =	vmov s2;
	p2 =	slt.s32 s4, s26  }
0xf4: {  	vm1 =	vgt.u32 v2, v0  }
.Ltmp14:
0xf5: {  	(pc) =	sbr.rel @p2 .LBB3_6-.Ltmp14, $3  }
0xf6: {  	_ =	sdelay $0x1  }
0xf7: {  	v1 =	vshll.u32 v1, $0x4  }
0xf8: {  	s24 =	sadd.s32 $0xFFFFFFF0, s24;
	[tilespmem:s0+$0x0] =	vst.msk vm0, v1;
	s0 =	sadd.s32 $0x10, s0;
	vm0 =	vmmov vm1  }
.LBB3_7:
0xf9: {  	_ =	sdelay $0x4  }
0xfa: {  	v1 =	vld.msk [tilespmem:s0+$0x0 ss:$0x1], vm1;
	_ =	sdelay $0x4  }
0xfb: {  	v1 =	vshll.u32 v1, $0x4  }
0xfc: {  	[tilespmem:s0+$0x0] =	vst.msk vm0, v1  }
.LBB3_8:
0xfd: {  	s0 =	sand.u32 $0x1, s21  }
0xfe: {  	s0 =	smul.u32 $0xF0, s0  }
0xff: {  	p2 =	sne.s32 s30, $0xFFFFFFFF  }
0x100: {  	v1 =	vld.msk @!p2 [tilespmem:s0+$0x10518], $0x1;
	_ =	sdelay $0x4  }
0x101: {  	(v2sf) =	vpush @!p2 v1, $0x0;
	_ =	sdelay $0xc  }
.Ltmp15:
0x102: {  	_ = 	snop;
	(pc) =	sbr.rel @p1 .LBB3_19-.Ltmp15, $4  }
0x103: {  	_ = 	snop  }
0x104: {  	s29 =	spop @!p2 (v2sf)  }
0x105: {  	s22 =	simm.s32 @!p2 $0x0;
	s24 =	smov.u32 s29  }
0x106: {  	[sflag:s18] =	ssyncpa.u1 $0x0;
	s29 =	smov.u32 @p2 s28;
	s24 =	smov.u32 @p2 s30  }
0x107: {  	v1 =	vld.msk [tilespmem:s23+$0x0], $0x1;
	_ =	sdelay $0x4  }
0x108: {  	(v2sf) =	vpush v1, $0x0;
	_ =	sdelay $0xe  }
0x109: {  	s2 =	smul.u32 $0x1E000, s25;
	s0 =	spop (v2sf)  }
0x10a: {  	s26 =	ssub.s32 $0x0, s26;
	p1 =	seq.s32 s29, s0  }
0x10b: {  	s30 =	sadd.s32 $0x1, s26;
	s2 =	sshrl.u32 s2, $0x2;
	p2 =	sgt.s32 @!p1 s29, $0x0  }
0x10c: {  	s25 =	sor.u32 $0x10738, s2;
	s2 =	smov.u32 s29;
	p2 =	por !p2, p1  }
0x10d: {  	s2 =	simm.s32 @p2 $0x0;
	p2 =	seq.s32 s30, $0x0  }
.Ltmp16:
0x10e: {  	_ = 	snop;
	(pc) =	sbr.rel @p2 .LBB3_11-.Ltmp16, $4  }
0x10f: {  	_ = 	snop  }
0x110: {  	s28 =	simm.s32 $0x0;
	s31 =	sadd.s32 $0x1, s23;
	s2 =	smin.u32 @!p1 s2, $0x9C3F0  }
0x111: {  	s4 =	simm.s32 @!p1 $0x1;
	s5 =	simm.s32 @!p1 $0x7988;
	s3 =	sand.u32 @!p1 $0xFFFF8, s2  }
0x112: {  	s4 =	smov.u32 @p1 s28;
	s2 =	sand.u32 @!p1 $0x7, s2;
	s3 =	sadd.s32 @!p1 s1, s3  }
.LBB3_10:
0x113: {  	s9 =	smov.u32 s4  }
0x114: {  	[tilespmem:s5], [sflag:$0x2] =	stream.linear.gather @!p1 [hbm4b:s3+s2], $0x80, $0x38;
	[tilespmem:$0x1F6F8] =	vst v63  }
0x115: {  	s30 =	sadd.s32 $0x1, s30;
	s2 =	smov.u32 s0;
	v1 =	vld.msk [tilespmem:s31+$0x0], $0x1  }
0x116: {  	p2 =	seq.s32 s30, $0x0;
	_ =	sdelay $0x3  }
0x117: {  	(v2sf) =	vpush v1, $0x0;
	_ =	sdelay $0xe  }
0x118: {  	s0 =	spop (v2sf)  }
0x119: {  	p1 =	seq.s32 s2, s0  }
0x11a: {  	p3 =	sgt.s32 @!p1 s2, $0x0;
	s3 =	sshll.u32 @!p1 s4, $0x9;
	s4 =	sadd.s32 @!p1 $0x1, s4  }
.Ltmp17:
0x11b: {  	p3 =	por !p3, p1;
	s3 =	sshra.s32 @!p1 s3, $0x2;
	(pc) =	sbr.rel @!p2 .LBB3_10-.Ltmp17, $4  }
0x11c: {  	s4 =	smov.u32 @p1 s9;
	s2 =	simm.s32 @p3 $0x0;
	s5 =	sadd.s32 @!p1 $0x7988, s3  }
0x11d: {  	s2 =	smin.u32 @!p1 s2, $0x9C3F0  }
0x11e: {  	s3 =	sand.u32 @!p1 $0xFFFF8, s2;
	s2 =	sand.u32 @!p1 $0x7, s2  }
0x11f: {  	s31 =	sadd.s32 $0x1, s31;
	s3 =	sadd.s32 @!p1 s1, s3  }
.LBB3_11:
0x120: {  	[tilespmem:s5], [sflag:$0x2] =	stream.linear.gather @!p1 [hbm4b:s3+s2], $0x80, $0x38;
	[tilespmem:$0x1F6F8] =	vst v63  }
.Ltmp18:
0x121: {  	s0 =	sshll.u32 s4, $0x7;
	(pc) =	sbr.rel .LBB3_12-.Ltmp18, $4  }
0x122: {  	s30 =	simm.s32 $0x2;
	s0 =	sand.u32 $0x3FFFFF80, s0  }
0x123: {  	_ =	swait.ge [sflag:s30], s0  }
0x124: {  	s0 =	ssub.s32 $0x0, s0;
	[sflag:s30] =	ssyncset.done $0x0  }
0x125: {  	s31 =	simm.s32 $0x0;
	[sflag:s30] =	ssyncadd.s32 s0  }
.LBB3_13:
0x126: {  	v1 =	vld [tilespmem:s25+$0xFFFFFFC0];
	_ =	sdelay $0x3  }
0x127: {  	s0 =	sshra.s32 s0, $0x2  }
0x128: {  	[tilespmem:s0+$0x108] =	vst.add.f32.msk $0xffff, v1  }
0x129: {  	v1 =	vld [tilespmem:s25+$0xFFFFFFD0];
	_ =	sdelay $0x4  }
0x12a: {  	[tilespmem:s0+$0x118] =	vst.add.f32.msk $0xffff, v1  }
0x12b: {  	v1 =	vld [tilespmem:s25+$0xFFFFFFE0];
	_ =	sdelay $0x4  }
0x12c: {  	[tilespmem:s0+$0x128] =	vst.add.f32.msk $0xffff, v1  }
0x12d: {  	v1 =	vld [tilespmem:s25+$0xFFFFFFF0];
	_ =	sdelay $0x4  }
0x12e: {  	[tilespmem:s0+$0x138] =	vst.add.f32.msk $0xffff, v1  }
0x12f: {  	v1 =	vld [tilespmem:s25+$0x0];
	_ =	sdelay $0x4  }
0x130: {  	[tilespmem:s0+$0x148] =	vst.add.f32.msk $0xffff, v1  }
0x131: {  	v1 =	vld [tilespmem:s25+$0x10];
	_ =	sdelay $0x4  }
0x132: {  	[tilespmem:s0+$0x158] =	vst.add.f32.msk $0xffff, v1  }
0x133: {  	v1 =	vld [tilespmem:s25+$0x20];
	_ =	sdelay $0x4  }
0x134: {  	[tilespmem:s0+$0x168] =	vst.add.f32.msk $0xffff, v1  }
0x135: {  	v1 =	vld [tilespmem:s25+$0x30];
	_ =	sdelay $0x4  }
0x136: {  	[tilespmem:s0+$0x178] =	vst.add.f32.msk $0xffff, v1  }
.LBB3_17:
0x137: {  	s26 =	sadd.s32 $0x1, s26  }
0x138: {  	p1 =	seq.s32 s26, $0x0  }
.Ltmp19:
0x139: {  	_ = 	snop;
	(pc) =	sbr.rel @p1 .LBB3_18-.Ltmp19, $2  }
0x13a: {  	_ =	sdelay $0x2  }
0x13b: {  	s23 =	sadd.s32 $0x1, s23;
	s25 =	sadd.s32 $0x80, s25;
	s29 =	smov.u32 s30  }
.LBB3_12:
0x13c: {  	v1 =	vld.msk [tilespmem:s23+$0x0], $0x1;
	_ =	sdelay $0x4  }
0x13d: {  	(v2sf) =	vpush v1, $0x0;
	_ =	sdelay $0xe  }
0x13e: {  	s30 =	spop (v2sf)  }
0x13f: {  	p1 =	sne.s32 s29, s30  }
.Ltmp20:
0x140: {  	_ = 	snop;
	(pc) =	sbr.rel @!p1 .LBB3_13-.Ltmp20, $2  }
0x141: {  	_ =	sdelay $0x2  }
0x142: {  	s0 =	sshll.u32 s22, $0x9  }
0x143: {  	p1 =	seq.s32 s29, s24  }
.Ltmp21:
0x144: {  	_ = 	snop;
	(pc) =	sbr.rel @!p1 .LBB3_15-.Ltmp21, $1  }
0x145: {  	_ =	sdelay $0x3  }
0x146: {  	s0 =	sshra.s32 s0, $0x2  }
.Ltmp22:
0x147: {  	s0 =	sadd.s32 $0x108, s0;
	(pc) =	sbr.rel .LBB3_16-.Ltmp22, $4  }
0x148: {  	[spmem:s16] =	stream.linear.scatter [tilespmem:s0], [sflag:$0x1], $0x80, $0x38;
	[tilespmem:$0x1F6F8] =	vst v63  }
0x149: {  	_ =	swait.ge [sflag:s12], $0x80  }
0x14a: {  	[sflag:s12] =	ssyncset.done $0x0  }
0x14b: {  	[sflag:s12] =	ssyncadd.s32 $0xFFFFFF80  }
.LBB3_15:
0x14c: {  	s2 =	sshll.u32 s28, $0x9  }
0x14d: {  	s2 =	sshra.s32 s2, $0x2  }
0x14e: {  	v1 =	vld [tilespmem:s2+$0x7988];
	_ =	sdelay $0x3  }
0x14f: {  	s0 =	sshra.s32 s0, $0x2  }
0x150: {  	[tilespmem:s0+$0x108] =	vst.add.f32.msk $0xffff, v1  }
0x151: {  	v1 =	vld [tilespmem:s2+$0x7998];
	_ =	sdelay $0x4  }
0x152: {  	[tilespmem:s0+$0x118] =	vst.add.f32.msk $0xffff, v1  }
0x153: {  	v1 =	vld [tilespmem:s2+$0x79A8];
	_ =	sdelay $0x4  }
0x154: {  	[tilespmem:s0+$0x128] =	vst.add.f32.msk $0xffff, v1  }
0x155: {  	v1 =	vld [tilespmem:s2+$0x79B8];
	_ =	sdelay $0x4  }
0x156: {  	[tilespmem:s0+$0x138] =	vst.add.f32.msk $0xffff, v1  }
0x157: {  	v1 =	vld [tilespmem:s2+$0x79C8];
	_ =	sdelay $0x4  }
0x158: {  	[tilespmem:s0+$0x148] =	vst.add.f32.msk $0xffff, v1  }
0x159: {  	v1 =	vld [tilespmem:s2+$0x79D8];
	_ =	sdelay $0x4  }
0x15a: {  	[tilespmem:s0+$0x158] =	vst.add.f32.msk $0xffff, v1  }
0x15b: {  	v1 =	vld [tilespmem:s2+$0x79E8];
	_ =	sdelay $0x4  }
0x15c: {  	[tilespmem:s0+$0x168] =	vst.add.f32.msk $0xffff, v1  }
0x15d: {  	v1 =	vld [tilespmem:s2+$0x79F8];
	_ =	sdelay $0x2  }
0x15e: {  	p1 =	sgt.u32 s29, $0x9C3F0  }
0x15f: {  	s2 =	sand.u32 @!p1 $0xFFFF8, s29  }
0x160: {  	s3 =	sadd.s32 $0x108, s0;
	[tilespmem:s0+$0x178] =	vst.add.f32.msk $0xffff, v1;
	s0 =	sadd.s32 @!p1 s1, s2;
	s2 =	sand.u32 @!p1 $0x7, s29  }
0x161: {  	[hbm4b:s0+s2] =	stream.linear.scatter @!p1 [tilespmem:s3], [sflag:$0xC], $0x80, $0x38;
	[tilespmem:$0x1F6F8] =	vst v63  }
0x162: {  	s0 =	simm.s32 $0x0  }
0x163: {  	s0 =	simm.s32 @!p1 $0x200  }
0x164: {  	s31 =	sadd.s32 s0, s31  }
.LBB3_16:
0x165: {  	s0 =	sadd.s32 $0x1, s22  }
0x166: {  	s2 =	smulhi.u32 $0x88888889, s0;
	_ =	sdelay $0x1  }
0x167: {  	v1 =	vld [tilespmem:s25+$0xFFFFFFC0];
	s2 =	sshrl.u32 s2, $0x7  }
0x168: {  	s2 =	smul.u32 $0xF0, s2;
	_ =	sdelay $0x1  }
0x169: {  	s22 =	ssub.s32 s0, s2  }
0x16a: {  	s0 =	sshll.u32 s22, $0x7  }
0x16b: {  	[tilespmem:s0+$0x108] =	vst v1  }
0x16c: {  	v1 =	vld [tilespmem:s25+$0xFFFFFFD0];
	_ =	sdelay $0x4  }
0x16d: {  	[tilespmem:s0+$0x118] =	vst v1  }
0x16e: {  	v1 =	vld [tilespmem:s25+$0xFFFFFFE0];
	_ =	sdelay $0x4  }
0x16f: {  	[tilespmem:s0+$0x128] =	vst v1  }
0x170: {  	v1 =	vld [tilespmem:s25+$0xFFFFFFF0];
	_ =	sdelay $0x4  }
0x171: {  	[tilespmem:s0+$0x138] =	vst v1  }
0x172: {  	v1 =	vld [tilespmem:s25+$0x0];
	_ =	sdelay $0x4  }
0x173: {  	[tilespmem:s0+$0x148] =	vst v1  }
0x174: {  	v1 =	vld [tilespmem:s25+$0x10];
	_ =	sdelay $0x4  }
0x175: {  	[tilespmem:s0+$0x158] =	vst v1  }
0x176: {  	v1 =	vld [tilespmem:s25+$0x20];
	_ =	sdelay $0x4  }
0x177: {  	[tilespmem:s0+$0x168] =	vst v1  }
0x178: {  	v1 =	vld [tilespmem:s25+$0x30]  }
.Ltmp23:
0x179: {  	_ = 	snop;
	(pc) =	sbr.rel .LBB3_17-.Ltmp23, $2  }
0x17a: {  	_ =	sdelay $0x2  }
0x17b: {  	s28 =	sadd.s32 $0x1, s28;
	[tilespmem:s0+$0x178] =	vst v1  }
.LBB3_19:
.Ltmp24:
0x17c: {  	(pc) =	sbr.rel .LBB3_20-.Ltmp24, $4  }
0x17d: {  	_ = 	snop  }
0x17e: {  	s0 =	simm.s32 $0x2  }
0x17f: {  	_ =	swait.ge [sflag:s0], $0x0  }
0x180: {  	s30 =	smov.u32 s29;
	[sflag:s0] =	ssyncset.done $0x0;
	s0 =	simm.s32 $0x0  }
.LBB3_22:
0x181: {  	_ =	sfence.sel $0x180000  }
0x182: {  	s0 =	simm.s32 $0x9;
	[bflag:$0x0] =	sbarrier.arrive $0xFFFF  }
0x183: {  	s24 =	simm.s32 $0xA;
	[sflag:s0] =	ssyncpa.u1 $0x1  }
0x184: {  	s25 =	simm.s32 $0xB;
	[sflag:s24] =	ssyncpa.u1 $0x1  }
0x185: {  	s26 =	simm.s32 $0x2;
	[sflag:s25] =	ssyncpa.u1 $0x1  }
0x186: {  	[sflag:s26] =	ssyncpa.u1 $0x1  }
0x187: {  	v0 =	vld [tilespmem:$0xF208];
	_ =	sdelay $0x4  }
0x188: {  	(v2sf) =	vpush v0, $0x0  }
0x189: {  	(v2sf) =	vpush v0, $0x1;
	_ =	sdelay $0x1  }
0x18a: {  	(v2sf) =	vpush v0, $0x2;
	_ =	sdelay $0xb  }
0x18b: {  	s0 =	spop (v2sf)  }
0x18c: {  	s2 =	spop (v2sf)  }
0x18d: {  	s3 =	smov.u32 s0;
	p0 =	sne.s32 s0, s2  }
0x18e: {  	s4 =	spop (v2sf);
	s3 =	simm.s32 @!p0 $0xFFFFFFFF  }
0x18f: {  	v2 =	vimm.s32 $0x1;
	v3 =	vlaneseq.u32;
	p0 =	seq.s32 s4, $0xFFFFFFFF;
	v1 =	vmov s3  }
0x190: {  	s16 =	stileid.u32;
	v0 =	vperm.xlane v0, v2;
	p1 =	sne.s32 @!p0 s0, s2;
	v1 =	vperm.xlane v1, v3  }
0x191: {  	vm0 =	vcmask $0x3F04;
	s6 =	simm.s32 $0xF208;
	s0 =	simm.s32 @!p0 $0x1;
	p1 =	por !p1, p0  }
0x192: {  	s3 =	sshll.u32 s16, $0x1;
	s2 =	sshll.u32 @!p0 s4, $0x9;
	s0 =	simm.s32 @p1 $0x0;
	v0 =	vsel vm0, v1, v0  }
0x193: {  	s5 =	sor.u32 $0x1000, s3;
	s2 =	sshra.s32 @!p0 s2, $0x2;
	s0 =	sor.u32 @!p0 s0, s3;
	[tilespmem:$0xF208] =	vst v0  }
0x194: {  	[spmem:s5] =	stream.linear.scatter [tilespmem:s6], [sflag:$0x1], $0x2, $0x38;
	[tilespmem:$0x1F6F8] =	vst v63  }
0x195: {  	s2 =	sadd.s32 @!p0 $0x108, s2;
	s0 =	sshll.u32 @!p0 s0, $0x7  }
0x196: {  	[spmem:s0] =	stream.linear.scatter @!p0 [tilespmem:s2], [sflag:$0x1], $0x80, $0x38;
	[tilespmem:$0x1F6F8] =	vst v63  }
0x197: {  	s0 =	simm.s32 @!p0 $0x82  }
0x198: {  	s28 =	simm.s32 $0x1;
	s0 =	simm.s32 @p0 $0x2  }
0x199: {  	_ =	swait.ge [sflag:s28], s0  }
0x19a: {  	s0 =	ssub.s32 $0x0, s0;
	[sflag:s28] =	ssyncset.done $0x0  }
0x19b: {  	p0 =	sne.s32 s16, $0x0;
	[sflag:s28] =	ssyncadd.s32 s0  }
.Ltmp25:
0x19c: {  	_ =	sfence.stream.spmem;
	(pc) =	sbr.rel @p0 .LBB3_39-.Ltmp25, $4  }
0x19d: {  	s29 =	simm.s32 $0x3;
	[bflag:$0x0] =	sbarrier.arrive $0xFFFF  }
0x19e: {  	s30 =	simm.s32 $0x4;
	[sflag:s29] =	ssyncpa.u1 $0x1  }
0x19f: {  	s31 =	simm.s32 $0x3C;
	[sflag:s30] =	ssyncpa.u1 $0x1  }
0x1a0: {  	s15 =	rddreg [dreg:$0x4];
	[sflag:s31] =	ssyncpa.u1 $0x1  }
0x1a1: {  	_ =	sfence.stream.spmem;
	s0 =	simm.s32 $0x5  }
0x1a2: {  	s2 =	simm.s32 $0x1000;
	s3 =	simm.s32 $0xF218;
	[sflag:s0] =	ssyncpa.u1 $0x0  }
0x1a3: {  	[tilespmem:s3], [sflag:$0x5] =	stream.linear.gather [spmem:s2], $0x20, $0x38;
	[tilespmem:$0x1F6F8] =	vst v63  }
0x1a4: {  	s26 =	simm.s32 $0x0;
	s28 =	simm.s32 $0xF238  }
0x1a5: {  	[tilespmem:s28], [sflag:$0x5] =	stream.linear.gather [spmem:s26], $0x1000, $0x38;
	[tilespmem:$0x1F6F8] =	vst v63  }
0x1a6: {  	_ =	swait.ge [sflag:s0], $0x1020  }
0x1a7: {  	[sflag:s0] =	ssyncset.done $0x0  }
0x1a8: {  	s29 =	simm.s32 $0x0;
	[sflag:s0] =	ssyncadd.s32 $0xFFFFEFE0  }
0x1a9: {  	v0 =	vld.msk [tilespmem:s29+$0xF218], $0x1;
	_ =	sdelay $0x1  }
0x1aa: {  	s30 =	simm.s32 $0x1  }
0x1ab: {  	v1 =	vld.msk [tilespmem:s30+$0xF218], $0x1;
	_ =	sdelay $0x1  }
0x1ac: {  	(v2sf) =	vpush v0, $0x0;
	_ =	sdelay $0x2  }
0x1ad: {  	(v2sf) =	vpush v1, $0x0;
	_ =	sdelay $0x2  }
0x1ae: {  	s31 =	simm.s32 $0x2  }
0x1af: {  	v0 =	vld.msk [tilespmem:s31+$0xF218], $0x1;
	_ =	sdelay $0x2  }
0x1b0: {  	s4 =	simm.s32 $0xFFFFFFFF;
	s5 =	simm.s32 $0xFFFFFFFF;
	s0 =	simm.s32 $0xC  }
.LBB3_24:
0x1b1: {  	s2 =	smov.u32 s5;
	s3 =	smov.u32 s4  }
0x1b2: {  	s4 =	sshra.s32 s0, $0x2;
	p1 =	sne.s32 s0, $0x7C;
	s0 =	sadd.s32 $0x4, s0;
	(v2sf) =	vpush v0, $0x0  }
0x1b3: {  	v0 =	vld.msk [tilespmem:s4+$0xF218], $0x1  }
.Ltmp26:
0x1b4: {  	(pc) =	sbr.rel @p1 .LBB3_24-.Ltmp26, $4  }
0x1b5: {  	s5 =	spop (v2sf)  }
0x1b6: {  	p2 =	sne.s32 s3, $0xFFFFFFFF;
	s4 =	smov.u32 s5  }
0x1b7: {  	p3 =	seq.s32 s5, $0xFFFFFFFF;
	s4 =	smov.u32 @p2 s3  }
0x1b8: {  	s5 =	smov.u32 @p3 s2;
	s4 =	smov.u32 @p3 s3  }
0x1b9: {  	(v2sf) =	vpush v0, $0x0;
	_ =	sdelay $0x8  }
0x1ba: {  	s0 =	spop (v2sf)  }
0x1bb: {  	p1 =	sne.s32 s4, $0xFFFFFFFF;
	s2 =	smov.u32 s0  }
0x1bc: {  	s9 =	simm.s32 $0x6;
	p2 =	seq.s32 s0, $0xFFFFFFFF;
	s2 =	smov.u32 @p1 s4  }
0x1bd: {  	s6 =	simm.s32 $0x0;
	s2 =	smov.u32 @p2 s4;
	s3 =	spop (v2sf)  }
0x1be: {  	s0 =	smov.u32 @p2 s5;
	p1 =	sne.s32 s2, $0xFFFFFFFF;
	s4 =	smov.u32 s3  }
.Ltmp27:
0x1bf: {  	p2 =	seq.s32 s3, $0xFFFFFFFF;
	s4 =	smov.u32 @p1 s2;
	(pc) =	sbr.rel .LBB3_26-.Ltmp27, $4  }
0x1c0: {  	s10 =	simm.s32 $0xF188;
	s4 =	smov.u32 @p2 s2;
	s7 =	spop (v2sf)  }
0x1c1: {  	s11 =	simm.s32 $0x0;
	p1 =	sne.s32 s4, $0xFFFFFFFF;
	s8 =	smov.u32 s7  }
0x1c2: {  	s3 =	smov.u32 @p2 s0;
	p2 =	seq.s32 s7, $0xFFFFFFFF;
	s8 =	smov.u32 @p1 s4  }
0x1c3: {  	[sflag:s9] =	ssyncpa.u1 $0x0;
	s7 =	smov.u32 @p2 s3;
	s8 =	smov.u32 @p2 s4  }
.LBB3_32:
0x1c4: {  	p1 =	sgt.u32 s12, $0x9C3F0  }
0x1c5: {  	p2 =	seq.s32 @!p1 s12, s8  }
0x1c6: {  	p1 =	por p1, p2  }
0x1c7: {  	p2 =	sne.s32 @!p1 s12, s7  }
0x1c8: {  	p1 =	por p1, !p2  }
0x1c9: {  	s0 =	sshll.u32 @p1 s11, $0x9  }
0x1ca: {  	s0 =	sand.u32 @!p1 $0xFFFF8, s12  }
0x1cb: {  	s2 =	sand.u32 @!p1 $0x7, s12;
	s0 =	sadd.s32 @!p1 s1, s0  }
0x1cc: {  	[tilespmem:s10], [sflag:$0x6] =	stream.linear.gather @!p1 [hbm4b:s0+s2], $0x80, $0x38;
	[tilespmem:$0x1F6F8] =	vst v63  }
0x1cd: {  	_ =	swait.ge @!p1 [sflag:s9], $0x80  }
0x1ce: {  	[sflag:s9] =	ssyncset.done @!p1 $0x0  }
0x1cf: {  	[sflag:s9] =	ssyncadd.s32 @!p1 $0xFFFFFF80  }
0x1d0: {  	v1 =	vld @!p1 [tilespmem:$0xF188];
	_ =	sdelay $0x2  }
0x1d1: {  	s0 =	sshll.u32 @!p1 s11, $0x9  }
0x1d2: {  	s2 =	sshrl.u32 @!p1 s0, $0x2  }
0x1d3: {  	[tilespmem:s2+$0xF238] =	vst.add.f32.msk @!p1 $0xffff, v1  }
0x1d4: {  	v1 =	vld @!p1 [tilespmem:$0xF198];
	_ =	sdelay $0x4  }
0x1d5: {  	[tilespmem:s2+$0xF248] =	vst.add.f32.msk @!p1 $0xffff, v1  }
0x1d6: {  	v1 =	vld @!p1 [tilespmem:$0xF1A8];
	_ =	sdelay $0x4  }
0x1d7: {  	[tilespmem:s2+$0xF258] =	vst.add.f32.msk @!p1 $0xffff, v1  }
0x1d8: {  	v1 =	vld @!p1 [tilespmem:$0xF1B8];
	_ =	sdelay $0x4  }
0x1d9: {  	[tilespmem:s2+$0xF268] =	vst.add.f32.msk @!p1 $0xffff, v1  }
0x1da: {  	v1 =	vld @!p1 [tilespmem:$0xF1C8];
	_ =	sdelay $0x4  }
0x1db: {  	[tilespmem:s2+$0xF278] =	vst.add.f32.msk @!p1 $0xffff, v1  }
0x1dc: {  	v1 =	vld @!p1 [tilespmem:$0xF1D8];
	_ =	sdelay $0x4  }
0x1dd: {  	[tilespmem:s2+$0xF288] =	vst.add.f32.msk @!p1 $0xffff, v1  }
0x1de: {  	v1 =	vld @!p1 [tilespmem:$0xF1E8];
	_ =	sdelay $0x4  }
0x1df: {  	[tilespmem:s2+$0xF298] =	vst.add.f32.msk @!p1 $0xffff, v1  }
0x1e0: {  	v1 =	vld @!p1 [tilespmem:$0xF1F8];
	_ =	sdelay $0x4  }
0x1e1: {  	[tilespmem:s2+$0xF2A8] =	vst.add.f32.msk @!p1 $0xffff, v1  }
0x1e2: {  	s0 =	sshrl.u32 s0, $0x2;
	[tilespmem:s6+$0xF218] =	vst.msk $0x1, v0  }
0x1e3: {  	v0 =	vld [tilespmem:s0+$0xF238];
	_ =	sdelay $0x2  }
0x1e4: {  	s31 =	sshll.u32 s6, $0x9  }
0x1e5: {  	s2 =	sshra.s32 s31, $0x2  }
0x1e6: {  	[tilespmem:s2+$0xF238] =	vst v0  }
0x1e7: {  	v0 =	vld [tilespmem:s0+$0xF248];
	_ =	sdelay $0x4  }
0x1e8: {  	[tilespmem:s2+$0xF248] =	vst v0  }
0x1e9: {  	v0 =	vld [tilespmem:s0+$0xF258];
	_ =	sdelay $0x4  }
0x1ea: {  	[tilespmem:s2+$0xF258] =	vst v0  }
0x1eb: {  	v0 =	vld [tilespmem:s0+$0xF268];
	_ =	sdelay $0x4  }
0x1ec: {  	[tilespmem:s2+$0xF268] =	vst v0  }
0x1ed: {  	v0 =	vld [tilespmem:s0+$0xF278];
	_ =	sdelay $0x4  }
0x1ee: {  	[tilespmem:s2+$0xF278] =	vst v0  }
0x1ef: {  	v0 =	vld [tilespmem:s0+$0xF288];
	_ =	sdelay $0x4  }
0x1f0: {  	[tilespmem:s2+$0xF288] =	vst v0  }
0x1f1: {  	v0 =	vld [tilespmem:s0+$0xF298];
	_ =	sdelay $0x4  }
0x1f2: {  	[tilespmem:s2+$0xF298] =	vst v0  }
0x1f3: {  	v0 =	vld [tilespmem:s0+$0xF2A8];
	_ =	sdelay $0x4  }
0x1f4: {  	s6 =	sadd.s32 $0x1, s6;
	[tilespmem:s2+$0xF2A8] =	vst v0  }
.LBB3_33:
0x1f5: {  	s11 =	sadd.s32 $0x1, s11  }
0x1f6: {  	p1 =	sne.s32 s11, $0x20  }
.Ltmp28:
0x1f7: {  	_ = 	snop;
	(pc) =	sbr.rel @!p1 .LBB3_34-.Ltmp28, $1  }
0x1f8: {  	_ =	sdelay $0x3  }
.LBB3_26:
0x1f9: {  	v0 =	vld.msk [tilespmem:s11+$0xF218], $0x1;
	_ =	sdelay $0x4  }
0x1fa: {  	(v2sf) =	vpush v0, $0x0;
	_ =	sdelay $0xe  }
0x1fb: {  	s12 =	spop (v2sf)  }
0x1fc: {  	p1 =	seq.s32 s12, $0xFFFFFFFF  }
.Ltmp29:
0x1fd: {  	_ = 	snop;
	(pc) =	sbr.rel @p1 .LBB3_33-.Ltmp29, $1  }
0x1fe: {  	_ =	sdelay $0x3  }
0x1ff: {  	p1 =	slt.s32 s6, $0x1  }
.Ltmp30:
0x200: {  	_ = 	snop;
	(pc) =	sbr.rel @p1 .LBB3_32-.Ltmp30, $1  }
0x201: {  	_ =	sdelay $0x3  }
0x202: {  	s13 =	simm.s32 $0xF218;
	p1 =	por $0x0, $0x0  }
0x203: {  	v1 =	vld.msk @!p1 [tilespmem:s13+$0x0], $0x1;
	_ =	sdelay $0x4  }
0x204: {  	(v2sf) =	vpush @!p1 v1, $0x0;
	_ =	sdelay $0xd  }
0x205: {  	p3 =	sne.s32 s6, $0x1  }
.Ltmp31:
0x206: {  	s0 =	spop @!p1 (v2sf);
	(pc) =	sbr.rel @!p3 .LBB3_30-.Ltmp31, $4  }
0x207: {  	p2 =	seq.s32 @!p1 s12, s0  }
0x208: {  	s14 =	simm.s32 $0x0;
	p2 =	por !p2, p1  }
0x209: {  	s2 =	simm.s32 $0xFFFFFFFF;
	s14 =	simm.s32 @p2 $0xFFFFFFFF  }
0x20a: {  	s0 =	simm.s32 $0x1;
	s14 =	smov.u32 @p1 s2  }
.LBB3_29:
0x20b: {  	s2 =	smov.u32 s14;
	p1 =	sne.s32 s14, $0xFFFFFFFF  }
0x20c: {  	s13 =	sadd.s32 $0x1, s13;
	s14 =	smov.u32 s0;
	s0 =	sadd.s32 $0x1, s0  }
0x20d: {  	p2 =	sne.s32 s6, s0;
	v1 =	vld.msk @!p1 [tilespmem:s13+$0x0], $0x1;
	_ =	sdelay $0x4  }
0x20e: {  	(v2sf) =	vpush @!p1 v1, $0x0;
	_ =	sdelay $0xe  }
.Ltmp32:
0x20f: {  	s3 =	spop @!p1 (v2sf);
	(pc) =	sbr.rel @p2 .LBB3_29-.Ltmp32, $4  }
0x210: {  	p3 =	seq.s32 @!p1 s12, s3  }
0x211: {  	p3 =	por !p3, p1  }
0x212: {  	s14 =	simm.s32 @p3 $0xFFFFFFFF  }
0x213: {  	s14 =	smov.u32 @p1 s2  }
.LBB3_30:
0x214: {  	p1 =	seq.s32 s14, $0xFFFFFFFF  }
.Ltmp33:
0x215: {  	_ = 	snop;
	(pc) =	sbr.rel @p1 .LBB3_32-.Ltmp33, $1  }
0x216: {  	_ =	sdelay $0x3  }
0x217: {  	s0 =	sshll.u32 s11, $0x7  }
0x218: {  	s0 =	sand.u32 $0x3FFFFF80, s0  }
0x219: {  	v0 =	vld [tilespmem:s0+$0xF238];
	_ =	sdelay $0x2  }
0x21a: {  	s2 =	sshll.u32 s14, $0x9  }
0x21b: {  	s2 =	sshra.s32 s2, $0x2  }
0x21c: {  	[tilespmem:s2+$0xF238] =	vst.add.f32.msk $0xffff, v0  }
0x21d: {  	v0 =	vld [tilespmem:s0+$0xF248];
	_ =	sdelay $0x4  }
0x21e: {  	[tilespmem:s2+$0xF248] =	vst.add.f32.msk $0xffff, v0  }
0x21f: {  	v0 =	vld [tilespmem:s0+$0xF258];
	_ =	sdelay $0x4  }
0x220: {  	[tilespmem:s2+$0xF258] =	vst.add.f32.msk $0xffff, v0  }
0x221: {  	v0 =	vld [tilespmem:s0+$0xF268];
	_ =	sdelay $0x4  }
0x222: {  	[tilespmem:s2+$0xF268] =	vst.add.f32.msk $0xffff, v0  }
0x223: {  	v0 =	vld [tilespmem:s0+$0xF278];
	_ =	sdelay $0x4  }
0x224: {  	[tilespmem:s2+$0xF278] =	vst.add.f32.msk $0xffff, v0  }
0x225: {  	v0 =	vld [tilespmem:s0+$0xF288];
	_ =	sdelay $0x4  }
0x226: {  	[tilespmem:s2+$0xF288] =	vst.add.f32.msk $0xffff, v0  }
0x227: {  	v0 =	vld [tilespmem:s0+$0xF298];
	_ =	sdelay $0x4  }
0x228: {  	[tilespmem:s2+$0xF298] =	vst.add.f32.msk $0xffff, v0  }
0x229: {  	v0 =	vld [tilespmem:s0+$0xF2A8]  }
.Ltmp34:
0x22a: {  	_ = 	snop;
	(pc) =	sbr.rel .LBB3_33-.Ltmp34, $2  }
0x22b: {  	_ =	sdelay $0x2  }
0x22c: {  	[tilespmem:s2+$0xF2A8] =	vst.add.f32.msk $0xffff, v0  }
.LBB3_34:
0x22d: {  	s0 =	simm.s32 $0x6;
	p1 =	seq.s32 s6, $0x0  }
0x22e: {  	[sflag:s0] =	ssyncpa.u1 $0x1;
	v0 =	vimm.s32 @p1 $0xFFFFFFFF  }
0x22f: {  	s9 =	sadd.s32 $0xFFFFFFFF, s6;
	[tilespmem:$0x10238] =	vst @p1 v0  }
0x230: {  	v0 =	vld.msk @!p1 [tilespmem:s9+$0xF218], $0x1;
	_ =	sdelay $0x1  }
0x231: {  	v1 =	vld.msk @!p1 [tilespmem:$0xF218], $0x1;
	_ =	sdelay $0x2  }
0x232: {  	p2 =	seq.s32 @!p1 s9, $0x0;
	v0 =	vbroadcast @!p1 v0, $0x0  }
0x233: {  	vm0 =	vmmov @!p1 $0x1;
	p2 =	por !p2, p1  }
0x234: {  	v1 =	vnsel @!p1 vm0, $0xFFFFFFFF, v1;
	vm0 =	vcmask @!p1 $0x308;
	v0 =	vpsel !p2, $0xFFFFFFFF, v0  }
0x235: {  	p2 =	sne.s32 @!p1 s8, s7;
	v0 =	vsel @!p1 vm0, v1, v0  }
0x236: {  	s0 =	simm.s32 @!p1 $0xF238;
	s2 =	simm.s32 @!p1 $0x0;
	p3 =	por !p2, p1;
	[tilespmem:$0x10238] =	vst @!p1 v0  }
0x237: {  	[spmem:s2] =	stream.linear.scatter @!p1 [tilespmem:s0], [sflag:$0x1], $0x80, $0x38;
	[tilespmem:$0x1F6F8] =	vst v63  }
0x238: {  	s0 =	sshll.u32 @!p3 s9, $0x9  }
0x239: {  	s0 =	sshra.s32 @!p3 s0, $0x2  }
0x23a: {  	s2 =	simm.s32 @!p3 $0x80;
	s0 =	sadd.s32 @!p3 $0xF238, s0  }
0x23b: {  	[spmem:s2] =	stream.linear.scatter @!p3 [tilespmem:s0], [sflag:$0x1], $0x80, $0x38;
	[tilespmem:$0x1F6F8] =	vst v63  }
0x23c: {  	s0 =	simm.s32 @!p3 $0x1  }
0x23d: {  	_ =	swait.ge @!p3 [sflag:s0], $0x100  }
0x23e: {  	p1 =	por p2, p1;
	[sflag:s0] =	ssyncset.done @!p3 $0x0  }
0x23f: {  	[sflag:s0] =	ssyncadd.s32 @!p3 $0xFFFFFF00;
	s0 =	simm.s32 @!p1 $0x1  }
0x240: {  	_ =	swait.ge @!p1 [sflag:s0], $0x80  }
0x241: {  	s29 =	simm.s32 $0x10238;
	[sflag:s0] =	ssyncset.done @!p1 $0x0  }
0x242: {  	s30 =	simm.s32 $0x1000;
	s31 =	simm.s32 $0x1;
	[sflag:s0] =	ssyncadd.s32 @!p1 $0xFFFFFF80  }
0x243: {  	[spmem:s30] =	stream.linear.scatter [tilespmem:s29], [sflag:$0x1], $0x10, $0x38;
	[tilespmem:$0x1F6F8] =	vst v63  }
0x244: {  	_ =	swait.ge [sflag:s31], $0x10  }
0x245: {  	[sflag:s31] =	ssyncset.done $0x0  }
0x246: {  	p1 =	seq.s32 s15, $0x0;
	s8 =	rddreg [dreg:$0x1];
	[sflag:s31] =	ssyncadd.s32 $0xFFFFFFF0  }
0x247: {  	s2 =	sshll.u32 @p1 s8, $0xE;
	s7 =	rddreg [dreg:$0x2]  }
0x248: {  	s0 =	sadd.s32 @p1 $0x15C3C, s2;
	s2 =	sshll.u32 @p1 s7, $0x11  }
0x249: {  	_ =	sfence.stream.spmem;
	s0 =	sor.u32 @p1 s2, s0  }
0x24a: {  	[sflag:s0] =	ssyncadd.remote.s32 @p1 $0x1;
	s0 =	simm.s32 @p1 $0x4  }
0x24b: {  	s3 =	simm.s32 @!p1 $0x3C;
	s2 =	sand.u32 $0xFFFFFFFE, s8;
	_ =	swait.ge @p1 [sflag:s0], $0x22  }
0x24c: {  	s4 =	simm.s32 @!p1 $0x0;
	s2 =	sadd.s32 @!p1 $0x4, s2;
	[sflag:s0] =	ssyncset.done @p1 $0x0  }
0x24d: {  	s5 =	simm.s32 @!p1 $0x100;
	[sflag:s0] =	ssyncadd.s32 @p1 $0xFFFFFFDE;
	s0 =	sshll.u32 @!p1 s2, $0x1A  }
0x24e: {  	s2 =	sshll.u32 @!p1 s2, $0xD;
	s0 =	sor.u32 @!p1 s0, s7;
	_ =	swait.eq @!p1 [sflag:s3], $0x1  }
0x24f: {  	s2 =	sor.u32 @!p1 $0x1C04, s2;
	s3 =	simm.s32 @!p1 $0x1C03;
	s0 =	sor.u32 @!p1 $0x80004000, s0  }
0x250: {  	[spmem:s5], [sflag:s2] =	dma.general @!p1 [spmem:s4], [sflag:s3], length:$0x20, [dreg:$0x0], stride_count:$0x0, ici_dest:s0, dma_misc:DstOpCode:WRITE  }
0x251: {  	p2 =	slt.s32 s9, $0x2;
	s4 =	simm.s32 @!p1 $0x200;
	s5 =	simm.s32 @!p1 $0x202  }
0x252: {  	[spmem:s5], [sflag:s2] =	dma.general @!p1 [spmem:s4], [sflag:s3], length:$0x2, [dreg:$0x0], stride_count:$0x0, ici_dest:s0, dma_misc:DstOpCode:WRITE  }
.Ltmp35:
0x253: {  	s0 =	simm.s32 @!p1 $0x3;
	(pc) =	sbr.rel @p2 .LBB3_38-.Ltmp35, $4  }
0x254: {  	s2 =	sshll.u32 @!p1 s8, $0xE;
	_ =	swait.ge @!p1 [sflag:s0], $0x22  }
0x255: {  	s3 =	sshll.u32 @!p1 s7, $0x11;
	s2 =	sadd.s32 @!p1 $0x11C3C, s2;
	[sflag:s0] =	ssyncset.done @!p1 $0x0  }
0x256: {  	[sflag:s0] =	ssyncadd.s32 @!p1 $0xFFFFFFDE;
	s0 =	sor.u32 @!p1 s3, s2  }
0x257: {  	[sflag:s0] =	ssyncadd.remote.s32 @!p1 $0xFFFFFFFF;
	s0 =	simm.s32 $0x0  }
0x258: {  	s0 =	simm.s32 $0xF219  }
0x259: {  	v0 =	vld.msk [tilespmem:s0+$0x0], $0x1;
	_ =	sdelay $0x4  }
0x25a: {  	(v2sf) =	vpush v0, $0x0;
	_ =	sdelay $0xb  }
0x25b: {  	s31 =	sadd.s32 $0xFFFFFFFE, s6  }
0x25c: {  	s0 =	sadd.s32 $0xFFFFFFFF, s31  }
0x25d: {  	p2 =	sne.s32 s0, $0x0  }
.Ltmp36:
0x25e: {  	s2 =	spop (v2sf);
	(pc) =	sbr.rel @!p2 .LBB3_37-.Ltmp36, $4  }
0x25f: {  	s4 =	simm.s32 $0xF2B8;
	s7 =	simm.s32 $0x0;
	p1 =	sgt.u32 s2, $0x9C3F0  }
0x260: {  	s5 =	simm.s32 $0x0;
	s6 =	simm.s32 $0xF21A;
	s3 =	sand.u32 @!p1 $0xFFFF8, s2  }
0x261: {  	s2 =	sand.u32 @!p1 $0x7, s2;
	s7 =	simm.s32 @!p1 $0x200;
	s3 =	sadd.s32 @!p1 s1, s3  }
0x262: {  	[hbm4b:s3+s2] =	stream.linear.scatter @!p1 [tilespmem:s4], [sflag:$0x5], $0x80, $0x38;
	[tilespmem:$0x1F6F8] =	vst v63  }
.LBB3_36:
0x263: {  	v0 =	vld.msk [tilespmem:s6+$0x0], $0x1;
	s0 =	sadd.s32 $0xFFFFFFFF, s0;
	s5 =	sadd.s32 s5, s7  }
0x264: {  	p1 =	sne.s32 s0, $0x0;
	_ =	sdelay $0x3  }
0x265: {  	(v2sf) =	vpush v0, $0x0;
	_ =	sdelay $0xe  }
.Ltmp37:
0x266: {  	s2 =	spop (v2sf);
	(pc) =	sbr.rel @p1 .LBB3_36-.Ltmp37, $4  }
0x267: {  	s7 =	simm.s32 $0x0;
	p2 =	sgt.u32 s2, $0x9C3F0  }
0x268: {  	s4 =	sadd.s32 $0x80, s4;
	s7 =	simm.s32 @!p2 $0x200;
	s3 =	sand.u32 @!p2 $0xFFFF8, s2  }
0x269: {  	s6 =	sadd.s32 $0x1, s6;
	s2 =	sand.u32 @!p2 $0x7, s2;
	s3 =	sadd.s32 @!p2 s1, s3  }
0x26a: {  	[hbm4b:s3+s2] =	stream.linear.scatter @!p2 [tilespmem:s4], [sflag:$0x5], $0x80, $0x38;
	[tilespmem:$0x1F6F8] =	vst v63  }
.LBB3_37:
0x26b: {  	s0 =	sadd.s32 s5, s7  }
0x26c: {  	s0 =	sshrl.u32 s0, $0x2  }
.LBB3_38:
0x26d: {  	s2 =	simm.s32 $0x5  }
0x26e: {  	_ =	swait.ge [sflag:s2], s0  }
0x26f: {  	s31 =	ssub.s32 $0x0, s0;
	[sflag:s2] =	ssyncset.done $0x0  }
0x270: {  	[sflag:s2] =	ssyncadd.s32 s31  }
0x271: {  	[sflag:s2] =	ssyncpa.u1 $0x1  }
.LBB3_39:
0x272: {  	s0 =	sor.u32 s15, s16  }
0x273: {  	p1 =	sne.s32 s0, $0x0  }
.Ltmp38:
0x274: {  	_ = 	snop;
	(pc) =	sbr.rel @p1 .LBB3_54-.Ltmp38, $3  }
0x275: {  	_ =	sdelay $0x1  }
0x276: {  	[bflag:$0x0] =	sbarrier.arrive $0xFFFF  }
0x277: {  	_ =	sfence  }
0x278: {  	s0 =	simm.s32 $0x7  }
0x279: {  	s2 =	simm.s32 $0x1000;
	s3 =	simm.s32 $0xF218;
	[sflag:s0] =	ssyncpa.u1 $0x0  }
0x27a: {  	[tilespmem:s3], [sflag:$0x7] =	stream.linear.gather [spmem:s2], $0x20, $0x38;
	[tilespmem:$0x1F6F8] =	vst v63  }
0x27b: {  	s30 =	simm.s32 $0xF238;
	s2 =	simm.s32 $0x0  }
0x27c: {  	[tilespmem:s30], [sflag:$0x7] =	stream.linear.gather [spmem:s2], $0x1000, $0x38;
	[tilespmem:$0x1F6F8] =	vst v63  }
.Ltmp39:
0x27d: {  	_ = 	snop;
	(pc) =	sbr.rel .LBB3_41-.Ltmp39, $4  }
0x27e: {  	_ =	swait.ge [sflag:s0], $0x1020  }
0x27f: {  	[sflag:s0] =	ssyncset.done $0x0  }
0x280: {  	s31 =	simm.s32 $0x8;
	[sflag:s0] =	ssyncadd.s32 $0xFFFFEFE0  }
0x281: {  	s3 =	simm.s32 $0x0;
	[sflag:s31] =	ssyncpa.u1 $0x0  }
.LBB3_47:
0x282: {  	p1 =	slt.u32 s4, $0x9C3F1  }
0x283: {  	s0 =	sand.u32 @p1 $0xFFFF8, s4  }
0x284: {  	s4 =	sand.u32 @p1 $0x7, s4;
	s5 =	simm.s32 @p1 $0xF188;
	s0 =	sadd.s32 @p1 s1, s0  }
0x285: {  	[tilespmem:s5], [sflag:$0x8] =	stream.linear.gather @p1 [hbm4b:s0+s4], $0x80, $0x38;
	[tilespmem:$0x1F6F8] =	vst v63  }
0x286: {  	s0 =	simm.s32 @p1 $0x8  }
0x287: {  	_ =	swait.ge @p1 [sflag:s0], $0x80  }
0x288: {  	[sflag:s0] =	ssyncset.done @p1 $0x0  }
0x289: {  	[sflag:s0] =	ssyncadd.s32 @p1 $0xFFFFFF80  }
0x28a: {  	v1 =	vld @p1 [tilespmem:$0xF188];
	_ =	sdelay $0x2  }
0x28b: {  	s0 =	sshll.u32 @p1 s3, $0x9  }
0x28c: {  	s4 =	sshrl.u32 @p1 s0, $0x2  }
0x28d: {  	[tilespmem:s4+$0xF238] =	vst.add.f32.msk @p1 $0xffff, v1  }
0x28e: {  	v1 =	vld @p1 [tilespmem:$0xF198];
	_ =	sdelay $0x4  }
0x28f: {  	[tilespmem:s4+$0xF248] =	vst.add.f32.msk @p1 $0xffff, v1  }
0x290: {  	v1 =	vld @p1 [tilespmem:$0xF1A8];
	_ =	sdelay $0x4  }
0x291: {  	[tilespmem:s4+$0xF258] =	vst.add.f32.msk @p1 $0xffff, v1  }
0x292: {  	v1 =	vld @p1 [tilespmem:$0xF1B8];
	_ =	sdelay $0x4  }
0x293: {  	[tilespmem:s4+$0xF268] =	vst.add.f32.msk @p1 $0xffff, v1  }
0x294: {  	v1 =	vld @p1 [tilespmem:$0xF1C8];
	_ =	sdelay $0x4  }
0x295: {  	[tilespmem:s4+$0xF278] =	vst.add.f32.msk @p1 $0xffff, v1  }
0x296: {  	v1 =	vld @p1 [tilespmem:$0xF1D8];
	_ =	sdelay $0x4  }
0x297: {  	[tilespmem:s4+$0xF288] =	vst.add.f32.msk @p1 $0xffff, v1  }
0x298: {  	v1 =	vld @p1 [tilespmem:$0xF1E8];
	_ =	sdelay $0x4  }
0x299: {  	[tilespmem:s4+$0xF298] =	vst.add.f32.msk @p1 $0xffff, v1  }
0x29a: {  	v1 =	vld @p1 [tilespmem:$0xF1F8];
	_ =	sdelay $0x3  }
0x29b: {  	s5 =	sshll.u32 @!p1 s3, $0x9  }
0x29c: {  	s5 =	smov.u32 @p1 s0;
	[tilespmem:s4+$0xF2A8] =	vst.add.f32.msk @p1 $0xffff, v1  }
0x29d: {  	s0 =	sshrl.u32 s5, $0x2;
	[tilespmem:s2+$0xF218] =	vst.msk $0x1, v0  }
0x29e: {  	v0 =	vld [tilespmem:s0+$0xF238];
	_ =	sdelay $0x2  }
0x29f: {  	s31 =	sshll.u32 s2, $0x9  }
0x2a0: {  	s4 =	sshra.s32 s31, $0x2  }
0x2a1: {  	[tilespmem:s4+$0xF238] =	vst v0  }
0x2a2: {  	v0 =	vld [tilespmem:s0+$0xF248];
	_ =	sdelay $0x4  }
0x2a3: {  	[tilespmem:s4+$0xF248] =	vst v0  }
0x2a4: {  	v0 =	vld [tilespmem:s0+$0xF258];
	_ =	sdelay $0x4  }
0x2a5: {  	[tilespmem:s4+$0xF258] =	vst v0  }
0x2a6: {  	v0 =	vld [tilespmem:s0+$0xF268];
	_ =	sdelay $0x4  }
0x2a7: {  	[tilespmem:s4+$0xF268] =	vst v0  }
0x2a8: {  	v0 =	vld [tilespmem:s0+$0xF278];
	_ =	sdelay $0x4  }
0x2a9: {  	[tilespmem:s4+$0xF278] =	vst v0  }
0x2aa: {  	v0 =	vld [tilespmem:s0+$0xF288];
	_ =	sdelay $0x4  }
0x2ab: {  	[tilespmem:s4+$0xF288] =	vst v0  }
0x2ac: {  	v0 =	vld [tilespmem:s0+$0xF298];
	_ =	sdelay $0x4  }
0x2ad: {  	[tilespmem:s4+$0xF298] =	vst v0  }
0x2ae: {  	v0 =	vld [tilespmem:s0+$0xF2A8];
	_ =	sdelay $0x4  }
0x2af: {  	s2 =	sadd.s32 $0x1, s2;
	[tilespmem:s4+$0xF2A8] =	vst v0  }
.LBB3_48:
0x2b0: {  	s3 =	sadd.s32 $0x1, s3  }
0x2b1: {  	p1 =	sne.s32 s3, $0x20  }
.Ltmp40:
0x2b2: {  	_ = 	snop;
	(pc) =	sbr.rel @!p1 .LBB3_49-.Ltmp40, $1  }
0x2b3: {  	_ =	sdelay $0x3  }
.LBB3_41:
0x2b4: {  	v0 =	vld.msk [tilespmem:s3+$0xF218], $0x1;
	_ =	sdelay $0x4  }
0x2b5: {  	(v2sf) =	vpush v0, $0x0;
	_ =	sdelay $0xe  }
0x2b6: {  	s4 =	spop (v2sf)  }
0x2b7: {  	p1 =	seq.s32 s4, $0xFFFFFFFF  }
.Ltmp41:
0x2b8: {  	_ = 	snop;
	(pc) =	sbr.rel @p1 .LBB3_48-.Ltmp41, $1  }
0x2b9: {  	_ =	sdelay $0x3  }
0x2ba: {  	p1 =	slt.s32 s2, $0x1  }
.Ltmp42:
0x2bb: {  	_ = 	snop;
	(pc) =	sbr.rel @p1 .LBB3_47-.Ltmp42, $1  }
0x2bc: {  	_ =	sdelay $0x3  }
0x2bd: {  	s5 =	simm.s32 $0xF218;
	p1 =	por $0x0, $0x0  }
0x2be: {  	v1 =	vld.msk @!p1 [tilespmem:s5+$0x0], $0x1;
	_ =	sdelay $0x4  }
0x2bf: {  	(v2sf) =	vpush @!p1 v1, $0x0;
	_ =	sdelay $0xd  }
0x2c0: {  	p3 =	sne.s32 s2, $0x1  }
.Ltmp43:
0x2c1: {  	s0 =	spop @!p1 (v2sf);
	(pc) =	sbr.rel @!p3 .LBB3_45-.Ltmp43, $4  }
0x2c2: {  	p2 =	seq.s32 @!p1 s4, s0  }
0x2c3: {  	s6 =	simm.s32 $0x0;
	p2 =	por !p2, p1  }
0x2c4: {  	s7 =	simm.s32 $0xFFFFFFFF;
	s6 =	simm.s32 @p2 $0xFFFFFFFF  }
0x2c5: {  	s0 =	simm.s32 $0x1;
	s6 =	smov.u32 @p1 s7  }
.LBB3_44:
0x2c6: {  	s7 =	smov.u32 s6;
	p1 =	sne.s32 s6, $0xFFFFFFFF  }
0x2c7: {  	s5 =	sadd.s32 $0x1, s5;
	s6 =	smov.u32 s0;
	s0 =	sadd.s32 $0x1, s0  }
0x2c8: {  	p2 =	sne.s32 s2, s0;
	v1 =	vld.msk @!p1 [tilespmem:s5+$0x0], $0x1;
	_ =	sdelay $0x4  }
0x2c9: {  	(v2sf) =	vpush @!p1 v1, $0x0;
	_ =	sdelay $0xe  }
.Ltmp44:
0x2ca: {  	s8 =	spop @!p1 (v2sf);
	(pc) =	sbr.rel @p2 .LBB3_44-.Ltmp44, $4  }
0x2cb: {  	p3 =	seq.s32 @!p1 s4, s8  }
0x2cc: {  	p3 =	por !p3, p1  }
0x2cd: {  	s6 =	simm.s32 @p3 $0xFFFFFFFF  }
0x2ce: {  	s6 =	smov.u32 @p1 s7  }
.LBB3_45:
0x2cf: {  	p1 =	seq.s32 s6, $0xFFFFFFFF  }
.Ltmp45:
0x2d0: {  	_ = 	snop;
	(pc) =	sbr.rel @p1 .LBB3_47-.Ltmp45, $1  }
0x2d1: {  	_ =	sdelay $0x3  }
0x2d2: {  	s0 =	sshll.u32 s3, $0x7  }
0x2d3: {  	s0 =	sand.u32 $0x3FFFFF80, s0  }
0x2d4: {  	v0 =	vld [tilespmem:s0+$0xF238];
	_ =	sdelay $0x2  }
0x2d5: {  	s4 =	sshll.u32 s6, $0x9  }
0x2d6: {  	s4 =	sshra.s32 s4, $0x2  }
0x2d7: {  	[tilespmem:s4+$0xF238] =	vst.add.f32.msk $0xffff, v0  }
0x2d8: {  	v0 =	vld [tilespmem:s0+$0xF248];
	_ =	sdelay $0x4  }
0x2d9: {  	[tilespmem:s4+$0xF248] =	vst.add.f32.msk $0xffff, v0  }
0x2da: {  	v0 =	vld [tilespmem:s0+$0xF258];
	_ =	sdelay $0x4  }
0x2db: {  	[tilespmem:s4+$0xF258] =	vst.add.f32.msk $0xffff, v0  }
0x2dc: {  	v0 =	vld [tilespmem:s0+$0xF268];
	_ =	sdelay $0x4  }
0x2dd: {  	[tilespmem:s4+$0xF268] =	vst.add.f32.msk $0xffff, v0  }
0x2de: {  	v0 =	vld [tilespmem:s0+$0xF278];
	_ =	sdelay $0x4  }
0x2df: {  	[tilespmem:s4+$0xF278] =	vst.add.f32.msk $0xffff, v0  }
0x2e0: {  	v0 =	vld [tilespmem:s0+$0xF288];
	_ =	sdelay $0x4  }
0x2e1: {  	[tilespmem:s4+$0xF288] =	vst.add.f32.msk $0xffff, v0  }
0x2e2: {  	v0 =	vld [tilespmem:s0+$0xF298];
	_ =	sdelay $0x4  }
0x2e3: {  	[tilespmem:s4+$0xF298] =	vst.add.f32.msk $0xffff, v0  }
0x2e4: {  	v0 =	vld [tilespmem:s0+$0xF2A8]  }
.Ltmp46:
0x2e5: {  	_ = 	snop;
	(pc) =	sbr.rel .LBB3_48-.Ltmp46, $2  }
0x2e6: {  	_ =	sdelay $0x2  }
0x2e7: {  	[tilespmem:s4+$0xF2A8] =	vst.add.f32.msk $0xffff, v0  }
.LBB3_49:
0x2e8: {  	p1 =	slt.s32 s2, $0x1  }
.Ltmp47:
0x2e9: {  	_ = 	snop;
	(pc) =	sbr.rel @p1 .LBB3_53-.Ltmp47, $3  }
0x2ea: {  	_ =	sdelay $0x1  }
0x2eb: {  	s0 =	simm.s32 $0x8  }
0x2ec: {  	s3 =	simm.s32 $0x0;
	[sflag:s0] =	ssyncpa.u1 $0x1  }
0x2ed: {  	s0 =	simm.s32 $0xF218  }
0x2ee: {  	v0 =	vld.msk [tilespmem:s0+$0x0], $0x1;
	_ =	sdelay $0x4  }
0x2ef: {  	(v2sf) =	vpush v0, $0x0;
	_ =	sdelay $0xe  }
0x2f0: {  	s0 =	sadd.s32 $0xFFFFFFFF, s2;
	s5 =	spop (v2sf)  }
0x2f1: {  	p2 =	sne.s32 s0, $0x0;
	p1 =	sgt.u32 s5, $0x9C3F0  }
.Ltmp48:
0x2f2: {  	s6 =	sand.u32 @!p1 $0xFFFF8, s5;
	(pc) =	sbr.rel @!p2 .LBB3_52-.Ltmp48, $4  }
0x2f3: {  	s4 =	simm.s32 $0xF238;
	s5 =	sand.u32 @!p1 $0x7, s5;
	s2 =	sadd.s32 @!p1 s1, s6  }
0x2f4: {  	[hbm4b:s2+s5] =	stream.linear.scatter @!p1 [tilespmem:s4], [sflag:$0x7], $0x80, $0x38;
	[tilespmem:$0x1F6F8] =	vst v63  }
0x2f5: {  	s5 =	simm.s32 $0x0  }
0x2f6: {  	s2 =	simm.s32 $0xF219;
	s5 =	simm.s32 @!p1 $0x200  }
.LBB3_51:
0x2f7: {  	v0 =	vld.msk [tilespmem:s2+$0x0], $0x1;
	s0 =	sadd.s32 $0xFFFFFFFF, s0;
	s3 =	sadd.s32 s3, s5  }
0x2f8: {  	p1 =	sne.s32 s0, $0x0;
	_ =	sdelay $0x3  }
0x2f9: {  	(v2sf) =	vpush v0, $0x0;
	_ =	sdelay $0xe  }
.Ltmp49:
0x2fa: {  	s6 =	spop (v2sf);
	(pc) =	sbr.rel @p1 .LBB3_51-.Ltmp49, $4  }
0x2fb: {  	s5 =	simm.s32 $0x0;
	p2 =	sgt.u32 s6, $0x9C3F0  }
0x2fc: {  	s4 =	sadd.s32 $0x80, s4;
	s5 =	simm.s32 @!p2 $0x200;
	s7 =	sand.u32 @!p2 $0xFFFF8, s6  }
0x2fd: {  	s2 =	sadd.s32 $0x1, s2;
	s6 =	sand.u32 @!p2 $0x7, s6;
	s7 =	sadd.s32 @!p2 s1, s7  }
0x2fe: {  	[hbm4b:s7+s6] =	stream.linear.scatter @!p2 [tilespmem:s4], [sflag:$0x7], $0x80, $0x38;
	[tilespmem:$0x1F6F8] =	vst v63  }
.LBB3_52:
0x2ff: {  	s0 =	sadd.s32 s3, s5  }
0x300: {  	s3 =	sshrl.u32 s0, $0x2  }
.LBB3_53:
0x301: {  	s0 =	simm.s32 $0x7  }
0x302: {  	_ =	swait.ge [sflag:s0], s3  }
0x303: {  	s1 =	ssub.s32 $0x0, s3;
	[sflag:s0] =	ssyncset.done $0x0  }
0x304: {  	[sflag:s0] =	ssyncadd.s32 s1  }
0x305: {  	[sflag:s0] =	ssyncpa.u1 $0x1  }
.LBB3_54:
0x306: {  	_ =	sfence;
	s0 =	simm.s32 $0x1  }
0x307: {  	[sflag:s0] =	ssyncpa.u1 $0x1  }
0x308: {  	_ =	strace $0x9000004D  }
0x309: {  	[bflag:$0x2] =	sbarrier.arrive $0xFFFF  }
0x30a: {  	s0 =	rddreg [dreg:$0x3]  }
0x30b: {  	s0 =	sadd.s32 @!p0 $0x100000, s0  }
0x30c: {  	[sflag:s0] =	ssyncadd.tile.s32 @!p0 $0x1;
	_ =	shalt  }
.Lfunc_end3:
_tile_overlayer_lowered:
.L_overlay_start_3:
0x30d: {  	(tag) =	ssettag $0x3  }
0x30e: {  	s0 =	rddreg [dreg:$0x0];
	s2 =	stileid.u32  }
0x30f: {  	s1 =	rddreg [dreg:$0x1];
	p0 =	sne.s32 s2, $0x0  }
0x310: {  	s3 =	rddreg [dreg:$0x2];
	[bflag:$0x3] =	sbarrier.arrive $0xFFFF;
	s2 =	simm.s32 @!p0 $0x1C01  }
0x311: {  	[timem:s3], [sflag:s2] =	dma.local @!p0 [hbm:s0], s1  }
0x312: {  	s0 =	simm.s32 @!p0 $0x1  }
0x313: {  	_ =	swait.ge @!p0 [sflag:s0], s1  }
0x314: {  	s1 =	ssub.s32 @!p0 $0x0, s1;
	[sflag:s0] =	ssyncset.done @!p0 $0x0  }
0x315: {  	[sflag:s0] =	ssyncadd.s32 @!p0 s1  }
0x316: {  	[bflag:$0x3] =	sbarrier.arrive $0xFFFF  }
0x317: {  	_ =	shalt  }

// kernel: scatter_offload_async_start.2
scs
__scs_entry_jumppad:
0x0: {  	(pc) =	sbr.rel $0x88, $3  }
0x1: {  	(tag) =	ssettag $0x0;
	lr =	simm.s32 $0x1  }
0x2: {  	[smem:$0x3F90] =	sst lr;
	_ =	strace $0xD0000000  }
0x3: {  	_ = 	snop  }
0x4: {  	_ = 	snop  }
0x5: {  	_ = 	snop  }
0x6: {  	_ = 	snop  }
0x7: {  	_ = 	snop  }
__scs_overlays_trampoline_lowered:
0x8: {  	[smem:$0x3F9F] =	sst s0  }
0x9: {  	[smem:$0x3FA0] =	sst s1  }
0xa: {  	[smem:$0x3FA1] =	sst s2  }
0xb: {  	[smem:$0x3FA2] =	sst s3  }
0xc: {  	[smem:$0x3FA3] =	sst s4  }
0xd: {  	[smem:$0x3FA4] =	sst s5  }
0xe: {  	[smem:$0x3FA5] =	sst s6  }
0xf: {  	[smem:$0x3FA6] =	sst s7  }
0x10: {  	[smem:$0x3FA7] =	sst s8  }
0x11: {  	[smem:$0x3FA8] =	sst s9;
	s0 =	simm.s32 @!p0 $0x0  }
0x12: {  	s1 =	sld [smem:$0x3F8E];
	s0 =	simm.s32 @p0 $0x1  }
0x13: {  	[smem:$0x3FA9] =	sst s0;
	s0 =	simm.s32 @!p1 $0x0  }
0x14: {  	s2 =	sld [smem:$0x3F8D];
	s0 =	simm.s32 @p1 $0x1  }
0x15: {  	[smem:$0x3FAA] =	sst s0;
	s0 =	simm.s32 @!p2 $0x0  }
0x16: {  	s3 =	sld [smem:$0x3FDB];
	s0 =	simm.s32 @p2 $0x1  }
0x17: {  	s4 =	simm.s32 $0x1BF5;
	[smem:$0x3FAC] =	sst s0  }
0x18: {  	s0 =	sld [smem:$0x3F8F];
	_ =	swait.ge [sflag:s4], $0x0  }
0x19: {  	s7 =	sld [smem:$0x3F90]  }
0x1a: {  	s8 =	sadd.s32 $0xFFFFE003, lr  }
0x1b: {  	s9 =	sadd.s32 $0xFFFFFEF7, lr;
	s5 =	simm.s32 $0xFFFFFFFF;
	p2 =	slt.u32 s8, $0xFFFFF086  }
0x1c: {  	p1 =	slt.u32 s9, $0xF7A;
	s5 =	simm.s32 @!p2 $0x0  }
0x1d: {  	s5 =	simm.s32 @p1 $0x1;
	p0 =	seq.s32 s7, s2  }
0x1e: {  	s7 =	smul.u32 @!p0 $0xF7A, s2;
	p2 =	seq.s32 @!p0 s5, $0x0  }
0x1f: {  	s9 =	smul.u32 $0xF7A, s1;
	s8 =	simm.s32 @!p0 $0x1BF5;
	p2 =	por !p2, p0  }
0x20: {  	[sflag:s8] =	ssyncset.s32 @!p0 $0xFFFFF086;
	s6 =	sadd.s32 @!p0 s3, s7;
	s7 =	simm.s32 @!p0 $0x108  }
0x21: {  	s3 =	sadd.s32 s3, s9;
	s6 =	sadd.s32 @!p0 $0x88, s6;
	s7 =	simm.s32 @p2 $0x1082  }
0x22: {  	[simem:s7], [sflag:s8] =	dma.local @!p0 [hbm:s6], $0xF7A  }
0x23: {  	s9 =	sor.u32 $0xD0000000, s2;
	s6 =	simm.s32 $0x108;
	_ =	swait.ge @!p0 [sflag:s8], $0x0  }
0x24: {  	s3 =	sadd.s32 $0x88, s3;
	s6 =	simm.s32 @!p1 $0x1082;
	[sflag:s4] =	ssyncset.s32 $0xFFFFF086  }
0x25: {  	[simem:s6], [sflag:s4] =	dma.local [hbm:s3], $0xF7A  }
0x26: {  	[smem:$0x3F90] =	sst s1;
	(tag) =	ssettag s2;
	_ =	strace s9  }
0x27: {  	s1 =	sld [smem:$0x3FA0]  }
0x28: {  	s2 =	sld [smem:$0x3FA1]  }
0x29: {  	s4 =	sld [smem:$0x3FA3]  }
0x2a: {  	p0 =	seq.s32 s5, $0x0;
	s5 =	sld [smem:$0x3FA4]  }
0x2b: {  	s6 =	sld [smem:$0x3FA5]  }
0x2c: {  	s7 =	sld [smem:$0x3FA6]  }
0x2d: {  	s3 =	simm.s32 $0x108;
	s8 =	sld [smem:$0x3FA7]  }
0x2e: {  	s3 =	simm.s32 @!p0 $0x1082;
	s9 =	sld [smem:$0x3FA8]  }
0x2f: {  	lr =	sadd.s32 s0, s3;
	s0 =	sld [smem:$0x3F9F]  }
0x30: {  	s3 =	sld [smem:$0x3FA2]  }
0x31: {  	[smem:$0x3FAB] =	sst s10  }
0x32: {  	s10 =	sld [smem:$0x3FA9];
	_ =	sdelay $0x3  }
0x33: {  	p0 =	seq.s32 s10, $0x1;
	s10 =	sld [smem:$0x3FAB];
	_ =	sdelay $0x3  }
0x34: {  	[smem:$0x3FAB] =	sst s10  }
0x35: {  	s10 =	sld [smem:$0x3FAA];
	_ =	sdelay $0x3  }
0x36: {  	p1 =	seq.s32 s10, $0x1;
	s10 =	sld [smem:$0x3FAB];
	_ =	sdelay $0x3  }
0x37: {  	[smem:$0x3FAB] =	sst s10  }
0x38: {  	s10 =	sld [smem:$0x3FAC]  }
0x39: {  	_ = 	snop;
	(pc) =	sbr.ind lr, $3  }
0x3a: {  	_ = 	snop  }
0x3b: {  	_ = 	snop  }
0x3c: {  	p2 =	seq.s32 s10, $0x1;
	s10 =	sld [smem:$0x3FAB]  }
0x3d: {  	_ =	shalt  }
0x3e: {  	_ =	shalt  }
0x3f: {  	_ =	shalt  }
0x40: {  	_ =	shalt  }
0x41: {  	_ =	shalt  }
0x42: {  	_ =	shalt  }
0x43: {  	_ =	shalt  }
0x44: {  	_ =	shalt  }
0x45: {  	_ =	shalt  }
0x46: {  	_ =	shalt  }
0x47: {  	_ =	shalt  }
0x48: {  	_ =	shalt  }
0x49: {  	_ =	shalt  }
0x4a: {  	_ =	shalt  }
0x4b: {  	_ =	shalt  }
0x4c: {  	_ =	shalt  }
0x4d: {  	_ =	shalt  }
0x4e: {  	_ =	shalt  }
0x4f: {  	_ =	shalt  }
0x50: {  	_ =	shalt  }
0x51: {  	_ =	shalt  }
0x52: {  	_ =	shalt  }
0x53: {  	_ =	shalt  }
0x54: {  	_ =	shalt  }
0x55: {  	_ =	shalt  }
0x56: {  	_ =	shalt  }
0x57: {  	_ =	shalt  }
0x58: {  	_ =	shalt  }
0x59: {  	_ =	shalt  }
0x5a: {  	_ =	shalt  }
0x5b: {  	_ =	shalt  }
0x5c: {  	_ =	shalt  }
0x5d: {  	_ =	shalt  }
0x5e: {  	_ =	shalt  }
0x5f: {  	_ =	shalt  }
0x60: {  	_ =	shalt  }
0x61: {  	_ =	shalt  }
0x62: {  	_ =	shalt  }
0x63: {  	_ =	shalt  }
0x64: {  	_ =	shalt  }
0x65: {  	_ =	shalt  }
0x66: {  	_ =	shalt  }
0x67: {  	_ =	shalt  }
0x68: {  	_ =	shalt  }
0x69: {  	_ =	shalt  }
0x6a: {  	_ =	shalt  }
0x6b: {  	_ =	shalt  }
0x6c: {  	_ =	shalt  }
0x6d: {  	_ =	shalt  }
0x6e: {  	_ =	shalt  }
0x6f: {  	_ =	shalt  }
0x70: {  	_ =	shalt  }
0x71: {  	_ =	shalt  }
0x72: {  	_ =	shalt  }
0x73: {  	_ =	shalt  }
0x74: {  	_ =	shalt  }
0x75: {  	_ =	shalt  }
0x76: {  	_ =	shalt  }
0x77: {  	_ =	shalt  }
0x78: {  	_ =	shalt  }
0x79: {  	_ =	shalt  }
0x7a: {  	_ =	shalt  }
0x7b: {  	_ =	shalt  }
0x7c: {  	_ =	shalt  }
0x7d: {  	_ =	shalt  }
0x7e: {  	_ =	shalt  }
0x7f: {  	_ =	shalt  }
0x80: {  	_ =	shalt  }
0x81: {  	_ =	shalt  }
0x82: {  	_ =	shalt  }
0x83: {  	_ =	shalt  }
0x84: {  	_ =	shalt  }
0x85: {  	_ =	shalt  }
0x86: {  	_ =	shalt  }
0x87: {  	_ =	shalt  }
.Lfunc_end0:
.L_simem_size_0:
called_computation.2_lowered:
.L_overlay_start_0:
0x88: {  	s2 =	sld [smem:$0x3FD9]  }
0x89: {  	s3 =	sld [smem:$0x3FFE];
	_ =	sdelay $0x1  }
0x8a: {  	s1 =	srdreg.scid  }
0x8b: {  	s0 =	sand.u32 $0x1, s1  }
0x8c: {  	s15 =	sshll.u32 s0, $0xA;
	s2 =	sadd.s32 s3, s2  }
0x8d: {  	s2 =	sadd.s32 s2, s15  }
0x8e: {  	[smem:$0x3FB7] =	sst s2  }
0x8f: {  	_ = 	snop  }
0x90: {  	(tm) =	ssettm $0x1  }
0x91: {  	s16 =	sld [smem:$0x3FFB];
	_ =	sdelay $0x3  }
0x92: {  	_ =	strace s16  }
0x93: {  	s2 =	sld [smem:$0x3FFC];
	_ =	sdelay $0x3  }
0x94: {  	_ =	strace s2  }
0x95: {  	s2 =	sld [smem:$0x3FFD];
	_ =	sdelay $0x3  }
0x96: {  	_ =	strace s2  }
0x97: {  	_ =	strace $0x8FFFFFFF  }
0x98: {  	s17 =	sld [smem:$0x3FDB];
	_ =	sdelay $0x1  }
0x99: {  	s18 =	simm.s32 $_scs_section_size  }
0x9a: {  	s4 =	simm.s32 $_size__tile_overlayer_lowered;
	s5 =	simm.s32 $_tile_overlayer_lowered  }
0x9b: {  	s21 =	simm.s32 $0x1BFF;
	s20 =	sshll.u32 s5, $0x1;
	s2 =	sadd.s32 s18, s17  }
0x9c: {  	s6 =	simm.s32 $0x0;
	s19 =	sshll.u32 s4, $0x1;
	s4 =	sadd.s32 s20, s2  }
0x9d: {  	[timem:s6], [sflag:s21] =	dma.local [hbm:s4], s19  }
0x9e: {  	_ =	swait.ge [sflag:s21], s19  }
0x9f: {  	s3 =	ssub.s32 $0x0, s19;
	[sflag:s21] =	ssyncset.done $0x0  }
0xa0: {  	[sflag:s21] =	ssyncadd.s32 s3;
	_ =	sdelay $0x1  }
0xa1: {  	s22 =	simm.s32 $0x1B8B  }
0xa2: {  	_ =	swait.ge [sflag:s22], $0x1  }
0xa3: {  	[sflag:s22] =	ssyncset.done $0x0  }
0xa4: {  	s23 =	sld [smem:$0x3FFE];
	[sflag:s22] =	ssyncadd.s32 $0xFFFFFFFF  }
0xa5: {  	s25 =	simm.s32 $0x1B8E;
	s24 =	sld [smem:$0x0]  }
0xa6: {  	s26 =	simm.s32 $execute0_lowered;
	[smem:$0x3FD2] =	sst s25  }
0xa7: {  	s5 =	sshll.u32 s26, $0x1;
	_ =	strace $0x8000004F;
	[dreg:$0x1] =	wrdreg $0xFFFFFFFF  }
0xa8: {  	s28 =	simm.s32 $_size_execute0_lowered;
	s2 =	sadd.s32 s2, s5;
	[dreg:$0x0] =	wrdreg $0x0  }
0xa9: {  	s5 =	sshll.u32 s28, $0x1;
	[dreg:$0x2] =	wrdreg s2  }
0xaa: {  	[dreg:$0x3] =	wrdreg s5  }
0xab: {  	[dreg:$0x4] =	wrdreg $0xC0  }
0xac: {  	_ =	task [dreg:s6], $0x5FFFF  }
0xad: {  	[dreg:$0x1] =	wrdreg $0xFFFFFFFF  }
0xae: {  	[dreg:$0x0] =	wrdreg $0x60  }
0xaf: {  	[dreg:$0x2] =	wrdreg s23  }
0xb0: {  	[dreg:$0x3] =	wrdreg s1  }
0xb1: {  	[dreg:$0x4] =	wrdreg s24  }
0xb2: {  	[dreg:$0x5] =	wrdreg $0x9  }
0xb3: {  	_ =	task.clear_ibuf [dreg:s6], $0x6FFFF;
	_ =	strace $0x9000004F  }
0xb4: {  	s29 =	simm.s32 $0x9;
	_ =	strace $0x80000051  }
0xb5: {  	_ =	swait.ge [sflag:s29], $0x1  }
0xb6: {  	[sflag:s29] =	ssyncadd.s32 $0xFFFFFFFF  }
0xb7: {  	_ =	strace $0x90000051  }
0xb8: {  	_ =	sfence  }
0xb9: {  	s30 =	sld [smem:$0x0];
	_ =	sdelay $0x2  }
0xba: {  	s31 =	sshll.u32 s1, $0xD;
	s1 =	sshrl.u32 s1, $0x2  }
0xbb: {  	s3 =	sand.u32 $0x4000, s31;
	s1 =	sadd.s32 s1, s30  }
0xbc: {  	s0 =	sor.u32 s3, s0;
	s1 =	sshll.u32 s1, $0x11  }
0xbd: {  	s0 =	sor.u32 s1, s0  }
0xbe: {  	s0 =	sadd.s32 $0x8F2B, s0  }
0xbf: {  	[sflag:s0] =	ssyncadd.remote.s32 $0x1  }
0xc0: {  	_ =	sfence.sel $0xFFFF  }
0xc1: {  	[dreg:$0x0] =	wrdreg $0xFFFFFFFF;
	(pc) =	sbr.abs _section_cstart, $3  }
0xc2: {  	[dreg:$0x1] =	wrdreg $0xFFFFFFFF  }
0xc3: {  	_ =	task.clear_ibuf [dreg:s6], $0x2FFFF;
	_ =	strace $0x9FFFFFFF  }
0xc4: {  	(tm) =	ssettm $0x7FFFFFFF  }
0xc5: {  	_ =	shalt  }
tec
execute0_lowered:
.L_overlay_start_1:
0x0: {  	(tag) =	ssettag $0x1  }
0x1: {  	s2 =	rddreg [dreg:$0x0]  }
0x2: {  	s3 =	rddreg [dreg:$0x1];
	_ =	strace $0x80000050;
	s0 =	simm.s32 $0x1  }
0x3: {  	v0 =	vimm.s32 $0x0;
	[sflag:s0] =	ssyncpa.u1 $0x0;
	s0 =	simm.s32 $0x108  }
0x4: {  	[tilespmem:s0+$0x70] =	vst v0  }
0x5: {  	[tilespmem:s0+$0x60] =	vst v0  }
0x6: {  	[tilespmem:s0+$0x50] =	vst v0  }
0x7: {  	[tilespmem:s0+$0x40] =	vst v0  }
0x8: {  	[tilespmem:s0+$0x30] =	vst v0  }
0x9: {  	s1 =	sadd.s32 $0xA24C00, s2;
	s15 =	sadd.s32 $0x3C000, s2;
	s6 =	sadd.s32 $0xAC1000, s2;
	[tilespmem:s0+$0x20] =	vst v0  }
0xa: {  	s14 =	sadd.s32 $0x4E600, s2;
	s5 =	sand.u32 $0x1, s3;
	s3 =	simm.s32 $0x40;
	[tilespmem:s0+$0x10] =	vst v0  }
.LBB2_1:
0xb: {  	s3 =	sadd.s32 $0x40, s3;
	[tilespmem:s0+$0x0] =	vst v0;
	s0 =	sadd.s32 $0x80, s0  }
0xc: {  	p0 =	slt.u32 s3, $0x3C40;
	[tilespmem:s0+$0x70] =	vst v0  }
0xd: {  	[tilespmem:s0+$0x60] =	vst v0  }
.Ltmp0:
0xe: {  	[tilespmem:s0+$0x50] =	vst v0;
	(pc) =	sbr.rel @p0 .LBB2_1-.Ltmp0, $4  }
0xf: {  	[tilespmem:s0+$0x40] =	vst v0  }
0x10: {  	[tilespmem:s0+$0x30] =	vst v0  }
0x11: {  	[tilespmem:s0+$0x20] =	vst v0  }
0x12: {  	[tilespmem:s0+$0x10] =	vst v0  }
0x13: {  	s9 =	stileid.u32  }
0x14: {  	s2 =	smul.u32 $0x4E, s9  }
0x15: {  	s3 =	smin.u32 s9, $0x2  }
0x16: {  	s2 =	sadd.s32 s3, s2  }
0x17: {  	p0 =	slt.u32 s9, $0x2;
	s7 =	smul.u32 $0xF0, s2;
	s2 =	simm.s32 $0x4A10  }
0x18: {  	s2 =	simm.s32 @!p0 $0x4920  }
0x19: {  	s2 =	sadd.s32 s2, s7  }
0x1a: {  	s8 =	smin.u32 s2, $0x493E0  }
0x1b: {  	s2 =	ssub.s32 s8, s7  }
0x1c: {  	p0 =	sgt.s32 s2, $0x0  }
0x1d: {  	s29 =	simm.s32 $0x2;
	s10 =	simm.s32 $0x9;
	s2 =	simm.s32 @!p0 $0x0  }
0x1e: {  	s4 =	simm.s32 $0xA;
	s11 =	simm.s32 $0xB;
	s28 =	smulhi.u32 $0x88888889, s2  }
0x1f: {  	[dreg:$0x4] =	wrdreg s5;
	s31 =	smul.u32 $0x927C, s5;
	s12 =	simm.s32 $0x1  }
0x20: {  	s22 =	simm.s32 $0x0;
	s18 =	simm.s32 $0xC;
	s30 =	sshrl.u32 s28, $0x7  }
0x21: {  	s20 =	simm.s32 $0x0;
	s21 =	simm.s32 $0x0;
	s3 =	smul.u32 $0xF0, s30  }
.Ltmp1:
0x22: {  	[tilespmem:s0+$0x0] =	vst v0;
	v0 =	vimm.s32 $0xFFFFFFFF;
	[sflag:s29] =	ssyncpa.u1 $0x0;
	s16 =	sshll.u32 s9, $0x8;
	(pc) =	sbr.rel .LBB2_3-.Ltmp1, $4  }
0x23: {  	[tilespmem:$0xF208] =	vst v0;
	[sflag:s10] =	ssyncpa.u1 $0x0;
	p0 =	sne.s32 s2, s3;
	s2 =	simm.s32 $0x1  }
0x24: {  	s14 =	sadd.s32 s31, s14;
	[sflag:s4] =	ssyncpa.u1 $0x0;
	s2 =	simm.s32 @!p0 $0x0  }
0x25: {  	s15 =	sadd.s32 s31, s15;
	[sflag:s11] =	ssyncpa.u1 $0x0;
	s13 =	sadd.s32 s2, s30  }
0x26: {  	v0 =	vlaneseq.u32;
	s19 =	smov.u32 s7;
	p0 =	por $0x0, $0x0;
	s17 =	sadd.s32 $0x1, s13  }
.LBB2_18:
0x27: {  	s0 =	sshrl.u32 s31, $0x2  }
.LBB2_20:
0x28: {  	_ =	swait.ge [sflag:s18], s0  }
0x29: {  	s31 =	ssub.s32 $0x0, s0;
	v1 =	vmov s24;
	vm0 =	veq.s32 v0, $0x0;
	[sflag:s18] =	ssyncset.done $0x0  }
0x2a: {  	vm15 =	veq.s32 v0, $0x2;
	v1 =	vsel vm0, s30, v1;
	[sflag:s18] =	ssyncadd.s32 s31  }
0x2b: {  	v1 =	vsel vm15, s22, v1;
	[sflag:s18] =	ssyncpa.u1 $0x1  }
0x2c: {  	[tilespmem:$0xF208] =	vst v1  }
.LBB2_21:
0x2d: {  	s0 =	sadd.s32 $0xF0, s19  }
0x2e: {  	s2 =	smov.u32 s7;
	p1 =	slt.s32 s0, s8  }
0x2f: {  	s2 =	smov.u32 @p1 s0;
	p1 =	sne.s32 s21, s17  }
.Ltmp2:
0x30: {  	_ = 	snop;
	(pc) =	sbr.rel @!p1 .LBB2_22-.Ltmp2, $3  }
0x31: {  	_ =	sdelay $0x1  }
0x32: {  	s22 =	smov.u32 s20;
	s31 =	sadd.s32 $0x1, s21;
	s20 =	smov.u32 s19  }
0x33: {  	p0 =	por !p0, !p0;
	s21 =	smov.u32 s31;
	s19 =	smov.u32 s2  }
.LBB2_3:
0x34: {  	p1 =	sge.u32 s21, s13  }
0x35: {  	s0 =	smulhi.u32 @!p1 $0xAAAAAAAB, s21  }
0x36: {  	s2 =	smov.u32 s19;
	p2 =	sgt.s32 @!p1 s19, $0x492F0  }
0x37: {  	s3 =	sshra.s32 @!p1 s19, $0x1F;
	p2 =	por !p2, p1;
	s0 =	sshrl.u32 @!p1 s0, $0x1  }
0x38: {  	s3 =	sand.u32 @!p1 s3, s19;
	s2 =	simm.s32 @p2 $0x492F0;
	s0 =	smul.u32 @!p1 $0x3, s0  }
0x39: {  	s2 =	ssub.s32 @!p1 s2, s3  }
0x3a: {  	s2 =	sadd.s32 @!p1 $0xFFFB6D10, s2;
	s0 =	ssub.s32 @!p1 s21, s0  }
0x3b: {  	s3 =	sshll.u32 @!p1 s2, $0x2;
	p2 =	sgt.s32 @!p1 s2, $0xEF;
	s0 =	smul.u32 @!p1 $0x3C0, s0  }
0x3c: {  	s4 =	sand.u32 @!p1 $0x7, s19;
	s2 =	ssub.s32 @!p1 $0x3C0, s3;
	p2 =	por !p2, p1  }
0x3d: {  	s3 =	sshrl.u32 @!p1 s19, $0x3;
	s2 =	sshrl.u32 @!p1 s2, $0x2;
	s0 =	sshrl.u32 @!p1 s0, $0x2  }
0x3e: {  	s3 =	sadd.s32 @!p1 s3, s14;
	s2 =	simm.s32 @!p2 $0x0;
	s0 =	sadd.s32 @!p1 $0x10248, s0  }
0x3f: {  	[tilespmem:s0], [sflag:$0xA] =	stream.linear.gather @!p1 [hbm4b:s3+s4], s2, $0x38;
	[tilespmem:$0x1F6F8] =	vst v63  }
0x40: {  	s0 =	sadd.s32 $0xFFFFFFFF, s21  }
0x41: {  	p1 =	sge.u32 s0, s13  }
0x42: {  	p2 =	sgt.s32 @!p1 s20, $0x492F0  }
0x43: {  	s2 =	smov.u32 s20;
	s3 =	sshra.s32 @!p1 s20, $0x1F;
	p2 =	por !p2, p1  }
0x44: {  	s3 =	sand.u32 @!p1 s3, s20;
	s2 =	simm.s32 @p2 $0x492F0  }
0x45: {  	s2 =	ssub.s32 @!p1 s2, s3  }
0x46: {  	s2 =	sadd.s32 @!p1 $0xFFFB6D10, s2  }
0x47: {  	s4 =	smulhi.u32 @!p1 $0xAAAAAAAB, s0;
	s5 =	sand.u32 @!p1 $0x1, s0;
	s3 =	sshll.u32 @!p1 s2, $0x2  }
0x48: {  	s24 =	smul.u32 @!p1 $0x3C0, s5;
	p2 =	sgt.s32 @!p1 s2, $0xEF;
	s2 =	ssub.s32 @!p1 $0x3C0, s3  }
0x49: {  	p2 =	por !p2, p1;
	s3 =	sshrl.u32 @!p1 s4, $0x1;
	s2 =	sshrl.u32 @!p1 s2, $0x2  }
0x4a: {  	s4 =	simm.s32 @!p1 $0xA;
	s3 =	smul.u32 @!p1 $0x3, s3;
	s2 =	simm.s32 @!p2 $0x0  }
0x4b: {  	s5 =	smul.u32 @!p1 $0x1E000, s5;
	_ =	swait.ge @!p1 [sflag:s4], s2;
	s23 =	ssub.s32 @!p1 $0x0, s2  }
0x4c: {  	s0 =	ssub.s32 @!p1 s0, s3;
	s3 =	sshrl.u32 @!p1 s20, $0x3;
	[sflag:s4] =	ssyncset.done @!p1 $0x0  }
0x4d: {  	s3 =	sadd.s32 @!p1 s3, s15;
	[sflag:s4] =	ssyncadd.s32 @!p1 s23;
	s4 =	sshrl.u32 @!p1 s24, $0x2  }
0x4e: {  	s0 =	smul.u32 @!p1 $0x3C0, s0;
	s23 =	sand.u32 @!p1 $0x7, s20;
	s4 =	sadd.s32 @!p1 $0x10518, s4  }
0x4f: {  	[tilespmem:s4], [sflag:$0xB] =	stream.linear.gather @!p1 [hbm4b:s3+s23], s2, $0x38;
	[tilespmem:$0x1F6F8] =	vst v63  }
0x50: {  	s0 =	sshrl.u32 @!p1 s0, $0x2;
	s2 =	sshrl.u32 @!p1 s5, $0x2  }
0x51: {  	s0 =	sadd.s32 @!p1 $0x10248, s0;
	s3 =	simm.s32 @!p1 $0xF0;
	s2 =	sor.u32 @!p1 $0x106F8, s2  }
0x52: {  	[tilespmem:s2], [sflag:$0x9] =	stream.indirect.gather @!p1 [hbm4b:s6+s3], $0x80, s0, s3, $0xb8;
	[tilespmem:$0x1F6F8] =	vst v63  }
0x53: {  	p1 =	slt.u32 s21, $0x2  }
.Ltmp3:
0x54: {  	_ = 	snop;
	(pc) =	sbr.rel @p1 .LBB2_21-.Ltmp3, $1  }
0x55: {  	_ =	sdelay $0x3  }
0x56: {  	p1 =	sgt.s32 s22, $0x492F0;
	s0 =	smov.u32 s22;
	s2 =	sshra.s32 s22, $0x1F  }
0x57: {  	s0 =	simm.s32 @!p1 $0x492F0;
	s2 =	sand.u32 s2, s22  }
0x58: {  	s0 =	ssub.s32 s0, s2  }
0x59: {  	s0 =	sadd.s32 $0xFFFB6D10, s0  }
0x5a: {  	s29 =	sshll.u32 s0, $0x2  }
0x5b: {  	_ =	swait.ge [sflag:s10], $0x7800;
	s2 =	ssub.s32 $0x3C0, s29  }
0x5c: {  	[sflag:s10] =	ssyncset.done $0x0;
	p1 =	sgt.s32 s0, $0xEF;
	s0 =	sshrl.u32 s2, $0x2  }
0x5d: {  	[sflag:s10] =	ssyncadd.s32 $0xFFFF8800;
	s0 =	simm.s32 @p1 $0x0  }
0x5e: {  	_ =	swait.ge [sflag:s11], s0  }
0x5f: {  	s0 =	ssub.s32 $0x0, s0;
	[sflag:s11] =	ssyncset.done $0x0  }
0x60: {  	[sflag:s11] =	ssyncadd.s32 s0  }
0x61: {  	v1 =	vld [tilespmem:$0xF208];
	_ =	sdelay $0x4  }
0x62: {  	(v2sf) =	vpush v1, $0x0  }
0x63: {  	(v2sf) =	vpush v1, $0x1  }
0x64: {  	(v2sf) =	vpush v1, $0x2;
	_ =	sdelay $0x3  }
0x65: {  	s0 =	sadd.s32 $0xF0, s22  }
0x66: {  	s2 =	ssub.s32 $0x927C0, s22;
	p1 =	slt.s32 s8, s0  }
0x67: {  	s0 =	smov.u32 @p1 s8;
	p1 =	sgt.s32 s2, $0x0  }
0x68: {  	s26 =	ssub.s32 s0, s22;
	s2 =	simm.s32 @!p1 $0x0  }
0x69: {  	p1 =	slt.s32 s2, s26  }
0x6a: {  	s26 =	smov.u32 @p1 s2  }
0x6b: {  	s25 =	simm.s32 $0x1;
	p1 =	slt.s32 s26, $0x1  }
.Ltmp4:
0x6c: {  	s25 =	simm.s32 @!p0 $0x0;
	(pc) =	sbr.rel @p1 .LBB2_8-.Ltmp4, $4  }
0x6d: {  	s31 =	smul.u32 $0x3C0, s25  }
0x6e: {  	s28 =	spop (v2sf)  }
0x6f: {  	s0 =	sshrl.u32 s31, $0x2;
	s30 =	spop (v2sf)  }
0x70: {  	s23 =	sadd.s32 $0x10518, s0;
	s22 =	spop (v2sf)  }
0x71: {  	s0 =	smin.u32 s26, $0x10  }
0x72: {  	v1 =	vmov s0  }
0x73: {  	p2 =	sgt.s32 s26, $0x10;
	vm1 =	vgt.u32 v1, v0  }
.Ltmp5:
0x74: {  	_ = 	snop;
	(pc) =	sbr.rel @!p2 .LBB2_7-.Ltmp5, $2  }
0x75: {  	_ =	sdelay $0x2  }
0x76: {  	s4 =	simm.s32 $0x10;
	s24 =	sadd.s32 $0xFFFFFFF0, s26;
	s0 =	smov.u32 s23;
	vm0 =	vmmov vm1  }
.LBB2_6:
0x77: {  	s2 =	smin.u32 s24, $0x10;
	s4 =	sadd.s32 $0x10, s4;
	v1 =	vld.msk [tilespmem:s0+$0x0 ss:$0x1], vm1  }
0x78: {  	v2 =	vmov s2;
	p2 =	slt.s32 s4, s26  }
0x79: {  	vm1 =	vgt.u32 v2, v0  }
.Ltmp6:
0x7a: {  	(pc) =	sbr.rel @p2 .LBB2_6-.Ltmp6, $3  }
0x7b: {  	_ =	sdelay $0x1  }
0x7c: {  	v1 =	vshll.u32 v1, $0x4  }
0x7d: {  	s24 =	sadd.s32 $0xFFFFFFF0, s24;
	[tilespmem:s0+$0x0] =	vst.msk vm0, v1;
	s0 =	sadd.s32 $0x10, s0;
	vm0 =	vmmov vm1  }
.LBB2_7:
0x7e: {  	_ =	sdelay $0x4  }
0x7f: {  	v1 =	vld.msk [tilespmem:s0+$0x0 ss:$0x1], vm1;
	_ =	sdelay $0x4  }
0x80: {  	v1 =	vshll.u32 v1, $0x4  }
0x81: {  	[tilespmem:s0+$0x0] =	vst.msk vm0, v1  }
.LBB2_8:
0x82: {  	s0 =	sand.u32 $0x1, s21  }
0x83: {  	s0 =	smul.u32 $0xF0, s0  }
0x84: {  	p2 =	sne.s32 s30, $0xFFFFFFFF  }
0x85: {  	v1 =	vld.msk @!p2 [tilespmem:s0+$0x10518], $0x1;
	_ =	sdelay $0x4  }
0x86: {  	(v2sf) =	vpush @!p2 v1, $0x0;
	_ =	sdelay $0xc  }
.Ltmp7:
0x87: {  	_ = 	snop;
	(pc) =	sbr.rel @p1 .LBB2_19-.Ltmp7, $4  }
0x88: {  	_ = 	snop  }
0x89: {  	s29 =	spop @!p2 (v2sf)  }
0x8a: {  	s22 =	simm.s32 @!p2 $0x0;
	s24 =	smov.u32 s29  }
0x8b: {  	[sflag:s18] =	ssyncpa.u1 $0x0;
	s29 =	smov.u32 @p2 s28;
	s24 =	smov.u32 @p2 s30  }
0x8c: {  	v1 =	vld.msk [tilespmem:s23+$0x0], $0x1;
	_ =	sdelay $0x4  }
0x8d: {  	(v2sf) =	vpush v1, $0x0;
	_ =	sdelay $0xe  }
0x8e: {  	s2 =	smul.u32 $0x1E000, s25;
	s0 =	spop (v2sf)  }
0x8f: {  	s26 =	ssub.s32 $0x0, s26;
	p1 =	seq.s32 s29, s0  }
0x90: {  	s30 =	sadd.s32 $0x1, s26;
	s2 =	sshrl.u32 s2, $0x2;
	p2 =	sgt.s32 @!p1 s29, $0x0  }
0x91: {  	s25 =	sor.u32 $0x10738, s2;
	s2 =	smov.u32 s29;
	p2 =	por !p2, p1  }
0x92: {  	s2 =	simm.s32 @p2 $0x0;
	p2 =	seq.s32 s30, $0x0  }
.Ltmp8:
0x93: {  	_ = 	snop;
	(pc) =	sbr.rel @p2 .LBB2_11-.Ltmp8, $4  }
0x94: {  	_ = 	snop  }
0x95: {  	s28 =	simm.s32 $0x0;
	s31 =	sadd.s32 $0x1, s23;
	s2 =	smin.u32 @!p1 s2, $0x9C3F0  }
0x96: {  	s4 =	simm.s32 @!p1 $0x1;
	s5 =	simm.s32 @!p1 $0x7988;
	s3 =	sand.u32 @!p1 $0xFFFF8, s2  }
0x97: {  	s4 =	smov.u32 @p1 s28;
	s2 =	sand.u32 @!p1 $0x7, s2;
	s3 =	sadd.s32 @!p1 s1, s3  }
.LBB2_10:
0x98: {  	s9 =	smov.u32 s4  }
0x99: {  	[tilespmem:s5], [sflag:$0x2] =	stream.linear.gather @!p1 [hbm4b:s3+s2], $0x80, $0x38;
	[tilespmem:$0x1F6F8] =	vst v63  }
0x9a: {  	s30 =	sadd.s32 $0x1, s30;
	s2 =	smov.u32 s0;
	v1 =	vld.msk [tilespmem:s31+$0x0], $0x1  }
0x9b: {  	p2 =	seq.s32 s30, $0x0;
	_ =	sdelay $0x3  }
0x9c: {  	(v2sf) =	vpush v1, $0x0;
	_ =	sdelay $0xe  }
0x9d: {  	s0 =	spop (v2sf)  }
0x9e: {  	p1 =	seq.s32 s2, s0  }
0x9f: {  	p3 =	sgt.s32 @!p1 s2, $0x0;
	s3 =	sshll.u32 @!p1 s4, $0x9;
	s4 =	sadd.s32 @!p1 $0x1, s4  }
.Ltmp9:
0xa0: {  	p3 =	por !p3, p1;
	s3 =	sshra.s32 @!p1 s3, $0x2;
	(pc) =	sbr.rel @!p2 .LBB2_10-.Ltmp9, $4  }
0xa1: {  	s4 =	smov.u32 @p1 s9;
	s2 =	simm.s32 @p3 $0x0;
	s5 =	sadd.s32 @!p1 $0x7988, s3  }
0xa2: {  	s2 =	smin.u32 @!p1 s2, $0x9C3F0  }
0xa3: {  	s3 =	sand.u32 @!p1 $0xFFFF8, s2;
	s2 =	sand.u32 @!p1 $0x7, s2  }
0xa4: {  	s31 =	sadd.s32 $0x1, s31;
	s3 =	sadd.s32 @!p1 s1, s3  }
.LBB2_11:
0xa5: {  	[tilespmem:s5], [sflag:$0x2] =	stream.linear.gather @!p1 [hbm4b:s3+s2], $0x80, $0x38;
	[tilespmem:$0x1F6F8] =	vst v63  }
.Ltmp10:
0xa6: {  	s0 =	sshll.u32 s4, $0x7;
	(pc) =	sbr.rel .LBB2_12-.Ltmp10, $4  }
0xa7: {  	s30 =	simm.s32 $0x2;
	s0 =	sand.u32 $0x3FFFFF80, s0  }
0xa8: {  	_ =	swait.ge [sflag:s30], s0  }
0xa9: {  	s0 =	ssub.s32 $0x0, s0;
	[sflag:s30] =	ssyncset.done $0x0  }
0xaa: {  	s31 =	simm.s32 $0x0;
	[sflag:s30] =	ssyncadd.s32 s0  }
.LBB2_13:
0xab: {  	v1 =	vld [tilespmem:s25+$0xFFFFFFC0];
	_ =	sdelay $0x3  }
0xac: {  	s0 =	sshra.s32 s0, $0x2  }
0xad: {  	[tilespmem:s0+$0x108] =	vst.add.f32.msk $0xffff, v1  }
0xae: {  	v1 =	vld [tilespmem:s25+$0xFFFFFFD0];
	_ =	sdelay $0x4  }
0xaf: {  	[tilespmem:s0+$0x118] =	vst.add.f32.msk $0xffff, v1  }
0xb0: {  	v1 =	vld [tilespmem:s25+$0xFFFFFFE0];
	_ =	sdelay $0x4  }
0xb1: {  	[tilespmem:s0+$0x128] =	vst.add.f32.msk $0xffff, v1  }
0xb2: {  	v1 =	vld [tilespmem:s25+$0xFFFFFFF0];
	_ =	sdelay $0x4  }
0xb3: {  	[tilespmem:s0+$0x138] =	vst.add.f32.msk $0xffff, v1  }
0xb4: {  	v1 =	vld [tilespmem:s25+$0x0];
	_ =	sdelay $0x4  }
0xb5: {  	[tilespmem:s0+$0x148] =	vst.add.f32.msk $0xffff, v1  }
0xb6: {  	v1 =	vld [tilespmem:s25+$0x10];
	_ =	sdelay $0x4  }
0xb7: {  	[tilespmem:s0+$0x158] =	vst.add.f32.msk $0xffff, v1  }
0xb8: {  	v1 =	vld [tilespmem:s25+$0x20];
	_ =	sdelay $0x4  }
0xb9: {  	[tilespmem:s0+$0x168] =	vst.add.f32.msk $0xffff, v1  }
0xba: {  	v1 =	vld [tilespmem:s25+$0x30];
	_ =	sdelay $0x4  }
0xbb: {  	[tilespmem:s0+$0x178] =	vst.add.f32.msk $0xffff, v1  }
.LBB2_17:
0xbc: {  	s26 =	sadd.s32 $0x1, s26  }
0xbd: {  	p1 =	seq.s32 s26, $0x0  }
.Ltmp11:
0xbe: {  	_ = 	snop;
	(pc) =	sbr.rel @p1 .LBB2_18-.Ltmp11, $2  }
0xbf: {  	_ =	sdelay $0x2  }
0xc0: {  	s23 =	sadd.s32 $0x1, s23;
	s25 =	sadd.s32 $0x80, s25;
	s29 =	smov.u32 s30  }
.LBB2_12:
0xc1: {  	v1 =	vld.msk [tilespmem:s23+$0x0], $0x1;
	_ =	sdelay $0x4  }
0xc2: {  	(v2sf) =	vpush v1, $0x0;
	_ =	sdelay $0xe  }
0xc3: {  	s30 =	spop (v2sf)  }
0xc4: {  	p1 =	sne.s32 s29, s30  }
.Ltmp12:
0xc5: {  	_ = 	snop;
	(pc) =	sbr.rel @!p1 .LBB2_13-.Ltmp12, $2  }
0xc6: {  	_ =	sdelay $0x2  }
0xc7: {  	s0 =	sshll.u32 s22, $0x9  }
0xc8: {  	p1 =	seq.s32 s29, s24  }
.Ltmp13:
0xc9: {  	_ = 	snop;
	(pc) =	sbr.rel @!p1 .LBB2_15-.Ltmp13, $1  }
0xca: {  	_ =	sdelay $0x3  }
0xcb: {  	s0 =	sshra.s32 s0, $0x2  }
.Ltmp14:
0xcc: {  	s0 =	sadd.s32 $0x108, s0;
	(pc) =	sbr.rel .LBB2_16-.Ltmp14, $4  }
0xcd: {  	[spmem:s16] =	stream.linear.scatter [tilespmem:s0], [sflag:$0x1], $0x80, $0x38;
	[tilespmem:$0x1F6F8] =	vst v63  }
0xce: {  	_ =	swait.ge [sflag:s12], $0x80  }
0xcf: {  	[sflag:s12] =	ssyncset.done $0x0  }
0xd0: {  	[sflag:s12] =	ssyncadd.s32 $0xFFFFFF80  }
.LBB2_15:
0xd1: {  	s2 =	sshll.u32 s28, $0x9  }
0xd2: {  	s2 =	sshra.s32 s2, $0x2  }
0xd3: {  	v1 =	vld [tilespmem:s2+$0x7988];
	_ =	sdelay $0x3  }
0xd4: {  	s0 =	sshra.s32 s0, $0x2  }
0xd5: {  	[tilespmem:s0+$0x108] =	vst.add.f32.msk $0xffff, v1  }
0xd6: {  	v1 =	vld [tilespmem:s2+$0x7998];
	_ =	sdelay $0x4  }
0xd7: {  	[tilespmem:s0+$0x118] =	vst.add.f32.msk $0xffff, v1  }
0xd8: {  	v1 =	vld [tilespmem:s2+$0x79A8];
	_ =	sdelay $0x4  }
0xd9: {  	[tilespmem:s0+$0x128] =	vst.add.f32.msk $0xffff, v1  }
0xda: {  	v1 =	vld [tilespmem:s2+$0x79B8];
	_ =	sdelay $0x4  }
0xdb: {  	[tilespmem:s0+$0x138] =	vst.add.f32.msk $0xffff, v1  }
0xdc: {  	v1 =	vld [tilespmem:s2+$0x79C8];
	_ =	sdelay $0x4  }
0xdd: {  	[tilespmem:s0+$0x148] =	vst.add.f32.msk $0xffff, v1  }
0xde: {  	v1 =	vld [tilespmem:s2+$0x79D8];
	_ =	sdelay $0x4  }
0xdf: {  	[tilespmem:s0+$0x158] =	vst.add.f32.msk $0xffff, v1  }
0xe0: {  	v1 =	vld [tilespmem:s2+$0x79E8];
	_ =	sdelay $0x4  }
0xe1: {  	[tilespmem:s0+$0x168] =	vst.add.f32.msk $0xffff, v1  }
0xe2: {  	v1 =	vld [tilespmem:s2+$0x79F8];
	_ =	sdelay $0x2  }
0xe3: {  	p1 =	sgt.u32 s29, $0x9C3F0  }
0xe4: {  	s2 =	sand.u32 @!p1 $0xFFFF8, s29  }
0xe5: {  	s3 =	sadd.s32 $0x108, s0;
	[tilespmem:s0+$0x178] =	vst.add.f32.msk $0xffff, v1;
	s0 =	sadd.s32 @!p1 s1, s2;
	s2 =	sand.u32 @!p1 $0x7, s29  }
0xe6: {  	[hbm4b:s0+s2] =	stream.linear.scatter @!p1 [tilespmem:s3], [sflag:$0xC], $0x80, $0x38;
	[tilespmem:$0x1F6F8] =	vst v63  }
0xe7: {  	s0 =	simm.s32 $0x0  }
0xe8: {  	s0 =	simm.s32 @!p1 $0x200  }
0xe9: {  	s31 =	sadd.s32 s0, s31  }
.LBB2_16:
0xea: {  	s0 =	sadd.s32 $0x1, s22  }
0xeb: {  	s2 =	smulhi.u32 $0x88888889, s0;
	_ =	sdelay $0x1  }
0xec: {  	v1 =	vld [tilespmem:s25+$0xFFFFFFC0];
	s2 =	sshrl.u32 s2, $0x7  }
0xed: {  	s2 =	smul.u32 $0xF0, s2;
	_ =	sdelay $0x1  }
0xee: {  	s22 =	ssub.s32 s0, s2  }
0xef: {  	s0 =	sshll.u32 s22, $0x7  }
0xf0: {  	[tilespmem:s0+$0x108] =	vst v1  }
0xf1: {  	v1 =	vld [tilespmem:s25+$0xFFFFFFD0];
	_ =	sdelay $0x4  }
0xf2: {  	[tilespmem:s0+$0x118] =	vst v1  }
0xf3: {  	v1 =	vld [tilespmem:s25+$0xFFFFFFE0];
	_ =	sdelay $0x4  }
0xf4: {  	[tilespmem:s0+$0x128] =	vst v1  }
0xf5: {  	v1 =	vld [tilespmem:s25+$0xFFFFFFF0];
	_ =	sdelay $0x4  }
0xf6: {  	[tilespmem:s0+$0x138] =	vst v1  }
0xf7: {  	v1 =	vld [tilespmem:s25+$0x0];
	_ =	sdelay $0x4  }
0xf8: {  	[tilespmem:s0+$0x148] =	vst v1  }
0xf9: {  	v1 =	vld [tilespmem:s25+$0x10];
	_ =	sdelay $0x4  }
0xfa: {  	[tilespmem:s0+$0x158] =	vst v1  }
0xfb: {  	v1 =	vld [tilespmem:s25+$0x20];
	_ =	sdelay $0x4  }
0xfc: {  	[tilespmem:s0+$0x168] =	vst v1  }
0xfd: {  	v1 =	vld [tilespmem:s25+$0x30]  }
.Ltmp15:
0xfe: {  	_ = 	snop;
	(pc) =	sbr.rel .LBB2_17-.Ltmp15, $2  }
0xff: {  	_ =	sdelay $0x2  }
0x100: {  	s28 =	sadd.s32 $0x1, s28;
	[tilespmem:s0+$0x178] =	vst v1  }
.LBB2_19:
.Ltmp16:
0x101: {  	(pc) =	sbr.rel .LBB2_20-.Ltmp16, $4  }
0x102: {  	_ = 	snop  }
0x103: {  	s0 =	simm.s32 $0x2  }
0x104: {  	_ =	swait.ge [sflag:s0], $0x0  }
0x105: {  	s30 =	smov.u32 s29;
	[sflag:s0] =	ssyncset.done $0x0;
	s0 =	simm.s32 $0x0  }
.LBB2_22:
0x106: {  	_ =	sfence.sel $0x180000  }
0x107: {  	s0 =	simm.s32 $0x9;
	[bflag:$0x0] =	sbarrier.arrive $0xFFFF  }
0x108: {  	s24 =	simm.s32 $0xA;
	[sflag:s0] =	ssyncpa.u1 $0x1  }
0x109: {  	s25 =	simm.s32 $0xB;
	[sflag:s24] =	ssyncpa.u1 $0x1  }
0x10a: {  	s26 =	simm.s32 $0x2;
	[sflag:s25] =	ssyncpa.u1 $0x1  }
0x10b: {  	[sflag:s26] =	ssyncpa.u1 $0x1  }
0x10c: {  	v0 =	vld [tilespmem:$0xF208];
	_ =	sdelay $0x4  }
0x10d: {  	(v2sf) =	vpush v0, $0x0  }
0x10e: {  	(v2sf) =	vpush v0, $0x1;
	_ =	sdelay $0x1  }
0x10f: {  	(v2sf) =	vpush v0, $0x2;
	_ =	sdelay $0xb  }
0x110: {  	s0 =	spop (v2sf)  }
0x111: {  	s2 =	spop (v2sf)  }
0x112: {  	s3 =	smov.u32 s0;
	p0 =	sne.s32 s0, s2  }
0x113: {  	s4 =	spop (v2sf);
	s3 =	simm.s32 @!p0 $0xFFFFFFFF  }
0x114: {  	v2 =	vimm.s32 $0x1;
	v3 =	vlaneseq.u32;
	p0 =	seq.s32 s4, $0xFFFFFFFF;
	v1 =	vmov s3  }
0x115: {  	s16 =	stileid.u32;
	v0 =	vperm.xlane v0, v2;
	p1 =	sne.s32 @!p0 s0, s2;
	v1 =	vperm.xlane v1, v3  }
0x116: {  	vm0 =	vcmask $0x3F04;
	s6 =	simm.s32 $0xF208;
	s0 =	simm.s32 @!p0 $0x1;
	p1 =	por !p1, p0  }
0x117: {  	s3 =	sshll.u32 s16, $0x1;
	s2 =	sshll.u32 @!p0 s4, $0x9;
	s0 =	simm.s32 @p1 $0x0;
	v0 =	vsel vm0, v1, v0  }
0x118: {  	s5 =	sor.u32 $0x1000, s3;
	s2 =	sshra.s32 @!p0 s2, $0x2;
	s0 =	sor.u32 @!p0 s0, s3;
	[tilespmem:$0xF208] =	vst v0  }
0x119: {  	[spmem:s5] =	stream.linear.scatter [tilespmem:s6], [sflag:$0x1], $0x2, $0x38;
	[tilespmem:$0x1F6F8] =	vst v63  }
0x11a: {  	s2 =	sadd.s32 @!p0 $0x108, s2;
	s0 =	sshll.u32 @!p0 s0, $0x7  }
0x11b: {  	[spmem:s0] =	stream.linear.scatter @!p0 [tilespmem:s2], [sflag:$0x1], $0x80, $0x38;
	[tilespmem:$0x1F6F8] =	vst v63  }
0x11c: {  	s0 =	simm.s32 @!p0 $0x82  }
0x11d: {  	s28 =	simm.s32 $0x1;
	s0 =	simm.s32 @p0 $0x2  }
0x11e: {  	_ =	swait.ge [sflag:s28], s0  }
0x11f: {  	s0 =	ssub.s32 $0x0, s0;
	[sflag:s28] =	ssyncset.done $0x0  }
0x120: {  	p0 =	sne.s32 s16, $0x0;
	[sflag:s28] =	ssyncadd.s32 s0  }
.Ltmp17:
0x121: {  	_ =	sfence.stream.spmem;
	(pc) =	sbr.rel @p0 .LBB2_39-.Ltmp17, $4  }
0x122: {  	s29 =	simm.s32 $0x3;
	[bflag:$0x0] =	sbarrier.arrive $0xFFFF  }
0x123: {  	s30 =	simm.s32 $0x4;
	[sflag:s29] =	ssyncpa.u1 $0x1  }
0x124: {  	s31 =	simm.s32 $0x3C;
	[sflag:s30] =	ssyncpa.u1 $0x1  }
0x125: {  	s15 =	rddreg [dreg:$0x4];
	[sflag:s31] =	ssyncpa.u1 $0x1  }
0x126: {  	_ =	sfence.stream.spmem;
	s0 =	simm.s32 $0x5  }
0x127: {  	s2 =	simm.s32 $0x1000;
	s3 =	simm.s32 $0xF218;
	[sflag:s0] =	ssyncpa.u1 $0x0  }
0x128: {  	[tilespmem:s3], [sflag:$0x5] =	stream.linear.gather [spmem:s2], $0x20, $0x38;
	[tilespmem:$0x1F6F8] =	vst v63  }
0x129: {  	s26 =	simm.s32 $0x0;
	s28 =	simm.s32 $0xF238  }
0x12a: {  	[tilespmem:s28], [sflag:$0x5] =	stream.linear.gather [spmem:s26], $0x1000, $0x38;
	[tilespmem:$0x1F6F8] =	vst v63  }
0x12b: {  	_ =	swait.ge [sflag:s0], $0x1020  }
0x12c: {  	[sflag:s0] =	ssyncset.done $0x0  }
0x12d: {  	s29 =	simm.s32 $0x0;
	[sflag:s0] =	ssyncadd.s32 $0xFFFFEFE0  }
0x12e: {  	v0 =	vld.msk [tilespmem:s29+$0xF218], $0x1;
	_ =	sdelay $0x1  }
0x12f: {  	s30 =	simm.s32 $0x1  }
0x130: {  	v1 =	vld.msk [tilespmem:s30+$0xF218], $0x1;
	_ =	sdelay $0x1  }
0x131: {  	(v2sf) =	vpush v0, $0x0;
	_ =	sdelay $0x2  }
0x132: {  	(v2sf) =	vpush v1, $0x0;
	_ =	sdelay $0x2  }
0x133: {  	s31 =	simm.s32 $0x2  }
0x134: {  	v0 =	vld.msk [tilespmem:s31+$0xF218], $0x1;
	_ =	sdelay $0x2  }
0x135: {  	s4 =	simm.s32 $0xFFFFFFFF;
	s5 =	simm.s32 $0xFFFFFFFF;
	s0 =	simm.s32 $0xC  }
.LBB2_24:
0x136: {  	s2 =	smov.u32 s5;
	s3 =	smov.u32 s4  }
0x137: {  	s4 =	sshra.s32 s0, $0x2;
	p1 =	sne.s32 s0, $0x7C;
	s0 =	sadd.s32 $0x4, s0;
	(v2sf) =	vpush v0, $0x0  }
0x138: {  	v0 =	vld.msk [tilespmem:s4+$0xF218], $0x1  }
.Ltmp18:
0x139: {  	(pc) =	sbr.rel @p1 .LBB2_24-.Ltmp18, $4  }
0x13a: {  	s5 =	spop (v2sf)  }
0x13b: {  	p2 =	sne.s32 s3, $0xFFFFFFFF;
	s4 =	smov.u32 s5  }
0x13c: {  	p3 =	seq.s32 s5, $0xFFFFFFFF;
	s4 =	smov.u32 @p2 s3  }
0x13d: {  	s5 =	smov.u32 @p3 s2;
	s4 =	smov.u32 @p3 s3  }
0x13e: {  	(v2sf) =	vpush v0, $0x0;
	_ =	sdelay $0x8  }
0x13f: {  	s0 =	spop (v2sf)  }
0x140: {  	p1 =	sne.s32 s4, $0xFFFFFFFF;
	s2 =	smov.u32 s0  }
0x141: {  	s9 =	simm.s32 $0x6;
	p2 =	seq.s32 s0, $0xFFFFFFFF;
	s2 =	smov.u32 @p1 s4  }
0x142: {  	s6 =	simm.s32 $0x0;
	s2 =	smov.u32 @p2 s4;
	s3 =	spop (v2sf)  }
0x143: {  	s0 =	smov.u32 @p2 s5;
	p1 =	sne.s32 s2, $0xFFFFFFFF;
	s4 =	smov.u32 s3  }
.Ltmp19:
0x144: {  	p2 =	seq.s32 s3, $0xFFFFFFFF;
	s4 =	smov.u32 @p1 s2;
	(pc) =	sbr.rel .LBB2_26-.Ltmp19, $4  }
0x145: {  	s10 =	simm.s32 $0xF188;
	s4 =	smov.u32 @p2 s2;
	s7 =	spop (v2sf)  }
0x146: {  	s11 =	simm.s32 $0x0;
	p1 =	sne.s32 s4, $0xFFFFFFFF;
	s8 =	smov.u32 s7  }
0x147: {  	s3 =	smov.u32 @p2 s0;
	p2 =	seq.s32 s7, $0xFFFFFFFF;
	s8 =	smov.u32 @p1 s4  }
0x148: {  	[sflag:s9] =	ssyncpa.u1 $0x0;
	s7 =	smov.u32 @p2 s3;
	s8 =	smov.u32 @p2 s4  }
.LBB2_32:
0x149: {  	p1 =	sgt.u32 s12, $0x9C3F0  }
0x14a: {  	p2 =	seq.s32 @!p1 s12, s8  }
0x14b: {  	p1 =	por p1, p2  }
0x14c: {  	p2 =	sne.s32 @!p1 s12, s7  }
0x14d: {  	p1 =	por p1, !p2  }
0x14e: {  	s0 =	sshll.u32 @p1 s11, $0x9  }
0x14f: {  	s0 =	sand.u32 @!p1 $0xFFFF8, s12  }
0x150: {  	s2 =	sand.u32 @!p1 $0x7, s12;
	s0 =	sadd.s32 @!p1 s1, s0  }
0x151: {  	[tilespmem:s10], [sflag:$0x6] =	stream.linear.gather @!p1 [hbm4b:s0+s2], $0x80, $0x38;
	[tilespmem:$0x1F6F8] =	vst v63  }
0x152: {  	_ =	swait.ge @!p1 [sflag:s9], $0x80  }
0x153: {  	[sflag:s9] =	ssyncset.done @!p1 $0x0  }
0x154: {  	[sflag:s9] =	ssyncadd.s32 @!p1 $0xFFFFFF80  }
0x155: {  	v1 =	vld @!p1 [tilespmem:$0xF188];
	_ =	sdelay $0x2  }
0x156: {  	s0 =	sshll.u32 @!p1 s11, $0x9  }
0x157: {  	s2 =	sshrl.u32 @!p1 s0, $0x2  }
0x158: {  	[tilespmem:s2+$0xF238] =	vst.add.f32.msk @!p1 $0xffff, v1  }
0x159: {  	v1 =	vld @!p1 [tilespmem:$0xF198];
	_ =	sdelay $0x4  }
0x15a: {  	[tilespmem:s2+$0xF248] =	vst.add.f32.msk @!p1 $0xffff, v1  }
0x15b: {  	v1 =	vld @!p1 [tilespmem:$0xF1A8];
	_ =	sdelay $0x4  }
0x15c: {  	[tilespmem:s2+$0xF258] =	vst.add.f32.msk @!p1 $0xffff, v1  }
0x15d: {  	v1 =	vld @!p1 [tilespmem:$0xF1B8];
	_ =	sdelay $0x4  }
0x15e: {  	[tilespmem:s2+$0xF268] =	vst.add.f32.msk @!p1 $0xffff, v1  }
0x15f: {  	v1 =	vld @!p1 [tilespmem:$0xF1C8];
	_ =	sdelay $0x4  }
0x160: {  	[tilespmem:s2+$0xF278] =	vst.add.f32.msk @!p1 $0xffff, v1  }
0x161: {  	v1 =	vld @!p1 [tilespmem:$0xF1D8];
	_ =	sdelay $0x4  }
0x162: {  	[tilespmem:s2+$0xF288] =	vst.add.f32.msk @!p1 $0xffff, v1  }
0x163: {  	v1 =	vld @!p1 [tilespmem:$0xF1E8];
	_ =	sdelay $0x4  }
0x164: {  	[tilespmem:s2+$0xF298] =	vst.add.f32.msk @!p1 $0xffff, v1  }
0x165: {  	v1 =	vld @!p1 [tilespmem:$0xF1F8];
	_ =	sdelay $0x4  }
0x166: {  	[tilespmem:s2+$0xF2A8] =	vst.add.f32.msk @!p1 $0xffff, v1  }
0x167: {  	s0 =	sshrl.u32 s0, $0x2;
	[tilespmem:s6+$0xF218] =	vst.msk $0x1, v0  }
0x168: {  	v0 =	vld [tilespmem:s0+$0xF238];
	_ =	sdelay $0x2  }
0x169: {  	s31 =	sshll.u32 s6, $0x9  }
0x16a: {  	s2 =	sshra.s32 s31, $0x2  }
0x16b: {  	[tilespmem:s2+$0xF238] =	vst v0  }
0x16c: {  	v0 =	vld [tilespmem:s0+$0xF248];
	_ =	sdelay $0x4  }
0x16d: {  	[tilespmem:s2+$0xF248] =	vst v0  }
0x16e: {  	v0 =	vld [tilespmem:s0+$0xF258];
	_ =	sdelay $0x4  }
0x16f: {  	[tilespmem:s2+$0xF258] =	vst v0  }
0x170: {  	v0 =	vld [tilespmem:s0+$0xF268];
	_ =	sdelay $0x4  }
0x171: {  	[tilespmem:s2+$0xF268] =	vst v0  }
0x172: {  	v0 =	vld [tilespmem:s0+$0xF278];
	_ =	sdelay $0x4  }
0x173: {  	[tilespmem:s2+$0xF278] =	vst v0  }
0x174: {  	v0 =	vld [tilespmem:s0+$0xF288];
	_ =	sdelay $0x4  }
0x175: {  	[tilespmem:s2+$0xF288] =	vst v0  }
0x176: {  	v0 =	vld [tilespmem:s0+$0xF298];
	_ =	sdelay $0x4  }
0x177: {  	[tilespmem:s2+$0xF298] =	vst v0  }
0x178: {  	v0 =	vld [tilespmem:s0+$0xF2A8];
	_ =	sdelay $0x4  }
0x179: {  	s6 =	sadd.s32 $0x1, s6;
	[tilespmem:s2+$0xF2A8] =	vst v0  }
.LBB2_33:
0x17a: {  	s11 =	sadd.s32 $0x1, s11  }
0x17b: {  	p1 =	sne.s32 s11, $0x20  }
.Ltmp20:
0x17c: {  	_ = 	snop;
	(pc) =	sbr.rel @!p1 .LBB2_34-.Ltmp20, $1  }
0x17d: {  	_ =	sdelay $0x3  }
.LBB2_26:
0x17e: {  	v0 =	vld.msk [tilespmem:s11+$0xF218], $0x1;
	_ =	sdelay $0x4  }
0x17f: {  	(v2sf) =	vpush v0, $0x0;
	_ =	sdelay $0xe  }
0x180: {  	s12 =	spop (v2sf)  }
0x181: {  	p1 =	seq.s32 s12, $0xFFFFFFFF  }
.Ltmp21:
0x182: {  	_ = 	snop;
	(pc) =	sbr.rel @p1 .LBB2_33-.Ltmp21, $1  }
0x183: {  	_ =	sdelay $0x3  }
0x184: {  	p1 =	slt.s32 s6, $0x1  }
.Ltmp22:
0x185: {  	_ = 	snop;
	(pc) =	sbr.rel @p1 .LBB2_32-.Ltmp22, $1  }
0x186: {  	_ =	sdelay $0x3  }
0x187: {  	s13 =	simm.s32 $0xF218;
	p1 =	por $0x0, $0x0  }
0x188: {  	v1 =	vld.msk @!p1 [tilespmem:s13+$0x0], $0x1;
	_ =	sdelay $0x4  }
0x189: {  	(v2sf) =	vpush @!p1 v1, $0x0;
	_ =	sdelay $0xd  }
0x18a: {  	p3 =	sne.s32 s6, $0x1  }
.Ltmp23:
0x18b: {  	s0 =	spop @!p1 (v2sf);
	(pc) =	sbr.rel @!p3 .LBB2_30-.Ltmp23, $4  }
0x18c: {  	p2 =	seq.s32 @!p1 s12, s0  }
0x18d: {  	s14 =	simm.s32 $0x0;
	p2 =	por !p2, p1  }
0x18e: {  	s2 =	simm.s32 $0xFFFFFFFF;
	s14 =	simm.s32 @p2 $0xFFFFFFFF  }
0x18f: {  	s0 =	simm.s32 $0x1;
	s14 =	smov.u32 @p1 s2  }
.LBB2_29:
0x190: {  	s2 =	smov.u32 s14;
	p1 =	sne.s32 s14, $0xFFFFFFFF  }
0x191: {  	s13 =	sadd.s32 $0x1, s13;
	s14 =	smov.u32 s0;
	s0 =	sadd.s32 $0x1, s0  }
0x192: {  	p2 =	sne.s32 s6, s0;
	v1 =	vld.msk @!p1 [tilespmem:s13+$0x0], $0x1;
	_ =	sdelay $0x4  }
0x193: {  	(v2sf) =	vpush @!p1 v1, $0x0;
	_ =	sdelay $0xe  }
.Ltmp24:
0x194: {  	s3 =	spop @!p1 (v2sf);
	(pc) =	sbr.rel @p2 .LBB2_29-.Ltmp24, $4  }
0x195: {  	p3 =	seq.s32 @!p1 s12, s3  }
0x196: {  	p3 =	por !p3, p1  }
0x197: {  	s14 =	simm.s32 @p3 $0xFFFFFFFF  }
0x198: {  	s14 =	smov.u32 @p1 s2  }
.LBB2_30:
0x199: {  	p1 =	seq.s32 s14, $0xFFFFFFFF  }
.Ltmp25:
0x19a: {  	_ = 	snop;
	(pc) =	sbr.rel @p1 .LBB2_32-.Ltmp25, $1  }
0x19b: {  	_ =	sdelay $0x3  }
0x19c: {  	s0 =	sshll.u32 s11, $0x7  }
0x19d: {  	s0 =	sand.u32 $0x3FFFFF80, s0  }
0x19e: {  	v0 =	vld [tilespmem:s0+$0xF238];
	_ =	sdelay $0x2  }
0x19f: {  	s2 =	sshll.u32 s14, $0x9  }
0x1a0: {  	s2 =	sshra.s32 s2, $0x2  }
0x1a1: {  	[tilespmem:s2+$0xF238] =	vst.add.f32.msk $0xffff, v0  }
0x1a2: {  	v0 =	vld [tilespmem:s0+$0xF248];
	_ =	sdelay $0x4  }
0x1a3: {  	[tilespmem:s2+$0xF248] =	vst.add.f32.msk $0xffff, v0  }
0x1a4: {  	v0 =	vld [tilespmem:s0+$0xF258];
	_ =	sdelay $0x4  }
0x1a5: {  	[tilespmem:s2+$0xF258] =	vst.add.f32.msk $0xffff, v0  }
0x1a6: {  	v0 =	vld [tilespmem:s0+$0xF268];
	_ =	sdelay $0x4  }
0x1a7: {  	[tilespmem:s2+$0xF268] =	vst.add.f32.msk $0xffff, v0  }
0x1a8: {  	v0 =	vld [tilespmem:s0+$0xF278];
	_ =	sdelay $0x4  }
0x1a9: {  	[tilespmem:s2+$0xF278] =	vst.add.f32.msk $0xffff, v0  }
0x1aa: {  	v0 =	vld [tilespmem:s0+$0xF288];
	_ =	sdelay $0x4  }
0x1ab: {  	[tilespmem:s2+$0xF288] =	vst.add.f32.msk $0xffff, v0  }
0x1ac: {  	v0 =	vld [tilespmem:s0+$0xF298];
	_ =	sdelay $0x4  }
0x1ad: {  	[tilespmem:s2+$0xF298] =	vst.add.f32.msk $0xffff, v0  }
0x1ae: {  	v0 =	vld [tilespmem:s0+$0xF2A8]  }
.Ltmp26:
0x1af: {  	_ = 	snop;
	(pc) =	sbr.rel .LBB2_33-.Ltmp26, $2  }
0x1b0: {  	_ =	sdelay $0x2  }
0x1b1: {  	[tilespmem:s2+$0xF2A8] =	vst.add.f32.msk $0xffff, v0  }
.LBB2_34:
0x1b2: {  	s0 =	simm.s32 $0x6;
	p1 =	seq.s32 s6, $0x0  }
0x1b3: {  	[sflag:s0] =	ssyncpa.u1 $0x1;
	v0 =	vimm.s32 @p1 $0xFFFFFFFF  }
0x1b4: {  	s9 =	sadd.s32 $0xFFFFFFFF, s6;
	[tilespmem:$0x10238] =	vst @p1 v0  }
0x1b5: {  	v0 =	vld.msk @!p1 [tilespmem:s9+$0xF218], $0x1;
	_ =	sdelay $0x1  }
0x1b6: {  	v1 =	vld.msk @!p1 [tilespmem:$0xF218], $0x1;
	_ =	sdelay $0x2  }
0x1b7: {  	p2 =	seq.s32 @!p1 s9, $0x0;
	v0 =	vbroadcast @!p1 v0, $0x0  }
0x1b8: {  	vm0 =	vmmov @!p1 $0x1;
	p2 =	por !p2, p1  }
0x1b9: {  	v1 =	vnsel @!p1 vm0, $0xFFFFFFFF, v1;
	vm0 =	vcmask @!p1 $0x308;
	v0 =	vpsel !p2, $0xFFFFFFFF, v0  }
0x1ba: {  	p2 =	sne.s32 @!p1 s8, s7;
	v0 =	vsel @!p1 vm0, v1, v0  }
0x1bb: {  	s0 =	simm.s32 @!p1 $0xF238;
	s2 =	simm.s32 @!p1 $0x0;
	p3 =	por !p2, p1;
	[tilespmem:$0x10238] =	vst @!p1 v0  }
0x1bc: {  	[spmem:s2] =	stream.linear.scatter @!p1 [tilespmem:s0], [sflag:$0x1], $0x80, $0x38;
	[tilespmem:$0x1F6F8] =	vst v63  }
0x1bd: {  	s0 =	sshll.u32 @!p3 s9, $0x9  }
0x1be: {  	s0 =	sshra.s32 @!p3 s0, $0x2  }
0x1bf: {  	s2 =	simm.s32 @!p3 $0x80;
	s0 =	sadd.s32 @!p3 $0xF238, s0  }
0x1c0: {  	[spmem:s2] =	stream.linear.scatter @!p3 [tilespmem:s0], [sflag:$0x1], $0x80, $0x38;
	[tilespmem:$0x1F6F8] =	vst v63  }
0x1c1: {  	s0 =	simm.s32 @!p3 $0x1  }
0x1c2: {  	_ =	swait.ge @!p3 [sflag:s0], $0x100  }
0x1c3: {  	p1 =	por p2, p1;
	[sflag:s0] =	ssyncset.done @!p3 $0x0  }
0x1c4: {  	[sflag:s0] =	ssyncadd.s32 @!p3 $0xFFFFFF00;
	s0 =	simm.s32 @!p1 $0x1  }
0x1c5: {  	_ =	swait.ge @!p1 [sflag:s0], $0x80  }
0x1c6: {  	s29 =	simm.s32 $0x10238;
	[sflag:s0] =	ssyncset.done @!p1 $0x0  }
0x1c7: {  	s30 =	simm.s32 $0x1000;
	s31 =	simm.s32 $0x1;
	[sflag:s0] =	ssyncadd.s32 @!p1 $0xFFFFFF80  }
0x1c8: {  	[spmem:s30] =	stream.linear.scatter [tilespmem:s29], [sflag:$0x1], $0x10, $0x38;
	[tilespmem:$0x1F6F8] =	vst v63  }
0x1c9: {  	_ =	swait.ge [sflag:s31], $0x10  }
0x1ca: {  	[sflag:s31] =	ssyncset.done $0x0  }
0x1cb: {  	p1 =	seq.s32 s15, $0x0;
	s8 =	rddreg [dreg:$0x1];
	[sflag:s31] =	ssyncadd.s32 $0xFFFFFFF0  }
0x1cc: {  	s2 =	sshll.u32 @p1 s8, $0xE;
	s7 =	rddreg [dreg:$0x2]  }
0x1cd: {  	s0 =	sadd.s32 @p1 $0x15C3C, s2;
	s2 =	sshll.u32 @p1 s7, $0x11  }
0x1ce: {  	_ =	sfence.stream.spmem;
	s0 =	sor.u32 @p1 s2, s0  }
0x1cf: {  	[sflag:s0] =	ssyncadd.remote.s32 @p1 $0x1;
	s0 =	simm.s32 @p1 $0x4  }
0x1d0: {  	s3 =	simm.s32 @!p1 $0x3C;
	s2 =	sand.u32 $0xFFFFFFFE, s8;
	_ =	swait.ge @p1 [sflag:s0], $0x22  }
0x1d1: {  	s4 =	simm.s32 @!p1 $0x0;
	s2 =	sadd.s32 @!p1 $0x4, s2;
	[sflag:s0] =	ssyncset.done @p1 $0x0  }
0x1d2: {  	s5 =	simm.s32 @!p1 $0x100;
	[sflag:s0] =	ssyncadd.s32 @p1 $0xFFFFFFDE;
	s0 =	sshll.u32 @!p1 s2, $0x1A  }
0x1d3: {  	s2 =	sshll.u32 @!p1 s2, $0xD;
	s0 =	sor.u32 @!p1 s0, s7;
	_ =	swait.eq @!p1 [sflag:s3], $0x1  }
0x1d4: {  	s2 =	sor.u32 @!p1 $0x1C04, s2;
	s3 =	simm.s32 @!p1 $0x1C03;
	s0 =	sor.u32 @!p1 $0x80004000, s0  }
0x1d5: {  	[spmem:s5], [sflag:s2] =	dma.general @!p1 [spmem:s4], [sflag:s3], length:$0x20, [dreg:$0x0], stride_count:$0x0, ici_dest:s0, dma_misc:DstOpCode:WRITE  }
0x1d6: {  	p2 =	slt.s32 s9, $0x2;
	s4 =	simm.s32 @!p1 $0x200;
	s5 =	simm.s32 @!p1 $0x202  }
0x1d7: {  	[spmem:s5], [sflag:s2] =	dma.general @!p1 [spmem:s4], [sflag:s3], length:$0x2, [dreg:$0x0], stride_count:$0x0, ici_dest:s0, dma_misc:DstOpCode:WRITE  }
.Ltmp27:
0x1d8: {  	s0 =	simm.s32 @!p1 $0x3;
	(pc) =	sbr.rel @p2 .LBB2_38-.Ltmp27, $4  }
0x1d9: {  	s2 =	sshll.u32 @!p1 s8, $0xE;
	_ =	swait.ge @!p1 [sflag:s0], $0x22  }
0x1da: {  	s3 =	sshll.u32 @!p1 s7, $0x11;
	s2 =	sadd.s32 @!p1 $0x11C3C, s2;
	[sflag:s0] =	ssyncset.done @!p1 $0x0  }
0x1db: {  	[sflag:s0] =	ssyncadd.s32 @!p1 $0xFFFFFFDE;
	s0 =	sor.u32 @!p1 s3, s2  }
0x1dc: {  	[sflag:s0] =	ssyncadd.remote.s32 @!p1 $0xFFFFFFFF;
	s0 =	simm.s32 $0x0  }
0x1dd: {  	s0 =	simm.s32 $0xF219  }
0x1de: {  	v0 =	vld.msk [tilespmem:s0+$0x0], $0x1;
	_ =	sdelay $0x4  }
0x1df: {  	(v2sf) =	vpush v0, $0x0;
	_ =	sdelay $0xb  }
0x1e0: {  	s31 =	sadd.s32 $0xFFFFFFFE, s6  }
0x1e1: {  	s0 =	sadd.s32 $0xFFFFFFFF, s31  }
0x1e2: {  	p2 =	sne.s32 s0, $0x0  }
.Ltmp28:
0x1e3: {  	s2 =	spop (v2sf);
	(pc) =	sbr.rel @!p2 .LBB2_37-.Ltmp28, $4  }
0x1e4: {  	s4 =	simm.s32 $0xF2B8;
	s7 =	simm.s32 $0x0;
	p1 =	sgt.u32 s2, $0x9C3F0  }
0x1e5: {  	s5 =	simm.s32 $0x0;
	s6 =	simm.s32 $0xF21A;
	s3 =	sand.u32 @!p1 $0xFFFF8, s2  }
0x1e6: {  	s2 =	sand.u32 @!p1 $0x7, s2;
	s7 =	simm.s32 @!p1 $0x200;
	s3 =	sadd.s32 @!p1 s1, s3  }
0x1e7: {  	[hbm4b:s3+s2] =	stream.linear.scatter @!p1 [tilespmem:s4], [sflag:$0x5], $0x80, $0x38;
	[tilespmem:$0x1F6F8] =	vst v63  }
.LBB2_36:
0x1e8: {  	v0 =	vld.msk [tilespmem:s6+$0x0], $0x1;
	s0 =	sadd.s32 $0xFFFFFFFF, s0;
	s5 =	sadd.s32 s5, s7  }
0x1e9: {  	p1 =	sne.s32 s0, $0x0;
	_ =	sdelay $0x3  }
0x1ea: {  	(v2sf) =	vpush v0, $0x0;
	_ =	sdelay $0xe  }
.Ltmp29:
0x1eb: {  	s2 =	spop (v2sf);
	(pc) =	sbr.rel @p1 .LBB2_36-.Ltmp29, $4  }
0x1ec: {  	s7 =	simm.s32 $0x0;
	p2 =	sgt.u32 s2, $0x9C3F0  }
0x1ed: {  	s4 =	sadd.s32 $0x80, s4;
	s7 =	simm.s32 @!p2 $0x200;
	s3 =	sand.u32 @!p2 $0xFFFF8, s2  }
0x1ee: {  	s6 =	sadd.s32 $0x1, s6;
	s2 =	sand.u32 @!p2 $0x7, s2;
	s3 =	sadd.s32 @!p2 s1, s3  }
0x1ef: {  	[hbm4b:s3+s2] =	stream.linear.scatter @!p2 [tilespmem:s4], [sflag:$0x5], $0x80, $0x38;
	[tilespmem:$0x1F6F8] =	vst v63  }
.LBB2_37:
0x1f0: {  	s0 =	sadd.s32 s5, s7  }
0x1f1: {  	s0 =	sshrl.u32 s0, $0x2  }
.LBB2_38:
0x1f2: {  	s2 =	simm.s32 $0x5  }
0x1f3: {  	_ =	swait.ge [sflag:s2], s0  }
0x1f4: {  	s31 =	ssub.s32 $0x0, s0;
	[sflag:s2] =	ssyncset.done $0x0  }
0x1f5: {  	[sflag:s2] =	ssyncadd.s32 s31  }
0x1f6: {  	[sflag:s2] =	ssyncpa.u1 $0x1  }
.LBB2_39:
0x1f7: {  	s0 =	sor.u32 s15, s16  }
0x1f8: {  	p1 =	sne.s32 s0, $0x0  }
.Ltmp30:
0x1f9: {  	_ = 	snop;
	(pc) =	sbr.rel @p1 .LBB2_54-.Ltmp30, $3  }
0x1fa: {  	_ =	sdelay $0x1  }
0x1fb: {  	[bflag:$0x0] =	sbarrier.arrive $0xFFFF  }
0x1fc: {  	_ =	sfence  }
0x1fd: {  	s0 =	simm.s32 $0x7  }
0x1fe: {  	s2 =	simm.s32 $0x1000;
	s3 =	simm.s32 $0xF218;
	[sflag:s0] =	ssyncpa.u1 $0x0  }
0x1ff: {  	[tilespmem:s3], [sflag:$0x7] =	stream.linear.gather [spmem:s2], $0x20, $0x38;
	[tilespmem:$0x1F6F8] =	vst v63  }
0x200: {  	s30 =	simm.s32 $0xF238;
	s2 =	simm.s32 $0x0  }
0x201: {  	[tilespmem:s30], [sflag:$0x7] =	stream.linear.gather [spmem:s2], $0x1000, $0x38;
	[tilespmem:$0x1F6F8] =	vst v63  }
.Ltmp31:
0x202: {  	_ = 	snop;
	(pc) =	sbr.rel .LBB2_41-.Ltmp31, $4  }
0x203: {  	_ =	swait.ge [sflag:s0], $0x1020  }
0x204: {  	[sflag:s0] =	ssyncset.done $0x0  }
0x205: {  	s31 =	simm.s32 $0x8;
	[sflag:s0] =	ssyncadd.s32 $0xFFFFEFE0  }
0x206: {  	s3 =	simm.s32 $0x0;
	[sflag:s31] =	ssyncpa.u1 $0x0  }
.LBB2_47:
0x207: {  	p1 =	slt.u32 s4, $0x9C3F1  }
0x208: {  	s0 =	sand.u32 @p1 $0xFFFF8, s4  }
0x209: {  	s4 =	sand.u32 @p1 $0x7, s4;
	s5 =	simm.s32 @p1 $0xF188;
	s0 =	sadd.s32 @p1 s1, s0  }
0x20a: {  	[tilespmem:s5], [sflag:$0x8] =	stream.linear.gather @p1 [hbm4b:s0+s4], $0x80, $0x38;
	[tilespmem:$0x1F6F8] =	vst v63  }
0x20b: {  	s0 =	simm.s32 @p1 $0x8  }
0x20c: {  	_ =	swait.ge @p1 [sflag:s0], $0x80  }
0x20d: {  	[sflag:s0] =	ssyncset.done @p1 $0x0  }
0x20e: {  	[sflag:s0] =	ssyncadd.s32 @p1 $0xFFFFFF80  }
0x20f: {  	v1 =	vld @p1 [tilespmem:$0xF188];
	_ =	sdelay $0x2  }
0x210: {  	s0 =	sshll.u32 @p1 s3, $0x9  }
0x211: {  	s4 =	sshrl.u32 @p1 s0, $0x2  }
0x212: {  	[tilespmem:s4+$0xF238] =	vst.add.f32.msk @p1 $0xffff, v1  }
0x213: {  	v1 =	vld @p1 [tilespmem:$0xF198];
	_ =	sdelay $0x4  }
0x214: {  	[tilespmem:s4+$0xF248] =	vst.add.f32.msk @p1 $0xffff, v1  }
0x215: {  	v1 =	vld @p1 [tilespmem:$0xF1A8];
	_ =	sdelay $0x4  }
0x216: {  	[tilespmem:s4+$0xF258] =	vst.add.f32.msk @p1 $0xffff, v1  }
0x217: {  	v1 =	vld @p1 [tilespmem:$0xF1B8];
	_ =	sdelay $0x4  }
0x218: {  	[tilespmem:s4+$0xF268] =	vst.add.f32.msk @p1 $0xffff, v1  }
0x219: {  	v1 =	vld @p1 [tilespmem:$0xF1C8];
	_ =	sdelay $0x4  }
0x21a: {  	[tilespmem:s4+$0xF278] =	vst.add.f32.msk @p1 $0xffff, v1  }
0x21b: {  	v1 =	vld @p1 [tilespmem:$0xF1D8];
	_ =	sdelay $0x4  }
0x21c: {  	[tilespmem:s4+$0xF288] =	vst.add.f32.msk @p1 $0xffff, v1  }
0x21d: {  	v1 =	vld @p1 [tilespmem:$0xF1E8];
	_ =	sdelay $0x4  }
0x21e: {  	[tilespmem:s4+$0xF298] =	vst.add.f32.msk @p1 $0xffff, v1  }
0x21f: {  	v1 =	vld @p1 [tilespmem:$0xF1F8];
	_ =	sdelay $0x3  }
0x220: {  	s5 =	sshll.u32 @!p1 s3, $0x9  }
0x221: {  	s5 =	smov.u32 @p1 s0;
	[tilespmem:s4+$0xF2A8] =	vst.add.f32.msk @p1 $0xffff, v1  }
0x222: {  	s0 =	sshrl.u32 s5, $0x2;
	[tilespmem:s2+$0xF218] =	vst.msk $0x1, v0  }
0x223: {  	v0 =	vld [tilespmem:s0+$0xF238];
	_ =	sdelay $0x2  }
0x224: {  	s31 =	sshll.u32 s2, $0x9  }
0x225: {  	s4 =	sshra.s32 s31, $0x2  }
0x226: {  	[tilespmem:s4+$0xF238] =	vst v0  }
0x227: {  	v0 =	vld [tilespmem:s0+$0xF248];
	_ =	sdelay $0x4  }
0x228: {  	[tilespmem:s4+$0xF248] =	vst v0  }
0x229: {  	v0 =	vld [tilespmem:s0+$0xF258];
	_ =	sdelay $0x4  }
0x22a: {  	[tilespmem:s4+$0xF258] =	vst v0  }
0x22b: {  	v0 =	vld [tilespmem:s0+$0xF268];
	_ =	sdelay $0x4  }
0x22c: {  	[tilespmem:s4+$0xF268] =	vst v0  }
0x22d: {  	v0 =	vld [tilespmem:s0+$0xF278];
	_ =	sdelay $0x4  }
0x22e: {  	[tilespmem:s4+$0xF278] =	vst v0  }
0x22f: {  	v0 =	vld [tilespmem:s0+$0xF288];
	_ =	sdelay $0x4  }
0x230: {  	[tilespmem:s4+$0xF288] =	vst v0  }
0x231: {  	v0 =	vld [tilespmem:s0+$0xF298];
	_ =	sdelay $0x4  }
0x232: {  	[tilespmem:s4+$0xF298] =	vst v0  }
0x233: {  	v0 =	vld [tilespmem:s0+$0xF2A8];
	_ =	sdelay $0x4  }
0x234: {  	s2 =	sadd.s32 $0x1, s2;
	[tilespmem:s4+$0xF2A8] =	vst v0  }
.LBB2_48:
0x235: {  	s3 =	sadd.s32 $0x1, s3  }
0x236: {  	p1 =	sne.s32 s3, $0x20  }
.Ltmp32:
0x237: {  	_ = 	snop;
	(pc) =	sbr.rel @!p1 .LBB2_49-.Ltmp32, $1  }
0x238: {  	_ =	sdelay $0x3  }
.LBB2_41:
0x239: {  	v0 =	vld.msk [tilespmem:s3+$0xF218], $0x1;
	_ =	sdelay $0x4  }
0x23a: {  	(v2sf) =	vpush v0, $0x0;
	_ =	sdelay $0xe  }
0x23b: {  	s4 =	spop (v2sf)  }
0x23c: {  	p1 =	seq.s32 s4, $0xFFFFFFFF  }
.Ltmp33:
0x23d: {  	_ = 	snop;
	(pc) =	sbr.rel @p1 .LBB2_48-.Ltmp33, $1  }
0x23e: {  	_ =	sdelay $0x3  }
0x23f: {  	p1 =	slt.s32 s2, $0x1  }
.Ltmp34:
0x240: {  	_ = 	snop;
	(pc) =	sbr.rel @p1 .LBB2_47-.Ltmp34, $1  }
0x241: {  	_ =	sdelay $0x3  }
0x242: {  	s5 =	simm.s32 $0xF218;
	p1 =	por $0x0, $0x0  }
0x243: {  	v1 =	vld.msk @!p1 [tilespmem:s5+$0x0], $0x1;
	_ =	sdelay $0x4  }
0x244: {  	(v2sf) =	vpush @!p1 v1, $0x0;
	_ =	sdelay $0xd  }
0x245: {  	p3 =	sne.s32 s2, $0x1  }
.Ltmp35:
0x246: {  	s0 =	spop @!p1 (v2sf);
	(pc) =	sbr.rel @!p3 .LBB2_45-.Ltmp35, $4  }
0x247: {  	p2 =	seq.s32 @!p1 s4, s0  }
0x248: {  	s6 =	simm.s32 $0x0;
	p2 =	por !p2, p1  }
0x249: {  	s7 =	simm.s32 $0xFFFFFFFF;
	s6 =	simm.s32 @p2 $0xFFFFFFFF  }
0x24a: {  	s0 =	simm.s32 $0x1;
	s6 =	smov.u32 @p1 s7  }
.LBB2_44:
0x24b: {  	s7 =	smov.u32 s6;
	p1 =	sne.s32 s6, $0xFFFFFFFF  }
0x24c: {  	s5 =	sadd.s32 $0x1, s5;
	s6 =	smov.u32 s0;
	s0 =	sadd.s32 $0x1, s0  }
0x24d: {  	p2 =	sne.s32 s2, s0;
	v1 =	vld.msk @!p1 [tilespmem:s5+$0x0], $0x1;
	_ =	sdelay $0x4  }
0x24e: {  	(v2sf) =	vpush @!p1 v1, $0x0;
	_ =	sdelay $0xe  }
.Ltmp36:
0x24f: {  	s8 =	spop @!p1 (v2sf);
	(pc) =	sbr.rel @p2 .LBB2_44-.Ltmp36, $4  }
0x250: {  	p3 =	seq.s32 @!p1 s4, s8  }
0x251: {  	p3 =	por !p3, p1  }
0x252: {  	s6 =	simm.s32 @p3 $0xFFFFFFFF  }
0x253: {  	s6 =	smov.u32 @p1 s7  }
.LBB2_45:
0x254: {  	p1 =	seq.s32 s6, $0xFFFFFFFF  }
.Ltmp37:
0x255: {  	_ = 	snop;
	(pc) =	sbr.rel @p1 .LBB2_47-.Ltmp37, $1  }
0x256: {  	_ =	sdelay $0x3  }
0x257: {  	s0 =	sshll.u32 s3, $0x7  }
0x258: {  	s0 =	sand.u32 $0x3FFFFF80, s0  }
0x259: {  	v0 =	vld [tilespmem:s0+$0xF238];
	_ =	sdelay $0x2  }
0x25a: {  	s4 =	sshll.u32 s6, $0x9  }
0x25b: {  	s4 =	sshra.s32 s4, $0x2  }
0x25c: {  	[tilespmem:s4+$0xF238] =	vst.add.f32.msk $0xffff, v0  }
0x25d: {  	v0 =	vld [tilespmem:s0+$0xF248];
	_ =	sdelay $0x4  }
0x25e: {  	[tilespmem:s4+$0xF248] =	vst.add.f32.msk $0xffff, v0  }
0x25f: {  	v0 =	vld [tilespmem:s0+$0xF258];
	_ =	sdelay $0x4  }
0x260: {  	[tilespmem:s4+$0xF258] =	vst.add.f32.msk $0xffff, v0  }
0x261: {  	v0 =	vld [tilespmem:s0+$0xF268];
	_ =	sdelay $0x4  }
0x262: {  	[tilespmem:s4+$0xF268] =	vst.add.f32.msk $0xffff, v0  }
0x263: {  	v0 =	vld [tilespmem:s0+$0xF278];
	_ =	sdelay $0x4  }
0x264: {  	[tilespmem:s4+$0xF278] =	vst.add.f32.msk $0xffff, v0  }
0x265: {  	v0 =	vld [tilespmem:s0+$0xF288];
	_ =	sdelay $0x4  }
0x266: {  	[tilespmem:s4+$0xF288] =	vst.add.f32.msk $0xffff, v0  }
0x267: {  	v0 =	vld [tilespmem:s0+$0xF298];
	_ =	sdelay $0x4  }
0x268: {  	[tilespmem:s4+$0xF298] =	vst.add.f32.msk $0xffff, v0  }
0x269: {  	v0 =	vld [tilespmem:s0+$0xF2A8]  }
.Ltmp38:
0x26a: {  	_ = 	snop;
	(pc) =	sbr.rel .LBB2_48-.Ltmp38, $2  }
0x26b: {  	_ =	sdelay $0x2  }
0x26c: {  	[tilespmem:s4+$0xF2A8] =	vst.add.f32.msk $0xffff, v0  }
.LBB2_49:
0x26d: {  	p1 =	slt.s32 s2, $0x1  }
.Ltmp39:
0x26e: {  	_ = 	snop;
	(pc) =	sbr.rel @p1 .LBB2_53-.Ltmp39, $3  }
0x26f: {  	_ =	sdelay $0x1  }
0x270: {  	s0 =	simm.s32 $0x8  }
0x271: {  	s3 =	simm.s32 $0x0;
	[sflag:s0] =	ssyncpa.u1 $0x1  }
0x272: {  	s0 =	simm.s32 $0xF218  }
0x273: {  	v0 =	vld.msk [tilespmem:s0+$0x0], $0x1;
	_ =	sdelay $0x4  }
0x274: {  	(v2sf) =	vpush v0, $0x0;
	_ =	sdelay $0xe  }
0x275: {  	s0 =	sadd.s32 $0xFFFFFFFF, s2;
	s5 =	spop (v2sf)  }
0x276: {  	p2 =	sne.s32 s0, $0x0;
	p1 =	sgt.u32 s5, $0x9C3F0  }
.Ltmp40:
0x277: {  	s6 =	sand.u32 @!p1 $0xFFFF8, s5;
	(pc) =	sbr.rel @!p2 .LBB2_52-.Ltmp40, $4  }
0x278: {  	s4 =	simm.s32 $0xF238;
	s5 =	sand.u32 @!p1 $0x7, s5;
	s2 =	sadd.s32 @!p1 s1, s6  }
0x279: {  	[hbm4b:s2+s5] =	stream.linear.scatter @!p1 [tilespmem:s4], [sflag:$0x7], $0x80, $0x38;
	[tilespmem:$0x1F6F8] =	vst v63  }
0x27a: {  	s5 =	simm.s32 $0x0  }
0x27b: {  	s2 =	simm.s32 $0xF219;
	s5 =	simm.s32 @!p1 $0x200  }
.LBB2_51:
0x27c: {  	v0 =	vld.msk [tilespmem:s2+$0x0], $0x1;
	s0 =	sadd.s32 $0xFFFFFFFF, s0;
	s3 =	sadd.s32 s3, s5  }
0x27d: {  	p1 =	sne.s32 s0, $0x0;
	_ =	sdelay $0x3  }
0x27e: {  	(v2sf) =	vpush v0, $0x0;
	_ =	sdelay $0xe  }
.Ltmp41:
0x27f: {  	s6 =	spop (v2sf);
	(pc) =	sbr.rel @p1 .LBB2_51-.Ltmp41, $4  }
0x280: {  	s5 =	simm.s32 $0x0;
	p2 =	sgt.u32 s6, $0x9C3F0  }
0x281: {  	s4 =	sadd.s32 $0x80, s4;
	s5 =	simm.s32 @!p2 $0x200;
	s7 =	sand.u32 @!p2 $0xFFFF8, s6  }
0x282: {  	s2 =	sadd.s32 $0x1, s2;
	s6 =	sand.u32 @!p2 $0x7, s6;
	s7 =	sadd.s32 @!p2 s1, s7  }
0x283: {  	[hbm4b:s7+s6] =	stream.linear.scatter @!p2 [tilespmem:s4], [sflag:$0x7], $0x80, $0x38;
	[tilespmem:$0x1F6F8] =	vst v63  }
.LBB2_52:
0x284: {  	s0 =	sadd.s32 s3, s5  }
0x285: {  	s3 =	sshrl.u32 s0, $0x2  }
.LBB2_53:
0x286: {  	s0 =	simm.s32 $0x7  }
0x287: {  	_ =	swait.ge [sflag:s0], s3  }
0x288: {  	s1 =	ssub.s32 $0x0, s3;
	[sflag:s0] =	ssyncset.done $0x0  }
0x289: {  	[sflag:s0] =	ssyncadd.s32 s1  }
0x28a: {  	[sflag:s0] =	ssyncpa.u1 $0x1  }
.LBB2_54:
0x28b: {  	_ =	sfence;
	s0 =	simm.s32 $0x1  }
0x28c: {  	[sflag:s0] =	ssyncpa.u1 $0x1  }
0x28d: {  	_ =	strace $0x90000050  }
0x28e: {  	[bflag:$0x2] =	sbarrier.arrive $0xFFFF  }
0x28f: {  	s0 =	rddreg [dreg:$0x3]  }
0x290: {  	s0 =	sadd.s32 @!p0 $0x100000, s0  }
0x291: {  	[sflag:s0] =	ssyncadd.tile.s32 @!p0 $0x1;
	_ =	shalt  }
.Lfunc_end2:
_tile_overlayer_lowered:
.L_overlay_start_2:
0x292: {  	(tag) =	ssettag $0x2  }
0x293: {  	s0 =	rddreg [dreg:$0x0];
	s2 =	stileid.u32  }
0x294: {  	s1 =	rddreg [dreg:$0x1];
	p0 =	sne.s32 s2, $0x0  }
0x295: {  	s3 =	rddreg [dreg:$0x2];
	[bflag:$0x3] =	sbarrier.arrive $0xFFFF;
	s2 =	simm.s32 @!p0 $0x1C01  }
0x296: {  	[timem:s3], [sflag:s2] =	dma.local @!p0 [hbm:s0], s1  }
0x297: {  	s0 =	simm.s32 @!p0 $0x1  }
0x298: {  	_ =	swait.ge @!p0 [sflag:s0], s1  }
0x299: {  	s1 =	ssub.s32 @!p0 $0x0, s1;
	[sflag:s0] =	ssyncset.done @!p0 $0x0  }
0x29a: {  	[sflag:s0] =	ssyncadd.s32 @!p0 s1  }
0x29b: {  	[bflag:$0x3] =	sbarrier.arrive $0xFFFF  }
0x29c: {  	_ =	shalt  }

// kernel: scatter_offload_async_start
scs
__scs_entry_jumppad:
0x0: {  	(pc) =	sbr.rel $0x88, $3  }
0x1: {  	(tag) =	ssettag $0x0;
	lr =	simm.s32 $0x1  }
0x2: {  	[smem:$0x3F90] =	sst lr;
	_ =	strace $0xD0000000  }
0x3: {  	_ = 	snop  }
0x4: {  	_ = 	snop  }
0x5: {  	_ = 	snop  }
0x6: {  	_ = 	snop  }
0x7: {  	_ = 	snop  }
__scs_overlays_trampoline_lowered:
0x8: {  	[smem:$0x3F9F] =	sst s0  }
0x9: {  	[smem:$0x3FA0] =	sst s1  }
0xa: {  	[smem:$0x3FA1] =	sst s2  }
0xb: {  	[smem:$0x3FA2] =	sst s3  }
0xc: {  	[smem:$0x3FA3] =	sst s4  }
0xd: {  	[smem:$0x3FA4] =	sst s5  }
0xe: {  	[smem:$0x3FA5] =	sst s6  }
0xf: {  	[smem:$0x3FA6] =	sst s7  }
0x10: {  	[smem:$0x3FA7] =	sst s8  }
0x11: {  	[smem:$0x3FA8] =	sst s9;
	s0 =	simm.s32 @!p0 $0x0  }
0x12: {  	s1 =	sld [smem:$0x3F8E];
	s0 =	simm.s32 @p0 $0x1  }
0x13: {  	[smem:$0x3FA9] =	sst s0;
	s0 =	simm.s32 @!p1 $0x0  }
0x14: {  	s2 =	sld [smem:$0x3F8D];
	s0 =	simm.s32 @p1 $0x1  }
0x15: {  	[smem:$0x3FAA] =	sst s0;
	s0 =	simm.s32 @!p2 $0x0  }
0x16: {  	s3 =	sld [smem:$0x3FDB];
	s0 =	simm.s32 @p2 $0x1  }
0x17: {  	s4 =	simm.s32 $0x1BF5;
	[smem:$0x3FAC] =	sst s0  }
0x18: {  	s0 =	sld [smem:$0x3F8F];
	_ =	swait.ge [sflag:s4], $0x0  }
0x19: {  	s7 =	sld [smem:$0x3F90]  }
0x1a: {  	s8 =	sadd.s32 $0xFFFFE003, lr  }
0x1b: {  	s9 =	sadd.s32 $0xFFFFFEF7, lr;
	s5 =	simm.s32 $0xFFFFFFFF;
	p2 =	slt.u32 s8, $0xFFFFF086  }
0x1c: {  	p1 =	slt.u32 s9, $0xF7A;
	s5 =	simm.s32 @!p2 $0x0  }
0x1d: {  	s5 =	simm.s32 @p1 $0x1;
	p0 =	seq.s32 s7, s2  }
0x1e: {  	s7 =	smul.u32 @!p0 $0xF7A, s2;
	p2 =	seq.s32 @!p0 s5, $0x0  }
0x1f: {  	s9 =	smul.u32 $0xF7A, s1;
	s8 =	simm.s32 @!p0 $0x1BF5;
	p2 =	por !p2, p0  }
0x20: {  	[sflag:s8] =	ssyncset.s32 @!p0 $0xFFFFF086;
	s6 =	sadd.s32 @!p0 s3, s7;
	s7 =	simm.s32 @!p0 $0x108  }
0x21: {  	s3 =	sadd.s32 s3, s9;
	s6 =	sadd.s32 @!p0 $0x88, s6;
	s7 =	simm.s32 @p2 $0x1082  }
0x22: {  	[simem:s7], [sflag:s8] =	dma.local @!p0 [hbm:s6], $0xF7A  }
0x23: {  	s9 =	sor.u32 $0xD0000000, s2;
	s6 =	simm.s32 $0x108;
	_ =	swait.ge @!p0 [sflag:s8], $0x0  }
0x24: {  	s3 =	sadd.s32 $0x88, s3;
	s6 =	simm.s32 @!p1 $0x1082;
	[sflag:s4] =	ssyncset.s32 $0xFFFFF086  }
0x25: {  	[simem:s6], [sflag:s4] =	dma.local [hbm:s3], $0xF7A  }
0x26: {  	[smem:$0x3F90] =	sst s1;
	(tag) =	ssettag s2;
	_ =	strace s9  }
0x27: {  	s1 =	sld [smem:$0x3FA0]  }
0x28: {  	s2 =	sld [smem:$0x3FA1]  }
0x29: {  	s4 =	sld [smem:$0x3FA3]  }
0x2a: {  	p0 =	seq.s32 s5, $0x0;
	s5 =	sld [smem:$0x3FA4]  }
0x2b: {  	s6 =	sld [smem:$0x3FA5]  }
0x2c: {  	s7 =	sld [smem:$0x3FA6]  }
0x2d: {  	s3 =	simm.s32 $0x108;
	s8 =	sld [smem:$0x3FA7]  }
0x2e: {  	s3 =	simm.s32 @!p0 $0x1082;
	s9 =	sld [smem:$0x3FA8]  }
0x2f: {  	lr =	sadd.s32 s0, s3;
	s0 =	sld [smem:$0x3F9F]  }
0x30: {  	s3 =	sld [smem:$0x3FA2]  }
0x31: {  	[smem:$0x3FAB] =	sst s10  }
0x32: {  	s10 =	sld [smem:$0x3FA9];
	_ =	sdelay $0x3  }
0x33: {  	p0 =	seq.s32 s10, $0x1;
	s10 =	sld [smem:$0x3FAB];
	_ =	sdelay $0x3  }
0x34: {  	[smem:$0x3FAB] =	sst s10  }
0x35: {  	s10 =	sld [smem:$0x3FAA];
	_ =	sdelay $0x3  }
0x36: {  	p1 =	seq.s32 s10, $0x1;
	s10 =	sld [smem:$0x3FAB];
	_ =	sdelay $0x3  }
0x37: {  	[smem:$0x3FAB] =	sst s10  }
0x38: {  	s10 =	sld [smem:$0x3FAC]  }
0x39: {  	_ = 	snop;
	(pc) =	sbr.ind lr, $3  }
0x3a: {  	_ = 	snop  }
0x3b: {  	_ = 	snop  }
0x3c: {  	p2 =	seq.s32 s10, $0x1;
	s10 =	sld [smem:$0x3FAB]  }
0x3d: {  	_ =	shalt  }
0x3e: {  	_ =	shalt  }
0x3f: {  	_ =	shalt  }
0x40: {  	_ =	shalt  }
0x41: {  	_ =	shalt  }
0x42: {  	_ =	shalt  }
0x43: {  	_ =	shalt  }
0x44: {  	_ =	shalt  }
0x45: {  	_ =	shalt  }
0x46: {  	_ =	shalt  }
0x47: {  	_ =	shalt  }
0x48: {  	_ =	shalt  }
0x49: {  	_ =	shalt  }
0x4a: {  	_ =	shalt  }
0x4b: {  	_ =	shalt  }
0x4c: {  	_ =	shalt  }
0x4d: {  	_ =	shalt  }
0x4e: {  	_ =	shalt  }
0x4f: {  	_ =	shalt  }
0x50: {  	_ =	shalt  }
0x51: {  	_ =	shalt  }
0x52: {  	_ =	shalt  }
0x53: {  	_ =	shalt  }
0x54: {  	_ =	shalt  }
0x55: {  	_ =	shalt  }
0x56: {  	_ =	shalt  }
0x57: {  	_ =	shalt  }
0x58: {  	_ =	shalt  }
0x59: {  	_ =	shalt  }
0x5a: {  	_ =	shalt  }
0x5b: {  	_ =	shalt  }
0x5c: {  	_ =	shalt  }
0x5d: {  	_ =	shalt  }
0x5e: {  	_ =	shalt  }
0x5f: {  	_ =	shalt  }
0x60: {  	_ =	shalt  }
0x61: {  	_ =	shalt  }
0x62: {  	_ =	shalt  }
0x63: {  	_ =	shalt  }
0x64: {  	_ =	shalt  }
0x65: {  	_ =	shalt  }
0x66: {  	_ =	shalt  }
0x67: {  	_ =	shalt  }
0x68: {  	_ =	shalt  }
0x69: {  	_ =	shalt  }
0x6a: {  	_ =	shalt  }
0x6b: {  	_ =	shalt  }
0x6c: {  	_ =	shalt  }
0x6d: {  	_ =	shalt  }
0x6e: {  	_ =	shalt  }
0x6f: {  	_ =	shalt  }
0x70: {  	_ =	shalt  }
0x71: {  	_ =	shalt  }
0x72: {  	_ =	shalt  }
0x73: {  	_ =	shalt  }
0x74: {  	_ =	shalt  }
0x75: {  	_ =	shalt  }
0x76: {  	_ =	shalt  }
0x77: {  	_ =	shalt  }
0x78: {  	_ =	shalt  }
0x79: {  	_ =	shalt  }
0x7a: {  	_ =	shalt  }
0x7b: {  	_ =	shalt  }
0x7c: {  	_ =	shalt  }
0x7d: {  	_ =	shalt  }
0x7e: {  	_ =	shalt  }
0x7f: {  	_ =	shalt  }
0x80: {  	_ =	shalt  }
0x81: {  	_ =	shalt  }
0x82: {  	_ =	shalt  }
0x83: {  	_ =	shalt  }
0x84: {  	_ =	shalt  }
0x85: {  	_ =	shalt  }
0x86: {  	_ =	shalt  }
0x87: {  	_ =	shalt  }
.Lfunc_end0:
.L_simem_size_0:
called_computation_lowered:
.L_overlay_start_0:
0x88: {  	s0 =	sld [smem:$0x3FD9]  }
0x89: {  	s1 =	sld [smem:$0x3FFE];
	_ =	sdelay $0x3  }
0x8a: {  	s0 =	sadd.s32 s1, s0  }
0x8b: {  	[smem:$0x3FB7] =	sst s0  }
0x8c: {  	_ = 	snop  }
0x8d: {  	(tm) =	ssettm $0x1  }
0x8e: {  	s15 =	sld [smem:$0x3FFB];
	_ =	sdelay $0x3  }
0x8f: {  	_ =	strace s15  }
0x90: {  	s0 =	sld [smem:$0x3FFC];
	_ =	sdelay $0x3  }
0x91: {  	_ =	strace s0  }
0x92: {  	s0 =	sld [smem:$0x3FFD];
	_ =	sdelay $0x3  }
0x93: {  	_ =	strace s0  }
0x94: {  	_ =	strace $0x8FFFFFFF  }
0x95: {  	s16 =	sld [smem:$0x3FDB];
	_ =	sdelay $0x1  }
0x96: {  	s17 =	simm.s32 $_scs_section_size  }
0x97: {  	s2 =	simm.s32 $_size__tile_overlayer_lowered;
	s3 =	simm.s32 $_tile_overlayer_lowered  }
0x98: {  	s20 =	simm.s32 $0x1BFF;
	s19 =	sshll.u32 s3, $0x1;
	s0 =	sadd.s32 s17, s16  }
0x99: {  	s4 =	simm.s32 $0x0;
	s18 =	sshll.u32 s2, $0x1;
	s2 =	sadd.s32 s19, s0  }
0x9a: {  	[timem:s4], [sflag:s20] =	dma.local [hbm:s2], s18  }
0x9b: {  	_ =	swait.ge [sflag:s20], s18  }
0x9c: {  	s1 =	ssub.s32 $0x0, s18;
	[sflag:s20] =	ssyncset.done $0x0  }
0x9d: {  	[sflag:s20] =	ssyncadd.s32 s1;
	_ =	sdelay $0x1  }
0x9e: {  	s21 =	simm.s32 $0x1B8B  }
0x9f: {  	_ =	swait.ge [sflag:s21], $0x1  }
0xa0: {  	[sflag:s21] =	ssyncset.done $0x0  }
0xa1: {  	s23 =	simm.s32 $0x1B8E;
	s22 =	sld [smem:$0x3FFE];
	[sflag:s21] =	ssyncadd.s32 $0xFFFFFFFF  }
0xa2: {  	s24 =	simm.s32 $execute0_lowered;
	[smem:$0x3FD2] =	sst s23  }
0xa3: {  	s2 =	sshll.u32 s24, $0x1;
	_ =	strace $0x80000046;
	[dreg:$0x1] =	wrdreg $0xFFFFFFFF  }
0xa4: {  	s25 =	simm.s32 $_size_execute0_lowered;
	s0 =	sadd.s32 s0, s2;
	[dreg:$0x0] =	wrdreg $0x0  }
0xa5: {  	s2 =	sshll.u32 s25, $0x1;
	[dreg:$0x2] =	wrdreg s0  }
0xa6: {  	[dreg:$0x3] =	wrdreg s2  }
0xa7: {  	[dreg:$0x4] =	wrdreg $0xC0  }
0xa8: {  	_ =	task [dreg:s4], $0x5FFFF  }
0xa9: {  	[dreg:$0x1] =	wrdreg $0xFFFFFFFF  }
0xaa: {  	[dreg:$0x0] =	wrdreg $0x60  }
0xab: {  	[dreg:$0x2] =	wrdreg s22  }
0xac: {  	[dreg:$0x3] =	wrdreg $0x9  }
0xad: {  	_ =	task.clear_ibuf [dreg:s4], $0x4FFFF;
	_ =	strace $0x90000046  }
0xae: {  	s26 =	simm.s32 $0x9;
	_ =	strace $0x80000048  }
0xaf: {  	_ =	swait.ge [sflag:s26], $0x1  }
0xb0: {  	[sflag:s26] =	ssyncadd.s32 $0xFFFFFFFF  }
0xb1: {  	_ =	strace $0x90000048  }
0xb2: {  	_ =	sfence  }
0xb3: {  	s28 =	sld [smem:$0x0];
	_ =	sdelay $0x1  }
0xb4: {  	s29 =	srdreg.scid  }
0xb5: {  	s30 =	sshll.u32 s29, $0xD;
	s31 =	sshrl.u32 s29, $0x2  }
0xb6: {  	s1 =	sand.u32 $0x1, s29;
	s2 =	sand.u32 $0x4000, s30;
	s0 =	sadd.s32 s31, s28  }
0xb7: {  	s1 =	sor.u32 s2, s1;
	s0 =	sshll.u32 s0, $0x11  }
0xb8: {  	s0 =	sor.u32 s0, s1  }
0xb9: {  	s0 =	sadd.s32 $0x8F2B, s0  }
0xba: {  	[sflag:s0] =	ssyncadd.remote.s32 $0x1  }
0xbb: {  	_ =	sfence.sel $0xFFFF  }
0xbc: {  	[dreg:$0x0] =	wrdreg $0xFFFFFFFF;
	(pc) =	sbr.abs _section_cstart, $3  }
0xbd: {  	[dreg:$0x1] =	wrdreg $0xFFFFFFFF  }
0xbe: {  	_ =	task.clear_ibuf [dreg:s4], $0x2FFFF;
	_ =	strace $0x9FFFFFFF  }
0xbf: {  	(tm) =	ssettm $0x7FFFFFFF  }
tec
execute0_lowered:
.L_overlay_start_1:
0x0: {  	(tag) =	ssettag $0x1  }
0x1: {  	s0 =	rddreg [dreg:$0x0]  }
0x2: {  	_ =	strace $0x80000047;
	s14 =	stileid.u32;
	s2 =	simm.s32 $0x1  }
0x3: {  	v1 =	vimm.s32 $0xFFFFFFFF;
	s1 =	smin.u32 s14, $0xB;
	s3 =	sshll.u32 s14, $0x2;
	[sflag:s2] =	ssyncpa.u1 $0x0  }
0x4: {  	s1 =	sadd.s32 s1, s3;
	[tilespmem:$0x10] =	vst v1  }
0x5: {  	v0 =	vimm.f32 $0.0e+00;
	p0 =	slt.u32 s14, $0xB;
	[tilespmem:$0x20] =	vst v1;
	s3 =	smul.u32 $0x1F40, s1;
	s1 =	simm.s32 $0x9C40  }
0x6: {  	[tilespmem:$0x30] =	vst v0;
	s1 =	simm.s32 @!p0 $0x7D00  }
0x7: {  	[tilespmem:$0x40] =	vst v0;
	s1 =	sadd.s32 s1, s3  }
0x8: {  	[tilespmem:$0x50] =	vst v0;
	s4 =	smin.u32 s1, $0x927C0  }
0x9: {  	[tilespmem:$0x60] =	vst v1;
	s9 =	ssub.s32 s4, s3  }
0xa: {  	s7 =	simm.s32 $0x2;
	s8 =	simm.s32 $0x8;
	[tilespmem:$0x70] =	vst v1;
	p0 =	sgt.s32 s9, $0x0  }
0xb: {  	s31 =	simm.s32 $0x9;
	s16 =	simm.s32 $0x0;
	[tilespmem:$0x80] =	vst v1;
	s9 =	simm.s32 @!p0 $0x0  }
0xc: {  	s17 =	simm.s32 $0xF0;
	s18 =	simm.s32 $0xFFFFFFFF;
	v1 =	vimm.s32 $0x0;
	[tilespmem:$0xB0] =	vst v0;
	s5 =	smulhi.u32 $0x10624DD3, s9  }
0xd: {  	s19 =	simm.s32 $0xFFFFC280;
	s20 =	simm.s32 $0xFFFFFFFE;
	s21 =	simm.s32 $0xF;
	[tilespmem:$0x90] =	vst v1  }
0xe: {  	[tilespmem:$0xA0] =	vst v1;
	[sflag:s7] =	ssyncpa.u1 $0x0;
	s7 =	simm.s32 $0x7;
	s10 =	sshrl.u32 s5, $0x9  }
0xf: {  	s25 =	simm.s32 $0x0;
	[sflag:s7] =	ssyncpa.u1 $0x0;
	s11 =	smul.u32 $0x1F40, s10  }
0x10: {  	s24 =	simm.s32 $0x0;
	s6 =	sadd.s32 $0x28600, s0;
	[sflag:s8] =	ssyncpa.u1 $0x0  }
.Ltmp0:
0x11: {  	s23 =	smov.u32 s3;
	p0 =	sne.s32 s9, s11;
	(pc) =	sbr.rel .LBB2_1-.Ltmp0, $4  }
0x12: {  	s1 =	sadd.s32 $0x3AC00, s0;
	[sflag:s31] =	ssyncpa.u1 $0x0;
	s2 =	simm.s32 @!p0 $0x0  }
0x13: {  	s5 =	sadd.s32 $0x16000, s0;
	p0 =	por $0x0, $0x0;
	s9 =	sadd.s32 s2, s10  }
0x14: {  	vm0 =	vmmov $0xffff;
	v2 =	vlaneseq.u32;
	s10 =	sshll.u32 s14, $0x1;
	s14 =	sshllo.u32 s14, $0x1;
	s11 =	sadd.s32 $0x1, s9  }
0x15: {  	vm1 =	vmxor vm1, vm1;
	vm2 =	vmmov $0x1;
	vm3 =	vcmask $0x3F3C;
	s12 =	sadd.s32 $0x2, s9;
	s13 =	sor.u32 $0x81, s10;
	s15 =	sor.u32 $0x80, s10  }
.LBB2_9:
0x16: {  	p1 =	slt.u32 s24, $0x3  }
0x17: {  	s0 =	simm.s32 @!p1 $0x2  }
0x18: {  	_ =	swait.ge @!p1 [sflag:s0], $0x1F40  }
0x19: {  	[sflag:s0] =	ssyncset.done @!p1 $0x0  }
0x1a: {  	[sflag:s0] =	ssyncadd.s32 @!p1 $0xFFFFE0C0;
	s0 =	simm.s32 @!p1 $0x9  }
0x1b: {  	_ =	swait.ge @!p1 [sflag:s0], $0x10  }
0x1c: {  	[sflag:s0] =	ssyncset.done @!p1 $0x0  }
0x1d: {  	[sflag:s0] =	ssyncadd.s32 @!p1 $0xFFFFFFF0;
	p1 =	sne.s32 s24, s12  }
.Ltmp1:
0x1e: {  	s2 =	sadd.s32 $0x1F40, s23;
	(pc) =	sbr.rel @!p1 .LBB2_10-.Ltmp1, $4  }
0x1f: {  	s22 =	smov.u32 s3;
	s31 =	sadd.s32 $0x1, s24;
	s17 =	sadd.s32 $0x1F40, s17  }
0x20: {  	s18 =	sadd.s32 $0x1, s18;
	s25 =	smov.u32 s23;
	p2 =	slt.s32 s2, s4  }
0x21: {  	p0 =	por !p0, !p0;
	s19 =	sadd.s32 $0x1F40, s19;
	s22 =	smov.u32 @p2 s2  }
0x22: {  	s20 =	sadd.s32 $0x1, s20;
	s23 =	smov.u32 s22;
	s24 =	smov.u32 s31  }
.LBB2_1:
0x23: {  	p1 =	sge.u32 s24, s9  }
0x24: {  	s0 =	smulhi.u32 @!p1 $0xAAAAAAAB, s24;
	_ =	sdelay $0x1  }
0x25: {  	s0 =	sshrl.u32 @!p1 s0, $0x1  }
0x26: {  	s0 =	smul.u32 @!p1 $0x3, s0;
	_ =	sdelay $0x1  }
0x27: {  	s0 =	ssub.s32 @!p1 s24, s0  }
0x28: {  	s0 =	smul.u32 @!p1 $0x7D00, s0;
	_ =	sdelay $0x1  }
0x29: {  	s2 =	sshrl.u32 @!p1 s23, $0x3;
	s0 =	sshrl.u32 @!p1 s0, $0x2  }
0x2a: {  	s22 =	sand.u32 @!p1 $0x7, s23;
	s2 =	sadd.s32 @!p1 s5, s2;
	s0 =	sadd.s32 @!p1 $0x100, s0  }
0x2b: {  	[tilespmem:s0], [sflag:$0x7] =	stream.linear.gather @!p1 [hbm4b:s2+s22], $0x1F40, $0x38;
	[tilespmem:$0x11A60] =	vst v63  }
0x2c: {  	s0 =	sadd.s32 $0xFFFFFFFF, s24  }
0x2d: {  	p1 =	sge.u32 s0, s9  }
.Ltmp2:
0x2e: {  	_ = 	snop;
	(pc) =	sbr.rel @p1 .LBB2_5-.Ltmp2, $1  }
0x2f: {  	_ =	sdelay $0x3  }
0x30: {  	s2 =	smulhi.u32 $0xAAAAAAAB, s0;
	_ =	sdelay $0x1  }
0x31: {  	s2 =	sshrl.u32 s2, $0x1  }
0x32: {  	s2 =	smul.u32 $0x3, s2;
	_ =	sdelay $0x1  }
0x33: {  	s2 =	ssub.s32 s0, s2  }
0x34: {  	s2 =	smul.u32 $0x7D00, s2  }
0x35: {  	_ =	swait.ge [sflag:s7], $0x1F40  }
0x36: {  	[sflag:s7] =	ssyncset.done $0x0;
	s2 =	sshrl.u32 s2, $0x2  }
0x37: {  	[sflag:s7] =	ssyncadd.s32 $0xFFFFE0C0;
	(ifvalue) =	ssetifvalue $0xFFFFFFFF;
	v3 =	vld.msk [tilespmem:s2+$0x100 ss:$0x1], $0xffff;
	_ =	sdelay $0x2  }
0x38: {  	s30 =	smulhi.u32 $0xAAAAAAAB, s18;
	p1 =	sne.s32 s24, $0x1  }
0x39: {  	v4 =	vimm.s32 @!p1 $0x0  }
0x3a: {  	s2 =	sshrl.u32 s30, $0x1;
	v4 =	vperm.xlane @!p1 v3, v4  }
0x3b: {  	s22 =	sshll.u32 s24, $0x4;
	s2 =	smul.u32 $0xFFFE8900, s2;
	vm4 =	vlt.u32 v3, $0xA000  }
0x3c: {  	s22 =	sand.u32 $0x10, s22;
	v3 =	vnsel vm4, $0xFFFFFFFE, v3;
	vm4 =	vlt.u32 @!p1 v4, $0xA000  }
0x3d: {  	s2 =	sshra.s32 s2, $0x2;
	[tilespmem:s22+$0x60] =	vst v3;
	v3 =	vnsel @!p1 vm4, $0xFFFFFFFE, v4  }
0x3e: {  	s28 =	sadd.s32 s2, s17;
	[tilespmem:$0x80] =	vst @!p1 v3  }
0x3f: {  	v3 =	vld.msk [tilespmem:s28+$0x0 ss:$0x1], $0xffff;
	_ =	sdelay $0x4  }
0x40: {  	(xrf1) =	vunique.msk.u32 $0xffff, v3;
	_ =	sdelay $0xd  }
0x41: {  	v4 =	vimm.s32 $0xFFFFFFFF;
	v5, _, _ =	vpop (xrf1)  }
0x42: {  	vm5 =	vne.s32 v3, v4;
	vm4 =	veq.s32 v5, v2  }
0x43: {  	vm6 =	vlt.u32 v3, $0xA000;
	vm4 =	vmand vm5, vm4  }
0x44: {  	vm4 =	vmand vm6, vm4  }
0x45: {  	v4 =	vnsel vm4, $0xFFFFFFFF, v3  }
0x46: {  	s31 =	sand.u32 $0x1, s0  }
0x47: {  	s0 =	simm.s32 $0x1F40;
	p1 =	seq.s32 s31, $0x1  }
0x48: {  	s0 =	simm.s32 @!p1 $0x0  }
0x49: {  	s26 =	sadd.s32 $0x7DF0, s0;
	(ifvalue) =	ssetifvalue $0xFFFFFFFF  }
0x4a: {  	v3 =	vperm.xlane v3, v1;
	[tilespmem:s26], [sflag:$0x8] =	stream.indirect_vreg.gather [hbm4b:s1+s16], $0x1, v4, vm0, $0x4038;
	v4 =	vnsel vm6, $0xFFFFFFFE, v4;
	[tilespmem:$0x11A60] =	vst v63  }
0x4b: {  	s2 =	simm.s32 $0x0;
	s22 =	sadd.s32 $0xFFFFFFF0, s28;
	[tilespmem:s28+$0x0] =	vst v4  }
.LBB2_3:
0x4c: {  	v4 =	vld.msk [tilespmem:s22+$0x0 ss:$0x1], $0xffff;
	s2 =	sadd.s32 $0x10, s2;
	v5 =	vmov v3;
	s28 =	smov.u32 s22  }
0x4d: {  	p1 =	slt.u32 s2, $0x1F30;
	_ =	sdelay $0x4  }
0x4e: {  	v3 =	vperm.xlane v4, v1;
	(xrf1) =	vunique.msk.u32 $0xffff, v4;
	_ =	sdelay $0xd  }
0x4f: {  	v6, _, _ =	vpop (xrf1)  }
0x50: {  	vm5 =	vne.s32 v4, v5;
	vm4 =	veq.s32 v6, v2  }
0x51: {  	vm6 =	vlt.u32 v4, $0xA000;
	vm4 =	vmand vm5, vm4  }
0x52: {  	vm4 =	vmand vm6, vm4  }
0x53: {  	v4 =	vnsel vm4, $0xFFFFFFFF, v4  }
.Ltmp3:
0x54: {  	v5 =	vnsel vm6, $0xFFFFFFFE, v4;
	(pc) =	sbr.rel @p1 .LBB2_3-.Ltmp3, $3  }
0x55: {  	_ =	sdelay $0x1  }
0x56: {  	s22 =	sadd.s32 $0xFFFFFFF0, s22;
	s26 =	sadd.s32 $0xFFFFFFF0, s26;
	(ifvalue) =	ssetifvalue $0xFFFFFFFF  }
0x57: {  	[tilespmem:s26], [sflag:$0x8] =	stream.indirect_vreg.gather [hbm4b:s1+s16], $0x1, v4, vm0, $0x4038;
	[tilespmem:s28+$0x0] =	vst v5  }
0x58: {  	s2 =	sshrl.u32 s25, $0x3  }
0x59: {  	s0 =	sadd.s32 $0x9D40, s0;
	s2 =	sadd.s32 s6, s2  }
0x5a: {  	[tilespmem:s0], [sflag:$0x8] =	stream.linear.gather [hbm:s2], $0x1F40, $0x38;
	[tilespmem:$0x11A60] =	vst v63  }
.LBB2_5:
0x5b: {  	p1 =	slt.u32 s24, $0x2  }
0x5c: {  	p2 =	sge.u32 @!p1 s24, s12  }
0x5d: {  	p1 =	por p1, p2  }
.Ltmp4:
0x5e: {  	_ = 	snop;
	(pc) =	sbr.rel @p1 .LBB2_9-.Ltmp4, $1  }
0x5f: {  	_ =	sdelay $0x3  }
0x60: {  	s0 =	sadd.s32 $0xFFFFFFFE, s24  }
0x61: {  	s2 =	smulhi.u32 $0xAAAAAAAB, s0;
	_ =	sdelay $0x1  }
0x62: {  	s2 =	sshrl.u32 s2, $0x1  }
0x63: {  	s2 =	smul.u32 $0x3, s2;
	_ =	sdelay $0x1  }
0x64: {  	s0 =	ssub.s32 s0, s2  }
0x65: {  	_ =	swait.ge [sflag:s8], $0x3E80;
	s0 =	smul.u32 $0x1F40, s0  }
0x66: {  	p1 =	sne.s32 s24, s11;
	[sflag:s8] =	ssyncset.done $0x0  }
0x67: {  	[sflag:s8] =	ssyncadd.s32 $0xFFFFC180;
	s2 =	sadd.s32 @!p1 $0x203F, s0  }
0x68: {  	[spmem:s13] =	stream.linear.scatter @!p1 [tilespmem:s2], [sflag:$0x1], $0x1, $0x38;
	[tilespmem:$0x11A60] =	vst v63  }
0x69: {  	s2 =	simm.s32 @!p1 $0x1  }
0x6a: {  	_ =	swait.ge @!p1 [sflag:s2], $0x1  }
0x6b: {  	s22 =	sshll.u32 s24, $0x4;
	[sflag:s2] =	ssyncset.done @!p1 $0x0  }
0x6c: {  	s25 =	sand.u32 $0x10, s22;
	[sflag:s2] =	ssyncadd.s32 @!p1 $0xFFFFFFFF  }
0x6d: {  	s2 =	sxor.u32 $0x10, s25;
	v4 =	vld [tilespmem:s25+$0x10]  }
0x6e: {  	v5 =	vld [tilespmem:s2+$0x60]  }
0x6f: {  	v3 =	vld [tilespmem:$0x80];
	_ =	sdelay $0x2  }
0x70: {  	(v2sf) =	vpush v4, $0x0  }
0x71: {  	(v2sf) =	vpush v5, $0x0  }
0x72: {  	(v2sf) =	vpush v3, $0x0;
	_ =	sdelay $0xc  }
0x73: {  	s22 =	spop (v2sf)  }
0x74: {  	s26 =	spop (v2sf)  }
0x75: {  	s28 =	spop (v2sf)  }
0x76: {  	p2 =	seq.s32 s22, s26;
	p3 =	seq.s32 s28, s22  }
0x77: {  	p3 =	por p2, p3  }
0x78: {  	s26 =	sand.u32 $0x1, s24;
	v4 =	vpsel p3, $0xFFFFFFFF, v4  }
0x79: {  	s29 =	smul.u32 $0x1F40, s26;
	[tilespmem:s25+$0x10] =	vst.msk $0x1, v4  }
0x7a: {  	v4 =	vld [tilespmem:$0x30]  }
0x7b: {  	v5 =	vld [tilespmem:s29+$0x9D40]  }
0x7c: {  	v6 =	vld [tilespmem:s25+$0x40];
	_ =	sdelay $0x3  }
0x7d: {  	vm4 =	vmmov vm1;
	v5 =	vadd.f32 v5, v4  }
0x7e: {  	vm5 =	vmmov vm2;
	vm4 =	vmmov @p2 vm2;
	s22 =	sshll.u32 s26, $0x4;
	v4 =	vadd.f32 v6, v4  }
0x7f: {  	s26 =	sor.u32 $0x11A40, s22;
	vm5 =	vmmov @p3 vm1;
	[tilespmem:s29+$0x9D40] =	vst.msk vm4, v5  }
0x80: {  	[tilespmem:s26+$0x0] =	vst.msk vm5, v4  }
0x81: {  	v4 =	vld [tilespmem:s29+$0x7DF0];
	_ =	sdelay $0x3  }
0x82: {  	v5 =	vimm.f32 $0.0e+00  }
0x83: {  	v4 =	vshift.insert v4, v5, s21  }
0x84: {  	s22 =	sor.u32 $0x40, s2  }
0x85: {  	[tilespmem:s22+$0x0] =	vst.msk $0x1, v4  }
0x86: {  	[tilespmem:s29+$0x7DFF] =	vst.msk $0x1, v5  }
0x87: {  	v4 =	vld [tilespmem:s0+$0x2030];
	_ =	sdelay $0x1  }
0x88: {  	s22 =	smulhi.u32 $0xAAAAAAAB, s20;
	s0 =	simm.s32 $0x1  }
0x89: {  	s0 =	simm.s32 @!p0 $0x0  }
0x8a: {  	s22 =	sshrl.u32 s22, $0x1;
	s0 =	smul.u32 $0x7D00, s0  }
0x8b: {  	s22 =	smul.u32 $0xFFFE8900, s22;
	v4 =	vshift.insert v4, v1, s21  }
0x8c: {  	s0 =	sshrl.u32 s0, $0x2  }
0x8d: {  	s22 =	sshra.s32 s22, $0x2;
	s30 =	sadd.s32 $0x9D40, s0;
	[tilespmem:s2+$0x10] =	vst.msk $0x1, v4  }
0x8e: {  	s22 =	sadd.s32 s22, s19;
	v6 =	vld [tilespmem:s30+$0x0]  }
0x8f: {  	v7 =	vld [tilespmem:s22+$0x0];
	_ =	sdelay $0x3  }
0x90: {  	v5 =	vadd.f32 v6, v5  }
0x91: {  	vm4 =	vne.s32 v7, $0xFFFFFFFF  }
0x92: {  	(xrf2) =	vadd.seg.scan.f32 vm4, v5;
	_ =	sdelay $0x3  }
0x93: {  	s31 =	sadd.s32 $0x5EC0, s0;
	v5 =	vperm.xlane v4, v1  }
0x94: {  	v6 =	vld [tilespmem:s31+$0x0]  }
0x95: {  	vm5 =	veq.s32 v7, v3;
	vm6 =	veq.s32 v7, v5  }
0x96: {  	vm7 =	vgt.u32 v7, $0xFFFFFFFD;
	vm6 =	vmor vm6, vm5  }
0x97: {  	vm6 =	vmor vm6, vm7  }
0x98: {  	v9 =	vld [tilespmem:$0xA0];
	v7 =	vsel vm6, $0xFFFFFFFF, v7  }
0x99: {  	v10 =	vld [tilespmem:$0x90];
	v6 =	vsel vm5, $0x0, v6;
	v8, _, _ =	vpop (xrf2)  }
0x9a: {  	v6 =	vadd.f32 v8, v6  }
0x9b: {  	s0 =	sadd.s32 $0xDBC0, s0  }
0x9c: {  	vm4 =	vmand vm4, vm3;
	[tilespmem:s0+$0x0] =	vst v6;
	(ifvalue) =	ssetifvalue $0xFFFFFFFF  }
0x9d: {  	vm6 =	veq.s32 v9, $0x1;
	[hbm4b:s1+s16] =	stream.indirect_vreg.scatter [tilespmem:s0], [sflag:$0x2], $0x1, v7, vm0, $0x4038;
	v7 =	vsel vm4, $0x0, v8;
	[tilespmem:$0x11A60] =	vst v63  }
0x9e: {  	s2 =	simm.s32 $0x0;
	s22 =	sadd.s32 $0x10, s22;
	vm4 =	vmor vm6, vm5;
	v6 =	vsel vm5, v8, v10;
	v7 =	vshift.insert v7, v0, s21  }
.LBB2_7:
0x9f: {  	v8 =	vld [tilespmem:s22+$0x0];
	s30 =	sadd.s32 $0x10, s30  }
0xa0: {  	s31 =	sadd.s32 $0x10, s31;
	v9 =	vld [tilespmem:s30+$0x0]  }
0xa1: {  	s2 =	sadd.s32 $0x10, s2;
	v10 =	vld [tilespmem:s31+$0x0]  }
0xa2: {  	p2 =	slt.u32 s2, $0x1F30;
	_ =	sdelay $0x2  }
0xa3: {  	v7 =	vadd.f32 v9, v7  }
0xa4: {  	vm5 =	vne.s32 v8, $0xFFFFFFFF  }
0xa5: {  	vm6 =	vmand vm5, vm3;
	(xrf2) =	vadd.seg.scan.f32 vm5, v7;
	_ =	sdelay $0x5  }
0xa6: {  	vm7 =	veq.s32 v8, v5;
	vm5 =	veq.s32 v8, v3  }
0xa7: {  	vm8 =	vgt.u32 v8, $0xFFFFFFFD;
	vm4 =	vmor vm4, vm5;
	vm7 =	vmor vm7, vm5  }
0xa8: {  	vm7 =	vmor vm7, vm8  }
0xa9: {  	v8 =	vsel vm7, $0xFFFFFFFF, v8  }
.Ltmp5:
0xaa: {  	v7 =	vsel vm5, $0x0, v10;
	v9, _, _ =	vpop (xrf2);
	(pc) =	sbr.rel @p2 .LBB2_7-.Ltmp5, $4  }
0xab: {  	v6 =	vsel vm5, v9, v6;
	v10 =	vadd.f32 v9, v7;
	v7 =	vsel vm6, $0x0, v9  }
0xac: {  	s0 =	sadd.s32 $0x10, s0;
	v7 =	vshift.insert v7, v0, s21  }
0xad: {  	s22 =	sadd.s32 $0x10, s22;
	[tilespmem:s0+$0x0] =	vst v10;
	(ifvalue) =	ssetifvalue $0xFFFFFFFF  }
0xae: {  	[hbm4b:s1+s16] =	stream.indirect_vreg.scatter [tilespmem:s0], [sflag:$0x2], $0x1, v8, vm0, $0x4038;
	[tilespmem:$0x11A60] =	vst v63  }
0xaf: {  	v3 =	vld [tilespmem:s29+$0xFAF0];
	_ =	sdelay $0x4  }
0xb0: {  	v3 =	vshift.insert v3, v0, s21  }
0xb1: {  	s0 =	simm.s32 $0x30  }
0xb2: {  	[tilespmem:s0+$0x0] =	vst.msk $0x1, v3  }
0xb3: {  	v3 =	vsel vm4, $0x1, v1;
	[tilespmem:$0x90] =	vst v6  }
0xb4: {  	s0 =	sadd.s32 @!p1 $0xFAFF, s29;
	[tilespmem:$0xA0] =	vst v3  }
0xb5: {  	[spmem:s14] =	stream.linear.scatter @!p1 [tilespmem:s0], [sflag:$0x1], $0x1, $0x38;
	[tilespmem:$0x11A60] =	vst v63  }
0xb6: {  	s0 =	simm.s32 @!p1 $0x1  }
0xb7: {  	v3 =	vmctz.xlane @!p1 vm4;
	_ =	swait.ge @!p1 [sflag:s0], $0x1  }
0xb8: {  	(v2sf) =	vpush @!p1 v4, $0x0  }
0xb9: {  	(v2sf) =	vpush @!p1 v3, $0x0;
	_ =	sdelay $0xd  }
0xba: {  	s2 =	spop @!p1 (v2sf)  }
0xbb: {  	s22 =	spop @!p1 (v2sf)  }
0xbc: {  	p2 =	sne.s32 @!p1 s28, s2;
	p3 =	slt.s32 @!p1 s22, $0xF  }
0xbd: {  	[sflag:s0] =	ssyncset.done @!p1 $0x0;
	p2 =	por p2, p1;
	p3 =	por !p3, p1  }
0xbe: {  	[sflag:s0] =	ssyncadd.s32 @!p1 $0xFFFFFFFF;
	v3 =	vimm.s32 @!p2 $0xFFFFFFFF;
	s22 =	simm.s32 @p3 $0xF  }
0xbf: {  	[tilespmem:$0x80] =	vst @!p2 v3;
	s2 =	sadd.s32 @!p1 $0x90, s22  }
0xc0: {  	[spmem:s10] =	stream.linear.scatter @!p1 [tilespmem:s2], [sflag:$0x1], $0x1, $0x38;
	[tilespmem:$0x11A60] =	vst v63  }
0xc1: {  	_ =	swait.ge @!p1 [sflag:s0], $0x1  }
0xc2: {  	[sflag:s0] =	ssyncset.done @!p1 $0x0  }
0xc3: {  	s2 =	simm.s32 @!p1 $0x80;
	[sflag:s0] =	ssyncadd.s32 @!p1 $0xFFFFFFFF  }
0xc4: {  	[spmem:s15] =	stream.linear.scatter @!p1 [tilespmem:s2], [sflag:$0x1], $0x1, $0x38;
	[tilespmem:$0x11A60] =	vst v63  }
0xc5: {  	_ =	swait.ge @!p1 [sflag:s0], $0x1  }
0xc6: {  	[sflag:s0] =	ssyncset.done @!p1 $0x0  }
0xc7: {  	[sflag:s0] =	ssyncadd.s32 @!p1 $0xFFFFFFFF;
	(ifvalue) =	ssetifvalue $0xFFFFFFFF;
	v3 =	vld [tilespmem:s25+$0x10];
	_ =	sdelay $0x3  }
.Ltmp6:
0xc8: {  	_ = 	snop;
	(pc) =	sbr.rel .LBB2_9-.Ltmp6, $3  }
0xc9: {  	_ =	sdelay $0x1  }
0xca: {  	(ifvalue) =	ssetifvalue $0xFFFFFFFF  }
0xcb: {  	[hbm4b:s1+s16] =	stream.indirect_vreg.scatter [tilespmem:s26], [sflag:$0x9], $0x1, v3, vm0, $0x4038;
	[tilespmem:$0x11A60] =	vst v63  }
.LBB2_10:
0xcc: {  	_ =	sfence.sel $0x180000  }
0xcd: {  	s0 =	simm.s32 $0x7;
	[bflag:$0x0] =	sbarrier.arrive $0xFFFF  }
0xce: {  	s26 =	simm.s32 $0x8;
	[sflag:s0] =	ssyncpa.u1 $0x1  }
0xcf: {  	s28 =	simm.s32 $0x9;
	[sflag:s26] =	ssyncpa.u1 $0x1  }
0xd0: {  	[sflag:s28] =	ssyncpa.u1 $0x1  }
0xd1: {  	_ =	sfence.stream.spmem  }
0xd2: {  	s29 =	simm.s32 $0x3;
	[bflag:$0x0] =	sbarrier.arrive $0xFFFF  }
0xd3: {  	s30 =	simm.s32 $0x4;
	[sflag:s29] =	ssyncpa.u1 $0x1  }
0xd4: {  	s31 =	simm.s32 $0x3C;
	s2 =	stileid.u32;
	[sflag:s30] =	ssyncpa.u1 $0x1  }
0xd5: {  	p0 =	sne.s32 s2, $0x0;
	[sflag:s31] =	ssyncpa.u1 $0x1  }
0xd6: {  	s0 =	simm.s32 @p0 $0x1;
	_ =	sfence @p0  }
0xd7: {  	[sflag:s0] =	ssyncpa.u1 @p0 $0x1;
	s0 =	simm.s32 @p0 $0x2  }
0xd8: {  	[sflag:s0] =	ssyncpa.u1 @p0 $0x1  }
0xd9: {  	_ =	strace @p0 $0x90000047  }
0xda: {  	[bflag:$0x2] =	sbarrier.arrive @p0 $0xFFFF  }
0xdb: {  	_ =	shalt @p0  }
.LBB2_11:
0xdc: {  	_ =	sfence.stream.spmem;
	s0 =	simm.s32 $0x5  }
0xdd: {  	s2 =	simm.s32 $0x80;
	s3 =	simm.s32 $0xC0;
	[sflag:s0] =	ssyncpa.u1 $0x0  }
0xde: {  	[tilespmem:s3], [sflag:$0x5] =	stream.linear.gather [spmem:s2], $0x20, $0x38;
	[tilespmem:$0x11A60] =	vst v63  }
0xdf: {  	s2 =	simm.s32 $0x0;
	s3 =	simm.s32 $0xE0  }
0xe0: {  	[tilespmem:s3], [sflag:$0x5] =	stream.linear.gather [spmem:s2], $0x20, $0x38;
	[tilespmem:$0x11A60] =	vst v63  }
.Ltmp7:
0xe1: {  	_ = 	snop;
	(pc) =	sbr.rel .LBB2_12-.Ltmp7, $4  }
0xe2: {  	_ =	swait.ge [sflag:s0], $0x40  }
0xe3: {  	[sflag:s0] =	ssyncset.done $0x0  }
0xe4: {  	s31 =	simm.s32 $0x6;
	[sflag:s0] =	ssyncadd.s32 $0xFFFFFFC0  }
0xe5: {  	s4 =	simm.s32 $0x0;
	[sflag:s31] =	ssyncpa.u1 $0x0  }
.LBB2_17:
0xe6: {  	p0 =	sgt.u32 s5, $0x9FFF  }
0xe7: {  	s0 =	sshrl.u32 @!p0 s5, $0x3  }
0xe8: {  	s5 =	sand.u32 @!p0 $0x7, s5;
	s6 =	simm.s32 @!p0 $0xB0;
	s0 =	sadd.s32 @!p0 s1, s0  }
0xe9: {  	[tilespmem:s6], [sflag:$0x6] =	stream.linear.gather @!p0 [hbm4b:s0+s5], $0x1, $0x38;
	[tilespmem:$0x11A60] =	vst v63  }
0xea: {  	s0 =	simm.s32 @!p0 $0x6  }
0xeb: {  	_ =	swait.ge @!p0 [sflag:s0], $0x1  }
0xec: {  	[sflag:s0] =	ssyncset.done @!p0 $0x0  }
0xed: {  	[sflag:s0] =	ssyncadd.s32 @!p0 $0xFFFFFFFF  }
0xee: {  	v2 =	vmov @!p0 s4;
	v1 =	vld.msk @!p0 [tilespmem:$0xB0], $0x1;
	_ =	sdelay $0x3  }
0xef: {  	s0 =	simm.s32 @!p0 $0xE0  }
0xf0: {  	[tilespmem:v2+s0+$0x0], v1 =	vst.idx.ret.add.f32.msk @!p0 $0x1, v1  }
0xf1: {  	[tilespmem:s2+$0xC0] =	vst.msk $0x1, v0  }
0xf2: {  	v0 =	vld.msk [tilespmem:s4+$0xE0], $0x1;
	_ =	sdelay $0x4  }
0xf3: {  	[tilespmem:s2+$0xE0] =	vst.msk $0x1, v0;
	s2 =	sadd.s32 $0x1, s2  }
.LBB2_19:
0xf4: {  	s4 =	sadd.s32 $0x1, s4  }
0xf5: {  	p0 =	sne.s32 s4, $0x20  }
.Ltmp8:
0xf6: {  	_ = 	snop;
	(pc) =	sbr.rel @!p0 .LBB2_20-.Ltmp8, $1  }
0xf7: {  	_ =	sdelay $0x3  }
.LBB2_12:
0xf8: {  	v0 =	vld.msk [tilespmem:s4+$0xC0], $0x1;
	_ =	sdelay $0x4  }
0xf9: {  	(v2sf) =	vpush v0, $0x0;
	_ =	sdelay $0xe  }
0xfa: {  	s5 =	spop (v2sf)  }
0xfb: {  	p0 =	seq.s32 s5, $0xFFFFFFFF  }
.Ltmp9:
0xfc: {  	_ = 	snop;
	(pc) =	sbr.rel @p0 .LBB2_19-.Ltmp9, $1  }
0xfd: {  	_ =	sdelay $0x3  }
0xfe: {  	p0 =	slt.s32 s2, $0x1  }
.Ltmp10:
0xff: {  	_ = 	snop;
	(pc) =	sbr.rel @p0 .LBB2_17-.Ltmp10, $1  }
0x100: {  	_ =	sdelay $0x3  }
0x101: {  	s0 =	simm.s32 $0xC0;
	p0 =	por $0x0, $0x0  }
0x102: {  	v1 =	vld.msk @!p0 [tilespmem:s0+$0x0], $0x1;
	_ =	sdelay $0x4  }
0x103: {  	(v2sf) =	vpush @!p0 v1, $0x0;
	_ =	sdelay $0xd  }
0x104: {  	p2 =	sne.s32 s2, $0x1  }
.Ltmp11:
0x105: {  	s6 =	spop @!p0 (v2sf);
	(pc) =	sbr.rel @!p2 .LBB2_16-.Ltmp11, $4  }
0x106: {  	p1 =	seq.s32 @!p0 s5, s6  }
0x107: {  	s6 =	simm.s32 $0x0;
	p1 =	por !p1, p0  }
0x108: {  	s8 =	simm.s32 $0xFFFFFFFF;
	s6 =	simm.s32 @p1 $0xFFFFFFFF  }
0x109: {  	s7 =	simm.s32 $0x1;
	s6 =	smov.u32 @p0 s8  }
.LBB2_15:
0x10a: {  	s8 =	smov.u32 s6;
	p0 =	sne.s32 s6, $0xFFFFFFFF  }
0x10b: {  	s0 =	sadd.s32 $0x1, s0;
	s6 =	smov.u32 s7;
	s7 =	sadd.s32 $0x1, s7  }
0x10c: {  	p1 =	sne.s32 s2, s7;
	v1 =	vld.msk @!p0 [tilespmem:s0+$0x0], $0x1;
	_ =	sdelay $0x4  }
0x10d: {  	(v2sf) =	vpush @!p0 v1, $0x0;
	_ =	sdelay $0xe  }
.Ltmp12:
0x10e: {  	s9 =	spop @!p0 (v2sf);
	(pc) =	sbr.rel @p1 .LBB2_15-.Ltmp12, $4  }
0x10f: {  	p2 =	seq.s32 @!p0 s5, s9  }
0x110: {  	p2 =	por !p2, p0  }
0x111: {  	s6 =	simm.s32 @p2 $0xFFFFFFFF  }
0x112: {  	s6 =	smov.u32 @p0 s8  }
.LBB2_16:
0x113: {  	p0 =	sne.s32 s6, $0xFFFFFFFF  }
.Ltmp13:
0x114: {  	_ = 	snop;
	(pc) =	sbr.rel @!p0 .LBB2_17-.Ltmp13, $1  }
0x115: {  	_ =	sdelay $0x3  }
0x116: {  	v0 =	vld.msk [tilespmem:s4+$0xE0], $0x1;
	v1 =	vmov s6  }
.Ltmp14:
0x117: {  	_ = 	snop;
	(pc) =	sbr.rel .LBB2_19-.Ltmp14, $2  }
0x118: {  	_ =	sdelay $0x2  }
0x119: {  	[tilespmem:v1+s3+$0x0], v0 =	vst.idx.ret.add.f32.msk $0x1, v0  }
.LBB2_20:
0x11a: {  	p0 =	slt.s32 s2, $0x1  }
.Ltmp15:
0x11b: {  	_ = 	snop;
	(pc) =	sbr.rel @p0 .LBB2_24-.Ltmp15, $3  }
0x11c: {  	_ =	sdelay $0x1  }
0x11d: {  	s0 =	simm.s32 $0x6  }
0x11e: {  	s3 =	simm.s32 $0x0;
	[sflag:s0] =	ssyncpa.u1 $0x1  }
0x11f: {  	s0 =	simm.s32 $0xC0  }
0x120: {  	v0 =	vld.msk [tilespmem:s0+$0x0], $0x1;
	_ =	sdelay $0x4  }
0x121: {  	(v2sf) =	vpush v0, $0x0;
	_ =	sdelay $0xe  }
0x122: {  	s2 =	sadd.s32 $0xFFFFFFFF, s2;
	s4 =	spop (v2sf)  }
0x123: {  	p1 =	sne.s32 s2, $0x0;
	p0 =	sgt.u32 s4, $0x9FFF  }
.Ltmp16:
0x124: {  	s5 =	sshrl.u32 @!p0 s4, $0x3;
	(pc) =	sbr.rel @!p1 .LBB2_23-.Ltmp16, $4  }
0x125: {  	s0 =	simm.s32 $0xE0;
	s4 =	sand.u32 @!p0 $0x7, s4;
	s5 =	sadd.s32 @!p0 s1, s5  }
0x126: {  	[hbm4b:s5+s4] =	stream.linear.scatter @!p0 [tilespmem:s0], [sflag:$0x5], $0x1, $0x38;
	[tilespmem:$0x11A60] =	vst v63  }
0x127: {  	s5 =	simm.s32 $0x0  }
0x128: {  	s4 =	simm.s32 $0xC1;
	s5 =	simm.s32 @!p0 $0x4  }
.LBB2_22:
0x129: {  	v0 =	vld.msk [tilespmem:s4+$0x0], $0x1;
	s2 =	sadd.s32 $0xFFFFFFFF, s2;
	s3 =	sadd.s32 s3, s5  }
0x12a: {  	p0 =	sne.s32 s2, $0x0;
	_ =	sdelay $0x3  }
0x12b: {  	(v2sf) =	vpush v0, $0x0;
	_ =	sdelay $0xe  }
.Ltmp17:
0x12c: {  	s6 =	spop (v2sf);
	(pc) =	sbr.rel @p0 .LBB2_22-.Ltmp17, $4  }
0x12d: {  	s5 =	simm.s32 $0x0;
	p1 =	sgt.u32 s6, $0x9FFF  }
0x12e: {  	s0 =	sadd.s32 $0x1, s0;
	s5 =	simm.s32 @!p1 $0x4;
	s7 =	sshrl.u32 @!p1 s6, $0x3  }
0x12f: {  	s4 =	sadd.s32 $0x1, s4;
	s6 =	sand.u32 @!p1 $0x7, s6;
	s7 =	sadd.s32 @!p1 s1, s7  }
0x130: {  	[hbm4b:s7+s6] =	stream.linear.scatter @!p1 [tilespmem:s0], [sflag:$0x5], $0x1, $0x38;
	[tilespmem:$0x11A60] =	vst v63  }
.LBB2_23:
0x131: {  	s0 =	sadd.s32 s3, s5  }
0x132: {  	s3 =	sshrl.u32 s0, $0x2  }
.LBB2_24:
0x133: {  	s0 =	simm.s32 $0x5  }
0x134: {  	_ =	swait.ge [sflag:s0], s3  }
0x135: {  	s1 =	ssub.s32 $0x0, s3;
	[sflag:s0] =	ssyncset.done $0x0  }
0x136: {  	[sflag:s0] =	ssyncadd.s32 s1  }
0x137: {  	[sflag:s0] =	ssyncpa.u1 $0x1  }
0x138: {  	s29 =	simm.s32 $0x1;
	_ =	sfence  }
0x139: {  	s30 =	simm.s32 $0x2;
	[sflag:s29] =	ssyncpa.u1 $0x1  }
0x13a: {  	[sflag:s30] =	ssyncpa.u1 $0x1  }
0x13b: {  	_ =	strace $0x90000047  }
0x13c: {  	[bflag:$0x2] =	sbarrier.arrive $0xFFFF  }
0x13d: {  	s31 =	rddreg [dreg:$0x1]  }
0x13e: {  	s0 =	sadd.s32 $0x100000, s31  }
0x13f: {  	[sflag:s0] =	ssyncadd.tile.s32 $0x1;
	_ =	shalt  }
.Lfunc_end2:
_tile_overlayer_lowered:
.L_overlay_start_2:
0x140: {  	(tag) =	ssettag $0x2  }
0x141: {  	s0 =	rddreg [dreg:$0x0];
	s2 =	stileid.u32  }
0x142: {  	s1 =	rddreg [dreg:$0x1];
	p0 =	sne.s32 s2, $0x0  }
0x143: {  	s3 =	rddreg [dreg:$0x2];
	[bflag:$0x3] =	sbarrier.arrive $0xFFFF;
	s2 =	simm.s32 @!p0 $0x1C01  }
0x144: {  	[timem:s3], [sflag:s2] =	dma.local @!p0 [hbm:s0], s1  }
0x145: {  	s0 =	simm.s32 @!p0 $0x1  }
0x146: {  	_ =	swait.ge @!p0 [sflag:s0], s1  }
0x147: {  	s1 =	ssub.s32 @!p0 $0x0, s1;
	[sflag:s0] =	ssyncset.done @!p0 $0x0  }
0x148: {  	[sflag:s0] =	ssyncadd.s32 @!p0 s1  }
0x149: {  	[bflag:$0x3] =	sbarrier.arrive $0xFFFF  }
0x14a: {  	_ =	shalt  }

</sc_bundles>
